<compile_context>
chip_gen: v7x
topology: tpu7x:2x2x1
jax: 0.10.2.dev20260603
libtpu: 0.0.44.dev20260713+nightly
codegen_flags: <defaults>
</compile_context>

<pallas_src>
import functools

import jax
import jax.numpy as jnp
from jax import lax
from jax.experimental import pallas as pl
from jax.experimental.pallas import tpu as pltpu
from jax.experimental.pallas import tpu_sc as plsc

NC = 2
NS = 16
NW = NC * NS


def _sc_mesh():
    return plsc.VectorSubcoreMesh(core_axis_name="c", subcore_axis_name="s")


def _make_gather(n_nodes, n_edges, d, k):
    epw = n_edges // NW
    c = min(epw, 1000)
    n_chunks = epw // c

    @functools.partial(
        pl.kernel,
        mesh=_sc_mesh(),
        out_type=(
            jax.ShapeDtypeStruct((n_edges, d), jnp.float32),
            jax.ShapeDtypeStruct((n_edges, 2 * k), jnp.float32),
        ),
        scratch_types=[
            pltpu.VMEM((c,), jnp.int32),
            pltpu.VMEM((c, d), jnp.float32),
            pltpu.VMEM((k, c), jnp.float32),
            pltpu.VMEM((c, 2 * k), jnp.float32),
            pltpu.SemaphoreType.DMA,
        ],
        compiler_params=pltpu.CompilerParams(
            use_tc_tiling_on_sc=False, needs_layout_passes=False),
    )
    def gather_k(node_hbm, src_hbm, eat_hbm, nb_hbm, earm_hbm,
                 idx_v, rows_v, eat_v, earow_v, sem):
        wid = lax.axis_index("s") * NC + lax.axis_index("c")
        row_iota = lax.iota(jnp.int32, 16)
        zvec = jnp.zeros((16,), jnp.float32)
        onehot = (row_iota == 0).astype(jnp.float32)

        def _zero_row(r, carry):
            earow_v[r, pl.ds(0, k)] = zvec
            earow_v[r, pl.ds(k, k)] = onehot
            return carry

        lax.fori_loop(0, c, _zero_row, 0)

        for i in range(n_chunks):
            base = wid * epw + i * c
            pltpu.sync_copy(src_hbm.at[pl.ds(base, c)], idx_v)
            cp = pltpu.async_copy(node_hbm.at[idx_v], rows_v, sem)
            pltpu.sync_copy(eat_hbm.at[:, pl.ds(base, c)], eat_v)

            def _tr(g16, col0):
                col = col0
                for u in range(16):
                    e = g16 * 16 + u
                    vals = plsc.load_gather(eat_v, [row_iota, col])
                    earow_v[e, pl.ds(0, k)] = vals
                    col = col + 1
                return col

            lax.fori_loop(0, c // 16, _tr, jnp.zeros((16,), jnp.int32))
            pltpu.sync_copy(earow_v, earm_hbm.at[pl.ds(base, c)])
            cp.wait()
            pltpu.sync_copy(rows_v, nb_hbm.at[pl.ds(base, c)])

    return gather_k


def _tc_transform_body(nbp_ref, eap_ref, wt_ref, g_ref, f_ref, out_ref):
    nbp = nbp_ref[...].astype(jnp.bfloat16)
    eap = eap_ref[...].astype(jnp.bfloat16)
    y = jnp.dot(nbp, wt_ref[...],
                preferred_element_type=jnp.float32).astype(jnp.bfloat16)
    c = jnp.dot(eap, g_ref[...],
                preferred_element_type=jnp.float32).astype(jnp.bfloat16)
    out_ref[...] = jnp.dot(y * c, f_ref[...], preferred_element_type=jnp.float32)


def _tc_transform(nbp, eap, wt, g, f):
    ep, w = nbp.shape
    bp = 800
    grid = ep // bp
    return pl.pallas_call(
        _tc_transform_body,
        grid=(grid,),
        in_specs=[
            pl.BlockSpec((bp, w), lambda i: (i, 0)),
            pl.BlockSpec((bp, eap.shape[1]), lambda i: (i, 0)),
            pl.BlockSpec(wt.shape, lambda i: (0, 0)),
            pl.BlockSpec(g.shape, lambda i: (0, 0)),
            pl.BlockSpec(f.shape, lambda i: (0, 0)),
        ],
        out_specs=pl.BlockSpec((bp, w), lambda i: (i, 0)),
        out_shape=jax.ShapeDtypeStruct((ep, w), jnp.float32),
    )(nbp, eap, wt, g, f)


def _make_scatter(n_nodes, n_edges, d):
    epw = n_edges // NW
    c = min(epw, 1000)
    n_chunks = epw // c
    stripe = n_nodes // NS

    @functools.partial(
        pl.kernel,
        mesh=_sc_mesh(),
        out_type=jax.ShapeDtypeStruct((NC, n_nodes, d), jnp.float32),
        scratch_types=[
            pltpu.VMEM((c,), jnp.int32),
            pltpu.VMEM((c, d), jnp.float32),
            pltpu.VMEM((stripe, d), jnp.float32),
            pltpu.VMEM_SHARED((n_nodes, d), jnp.float32),
        ],
        compiler_params=pltpu.CompilerParams(use_tc_tiling_on_sc=False),
    )
    def scatter_k(rows_hbm, dst_hbm, out_hbm, idx_v, rows_v, zbuf_v, acc_sh):
        cid = lax.axis_index("c")
        sid = lax.axis_index("s")
        wid = sid * NC + cid

        zvec = jnp.zeros((16,), jnp.float32)

        def _zero_row(r, carry):
            for h in range(d // 16):
                zbuf_v[r, pl.ds(h * 16, 16)] = zvec
            return carry

        lax.fori_loop(0, stripe, _zero_row, 0)
        pltpu.sync_copy(zbuf_v, acc_sh.at[pl.ds(sid * stripe, stripe)])
        plsc.subcore_barrier()

        for i in range(n_chunks):
            base = wid * epw + i * c
            pltpu.sync_copy(dst_hbm.at[pl.ds(base, c)], idx_v)
            pltpu.sync_copy(rows_hbm.at[pl.ds(base, c)], rows_v)
            pltpu.sync_copy(rows_v, acc_sh.at[idx_v], add=True)

        plsc.subcore_barrier()
        pltpu.sync_copy(
            acc_sh.at[pl.ds(sid * stripe, stripe)],
            out_hbm.at[cid, pl.ds(sid * stripe, stripe)],
        )

    return scatter_k


def _tc_sum_body(pp_ref, out_ref):
    out_ref[...] = pp_ref[0] + pp_ref[1]


def _tc_sum(pp):
    _, n, d = pp.shape
    return pl.pallas_call(
        _tc_sum_body,
        in_specs=[pl.BlockSpec((2, n, d), lambda: (0, 0, 0))],
        out_specs=pl.BlockSpec((n, d), lambda: (0, 0)),
        out_shape=jax.ShapeDtypeStruct((n, d), jnp.float32),
    )(pp)


def kernel(node_attr, edge_attr, pair_indices, kernel, bias):
    n_nodes, d = node_attr.shape
    n_edges, k = edge_attr.shape

    dst = pair_indices[:, 0].astype(jnp.int32)
    src = pair_indices[:, 1].astype(jnp.int32)

    wt_main = kernel.reshape(k, d, d).transpose(2, 0, 1).reshape(d, k * d)
    wt_bias = bias.reshape(d, d).T
    wt = jnp.concatenate([wt_main, wt_bias], axis=1)

    kk = jnp.arange(k)
    cols = jnp.arange((k + 1) * d)
    g = (cols[None, :] // d == kk[:, None]).astype(jnp.float32)
    ii = jnp.arange(d)
    f = (cols[:, None] % d == ii[None, :]).astype(jnp.float32)
    eye4 = jnp.eye(4, dtype=jnp.float32)
    wt_big = jnp.kron(eye4, wt).astype(jnp.bfloat16)
    m1row = (cols[None, :] >= k * d).astype(jnp.float32)
    gpad = jnp.concatenate(
        [g, m1row, jnp.zeros((d - k - 1, (k + 1) * d), jnp.float32)], 0)
    g_big = jnp.kron(eye4, gpad).astype(jnp.bfloat16)
    f_big = jnp.kron(eye4, f).astype(jnp.bfloat16)

    nb, earm = _make_gather(n_nodes, n_edges, d, k)(node_attr, src, edge_attr.T)
    nbp = nb.reshape(n_edges // 4, 4 * d)
    eap = earm.reshape(n_edges // 4, 8 * k)
    tp = _tc_transform(nbp, eap, wt_big, g_big, f_big)
    transformed = tp.reshape(n_edges, d)
    parts = _make_scatter(n_nodes, n_edges, d)(transformed, dst)
    pp = parts.reshape(2, n_nodes // 4, 4 * d)
    outp = _tc_sum(pp)
    return outp.reshape(n_nodes, d)

# --- scband reference (transcript-rebuilt; emitter-appended) ---
"""Pipeline reference for scband-edge-network-283467842194 (READ-ONLY COPY).

The authoritative reference and input builder live on the scoring server;
editing this copy changes nothing except your own understanding.
"""

import jax, jax.numpy as jnp
import numpy as np

N_NODES = 10000
N_EDGES = 160000
NODE_DIM = 32
EDGE_DIM = 16


def setup_inputs(seed: int = 0) -> dict:
    key = jax.random.key(seed)
    k1, k2, k3, k4, k5 = jax.random.split(key, 5)
    node_attr = jax.random.normal(k1, (N_NODES, NODE_DIM), dtype=jnp.float32)
    edge_attr = jax.random.normal(k2, (N_EDGES, EDGE_DIM), dtype=jnp.float32)
    pair_indices = jax.random.randint(k3, (N_EDGES, 2), 0, N_NODES, dtype=jnp.int64 if jax.config.jax_enable_x64 else jnp.int32)
    # learned parameters (glorot uniform kernel, zero bias)
    fan_in, fan_out = EDGE_DIM, NODE_DIM * NODE_DIM
    limit = float(np.sqrt(6.0 / (fan_in + fan_out)))
    kernel = jax.random.uniform(k4, (EDGE_DIM, NODE_DIM * NODE_DIM), dtype=jnp.float32, minval=-limit, maxval=limit)
    bias = jnp.zeros((NODE_DIM * NODE_DIM,), dtype=jnp.float32)
    return {"node_attr": node_attr, "edge_attr": edge_attr, "pair_indices": pair_indices, "kernel": kernel, "bias": bias}


def reference(node_attr, edge_attr, pair_indices, kernel, bias):
    node_dim = node_attr.shape[-1]
    num_nodes = node_attr.shape[0]
    # edge_attr -> per-edge transformation matrix
    ea = jnp.matmul(edge_attr, kernel) + bias
    ea = ea.reshape(-1, node_dim, node_dim)
    # gather neighbor (source of message) node features
    node_attr_neighbors = jnp.take(node_attr, pair_indices[:, 1], axis=0)
    node_attr_neighbors = jnp.expand_dims(node_attr_neighbors, axis=-1)
    transformed = jnp.matmul(ea, node_attr_neighbors)
    transformed = jnp.squeeze(transformed, axis=-1)
    # scatter-add messages into destination nodes
    aggregated = jax.ops.segment_sum(transformed, pair_indices[:, 0], num_segments=num_nodes)
    return aggregated

if __name__ == "__main__":
    import jax
    _d = setup_inputs()
    print(jax.jit(kernel)(*tuple(_d.values())))

</pallas_src>

<mosaic_0001>
#map = affine_map<(d0, d1) -> (0, 0)>
#map1 = affine_map<(d0, d1) -> (0)>
module attributes {stable_mosaic.version = 14 : i64} {
  func.func @gather_k(%arg0: i32, %arg1: i32, %arg2: memref<10000x32xf32, #tpu.memory_space<hbm>>, %arg3: memref<160000xi32, #tpu.memory_space<hbm>>, %arg4: memref<16x160000xf32, #tpu.memory_space<hbm>>, %arg5: memref<160000x32xf32, #tpu.memory_space<hbm>>, %arg6: memref<160000x32xf32, #tpu.memory_space<hbm>>, %arg7: memref<1000xi32, #tpu.memory_space<vmem>>, %arg8: memref<1000x32xf32, #tpu.memory_space<vmem>>, %arg9: memref<16x1000xf32, #tpu.memory_space<vmem>>, %arg10: memref<1000x32xf32, #tpu.memory_space<vmem>>, %arg11: memref<!tpu.dma_semaphore, #tpu.memory_space<semaphore_mem>>) attributes {dimension_semantics = [#tpu.dimension_semantics<core_parallel>, #tpu.dimension_semantics<subcore_parallel>], iteration_bounds = array<i64: 2, 16>, scalar_prefetch = 0 : i64, scratch_operands = 5 : i64, tpu.core_type = #tpu.core_type<sc_vector_subcore>, window_params = [{transform_indices = #map}, {transform_indices = #map1}, {transform_indices = #map}, {transform_indices = #map}, {transform_indices = #map}]} {
    %mul3A = arith.constant 2 : i32
    %mul3A_0 = arith.muli %arg1, %mul3A : i32
    %add3A = arith.addi %mul3A_0, %arg0 : i32
    %iota3A = tpu.iota {dimensions = array<i32: 0>} : vector<16xi32>
    %broadcast_in_dim3A = arith.constant 0.000000e+00 : f32
    %broadcast_in_dim3A_1 = vector.broadcast %broadcast_in_dim3A : f32 to vector<16xf32>
    %eq3A = arith.constant 0 : i32
    %eq3A_2 = vector.broadcast %eq3A : i32 to vector<16xi32>
    %eq3A_3 = arith.cmpi eq, %iota3A, %eq3A_2 : vector<16xi32>
    %convert_element_type3A = arith.extui %eq3A_3 : vector<16xi1> to vector<16xi32>
    %convert_element_type3A_4 = arith.sitofp %convert_element_type3A : vector<16xi32> to vector<16xf32>
    %scan3A = arith.constant 0 : i32
    %scan3A_5 = arith.constant 0 : i32
    %scan3A_6 = arith.constant 1000 : i32
    %scan3A_7 = arith.addi %scan3A_5, %scan3A_6 : i32
    %scan3A_8 = arith.constant 1 : i32
    scf.for %scan3A_98 = %scan3A_5 to %scan3A_7 step %scan3A_8  : i32 {
      %swap3A = arith.index_cast %scan3A_98 : i32 to index
      %swap3A_99 = arith.constant 0 : index
      %swap3A_100 = tpu.vector_load %arg10[%swap3A, %swap3A_99] {strides = array<i32>} : memref<1000x32xf32, #tpu.memory_space<vmem>>, vector<16xf32>,
      tpu.vector_store %arg10[%swap3A, %swap3A_99], %broadcast_in_dim3A_1 {strides = array<i32>} : memref<1000x32xf32, #tpu.memory_space<vmem>>, vector<16xf32>,
      %swap3A_101 = arith.index_cast %scan3A_98 : i32 to index
      %swap3A_102 = arith.constant 16 : index
      %swap3A_103 = tpu.vector_load %arg10[%swap3A_101, %swap3A_102] {strides = array<i32>} : memref<1000x32xf32, #tpu.memory_space<vmem>>, vector<16xf32>,
      tpu.vector_store %arg10[%swap3A_101, %swap3A_102], %convert_element_type3A_4 {strides = array<i32>} : memref<1000x32xf32, #tpu.memory_space<vmem>>, vector<16xf32>,
    }
    %scan3A_9 = arith.constant 1000 : i32
    %mul3A_10 = arith.constant 5000 : i32
    %mul3A_11 = arith.muli %add3A, %mul3A_10 : i32
    %add3A_12 = arith.constant 0 : i32
    %add3A_13 = arith.addi %mul3A_11, %add3A_12 : i32
    "tpu.region"() ({
      %run_scoped3A = tpu.sem_alloc : memref<!tpu.dma_semaphore, #tpu.memory_space<semaphore_mem>>
      %dma_start3A_98 = tpu.memref_slice %arg3[%add3A_13] : memref<160000xi32, #tpu.memory_space<hbm>> -> memref<1000xi32, #tpu.memory_space<hbm>>
      %dma_start3A_99 = tpu.memref_slice %arg3[%add3A_13] : memref<160000xi32, #tpu.memory_space<hbm>> -> memref<1000xi32, #tpu.memory_space<hbm>>
      tpu.enqueue_dma source(%dma_start3A_99 : memref<1000xi32, #tpu.memory_space<hbm>>) target(%arg7 : memref<1000xi32, #tpu.memory_space<vmem>>) target_semaphore(%run_scoped3A : memref<!tpu.dma_semaphore, #tpu.memory_space<semaphore_mem>>)
      %dma_wait3A_100 = tpu.memref_slice %arg3[%add3A_13] : memref<160000xi32, #tpu.memory_space<hbm>> -> memref<1000xi32, #tpu.memory_space<hbm>>
      %dma_wait3A_101 = tpu.memref_slice %arg3[%add3A_13] : memref<160000xi32, #tpu.memory_space<hbm>> -> memref<1000xi32, #tpu.memory_space<hbm>>
      tpu.wait_dma2 semaphore(%run_scoped3A : memref<!tpu.dma_semaphore, #tpu.memory_space<semaphore_mem>>) src(%dma_wait3A_101 : memref<1000xi32, #tpu.memory_space<hbm>>) dst(%arg7 : memref<1000xi32, #tpu.memory_space<vmem>>)
      tpu.yield
    }) : () -> ()
    %dma_start3A = arith.constant 0 : i32
    %dma_start3A_14 = arith.constant 0 : i32
    %dma_start3A_15 = tpu.memref_slice %arg2[%dma_start3A, %dma_start3A_14] : memref<10000x32xf32, #tpu.memory_space<hbm>> -> memref<10000x32xf32, #tpu.memory_space<hbm>>
    tpu.enqueue_indirect_dma source(%dma_start3A_15 : memref<10000x32xf32, #tpu.memory_space<hbm>>) target(%arg8 : memref<1000x32xf32, #tpu.memory_space<vmem>>) offsets(%arg7 : memref<1000xi32, #tpu.memory_space<vmem>>) semaphore(%arg11 : memref<!tpu.dma_semaphore, #tpu.memory_space<semaphore_mem>>)
    "tpu.region"() ({
      %run_scoped3A = tpu.sem_alloc : memref<!tpu.dma_semaphore, #tpu.memory_space<semaphore_mem>>
      %dma_start3A_98 = arith.constant 0 : i32
      %dma_start3A_99 = tpu.memref_slice %arg4[%dma_start3A_98, %add3A_13] : memref<16x160000xf32, #tpu.memory_space<hbm>> -> memref<16x1000xf32, #tpu.memory_space<hbm>>
      %dma_start3A_100 = arith.constant 0 : i32
      %dma_start3A_101 = tpu.memref_slice %arg4[%dma_start3A_100, %add3A_13] : memref<16x160000xf32, #tpu.memory_space<hbm>> -> memref<16x1000xf32, #tpu.memory_space<hbm>>
      tpu.enqueue_dma source(%dma_start3A_101 : memref<16x1000xf32, #tpu.memory_space<hbm>>) target(%arg9 : memref<16x1000xf32, #tpu.memory_space<vmem>>) target_semaphore(%run_scoped3A : memref<!tpu.dma_semaphore, #tpu.memory_space<semaphore_mem>>)
      %dma_wait3A_102 = arith.constant 0 : i32
      %dma_wait3A_103 = tpu.memref_slice %arg4[%dma_wait3A_102, %add3A_13] : memref<16x160000xf32, #tpu.memory_space<hbm>> -> memref<16x1000xf32, #tpu.memory_space<hbm>>
      %dma_wait3A_104 = arith.constant 0 : i32
      %dma_wait3A_105 = tpu.memref_slice %arg4[%dma_wait3A_104, %add3A_13] : memref<16x160000xf32, #tpu.memory_space<hbm>> -> memref<16x1000xf32, #tpu.memory_space<hbm>>
      tpu.wait_dma2 semaphore(%run_scoped3A : memref<!tpu.dma_semaphore, #tpu.memory_space<semaphore_mem>>) src(%dma_wait3A_105 : memref<16x1000xf32, #tpu.memory_space<hbm>>) dst(%arg9 : memref<16x1000xf32, #tpu.memory_space<vmem>>)
      tpu.yield
    }) : () -> ()
    %broadcast_in_dim3A_16 = arith.constant 0 : i32
    %broadcast_in_dim3A_17 = vector.broadcast %broadcast_in_dim3A_16 : i32 to vector<16xi32>
    %scan3A_18 = arith.constant 0 : i32
    %scan3A_19 = arith.constant 62 : i32
    %scan3A_20 = arith.addi %scan3A_18, %scan3A_19 : i32
    %scan3A_21 = arith.constant 1 : i32
    %scan3A_22 = scf.for %scan3A_98 = %scan3A_18 to %scan3A_20 step %scan3A_21 iter_args(%scan3A_99 = %broadcast_in_dim3A_17) -> (vector<16xi32>)  : i32 {
      %mul3A_100 = arith.constant 16 : i32
      %mul3A_101 = arith.muli %scan3A_98, %mul3A_100 : i32
      %add3A_102 = arith.constant 0 : i32
      %add3A_103 = arith.addi %mul3A_101, %add3A_102 : i32
      %gather3A = tpu.vector_load_idx %arg9[%iota3A, %scan3A_99] : memref<16x1000xf32, #tpu.memory_space<vmem>>[vector<16xi32>, vector<16xi32>], vector<16xf32>,
      %swap3A = arith.index_cast %add3A_103 : i32 to index
      %swap3A_104 = arith.constant 0 : index
      %swap3A_105 = tpu.vector_load %arg10[%swap3A, %swap3A_104] {strides = array<i32>} : memref<1000x32xf32, #tpu.memory_space<vmem>>, vector<16xf32>,
      tpu.vector_store %arg10[%swap3A, %swap3A_104], %gather3A {strides = array<i32>} : memref<1000x32xf32, #tpu.memory_space<vmem>>, vector<16xf32>,
      %add3A_106 = arith.constant 1 : i32
      %add3A_107 = vector.broadcast %add3A_106 : i32 to vector<16xi32>
      %add3A_108 = arith.addi %scan3A_99, %add3A_107 : vector<16xi32>
      %mul3A_109 = arith.constant 16 : i32
      %mul3A_110 = arith.muli %scan3A_98, %mul3A_109 : i32
      %add3A_111 = arith.constant 1 : i32
      %add3A_112 = arith.addi %mul3A_110, %add3A_111 : i32
      %gather3A_113 = tpu.vector_load_idx %arg9[%iota3A, %add3A_108] : memref<16x1000xf32, #tpu.memory_space<vmem>>[vector<16xi32>, vector<16xi32>], vector<16xf32>,
      %swap3A_114 = arith.index_cast %add3A_112 : i32 to index
      %swap3A_115 = arith.constant 0 : index
      %swap3A_116 = tpu.vector_load %arg10[%swap3A_114, %swap3A_115] {strides = array<i32>} : memref<1000x32xf32, #tpu.memory_space<vmem>>, vector<16xf32>,
      tpu.vector_store %arg10[%swap3A_114, %swap3A_115], %gather3A_113 {strides = array<i32>} : memref<1000x32xf32, #tpu.memory_space<vmem>>, vector<16xf32>,
      %add3A_117 = arith.constant 1 : i32
      %add3A_118 = vector.broadcast %add3A_117 : i32 to vector<16xi32>
      %add3A_119 = arith.addi %add3A_108, %add3A_118 : vector<16xi32>
      %mul3A_120 = arith.constant 16 : i32
      %mul3A_121 = arith.muli %scan3A_98, %mul3A_120 : i32
      %add3A_122 = arith.constant 2 : i32
      %add3A_123 = arith.addi %mul3A_121, %add3A_122 : i32
      %gather3A_124 = tpu.vector_load_idx %arg9[%iota3A, %add3A_119] : memref<16x1000xf32, #tpu.memory_space<vmem>>[vector<16xi32>, vector<16xi32>], vector<16xf32>,
      %swap3A_125 = arith.index_cast %add3A_123 : i32 to index
      %swap3A_126 = arith.constant 0 : index
      %swap3A_127 = tpu.vector_load %arg10[%swap3A_125, %swap3A_126] {strides = array<i32>} : memref<1000x32xf32, #tpu.memory_space<vmem>>, vector<16xf32>,
      tpu.vector_store %arg10[%swap3A_125, %swap3A_126], %gather3A_124 {strides = array<i32>} : memref<1000x32xf32, #tpu.memory_space<vmem>>, vector<16xf32>,
      %add3A_128 = arith.constant 1 : i32
      %add3A_129 = vector.broadcast %add3A_128 : i32 to vector<16xi32>
      %add3A_130 = arith.addi %add3A_119, %add3A_129 : vector<16xi32>
      %mul3A_131 = arith.constant 16 : i32
      %mul3A_132 = arith.muli %scan3A_98, %mul3A_131 : i32
      %add3A_133 = arith.constant 3 : i32
      %add3A_134 = arith.addi %mul3A_132, %add3A_133 : i32
      %gather3A_135 = tpu.vector_load_idx %arg9[%iota3A, %add3A_130] : memref<16x1000xf32, #tpu.memory_space<vmem>>[vector<16xi32>, vector<16xi32>], vector<16xf32>,
      %swap3A_136 = arith.index_cast %add3A_134 : i32 to index
      %swap3A_137 = arith.constant 0 : index
      %swap3A_138 = tpu.vector_load %arg10[%swap3A_136, %swap3A_137] {strides = array<i32>} : memref<1000x32xf32, #tpu.memory_space<vmem>>, vector<16xf32>,
      tpu.vector_store %arg10[%swap3A_136, %swap3A_137], %gather3A_135 {strides = array<i32>} : memref<1000x32xf32, #tpu.memory_space<vmem>>, vector<16xf32>,
      %add3A_139 = arith.constant 1 : i32
      %add3A_140 = vector.broadcast %add3A_139 : i32 to vector<16xi32>
      %add3A_141 = arith.addi %add3A_130, %add3A_140 : vector<16xi32>
      %mul3A_142 = arith.constant 16 : i32
      %mul3A_143 = arith.muli %scan3A_98, %mul3A_142 : i32
      %add3A_144 = arith.constant 4 : i32
      %add3A_145 = arith.addi %mul3A_143, %add3A_144 : i32
      %gather3A_146 = tpu.vector_load_idx %arg9[%iota3A, %add3A_141] : memref<16x1000xf32, #tpu.memory_space<vmem>>[vector<16xi32>, vector<16xi32>], vector<16xf32>,
      %swap3A_147 = arith.index_cast %add3A_145 : i32 to index
      %swap3A_148 = arith.constant 0 : index
      %swap3A_149 = tpu.vector_load %arg10[%swap3A_147, %swap3A_148] {strides = array<i32>} : memref<1000x32xf32, #tpu.memory_space<vmem>>, vector<16xf32>,
      tpu.vector_store %arg10[%swap3A_147, %swap3A_148], %gather3A_146 {strides = array<i32>} : memref<1000x32xf32, #tpu.memory_space<vmem>>, vector<16xf32>,
      %add3A_150 = arith.constant 1 : i32
      %add3A_151 = vector.broadcast %add3A_150 : i32 to vector<16xi32>
      %add3A_152 = arith.addi %add3A_141, %add3A_151 : vector<16xi32>
      %mul3A_153 = arith.constant 16 : i32
      %mul3A_154 = arith.muli %scan3A_98, %mul3A_153 : i32
      %add3A_155 = arith.constant 5 : i32
      %add3A_156 = arith.addi %mul3A_154, %add3A_155 : i32
      %gather3A_157 = tpu.vector_load_idx %arg9[%iota3A, %add3A_152] : memref<16x1000xf32, #tpu.memory_space<vmem>>[vector<16xi32>, vector<16xi32>], vector<16xf32>,
      %swap3A_158 = arith.index_cast %add3A_156 : i32 to index
      %swap3A_159 = arith.constant 0 : index
      %swap3A_160 = tpu.vector_load %arg10[%swap3A_158, %swap3A_159] {strides = array<i32>} : memref<1000x32xf32, #tpu.memory_space<vmem>>, vector<16xf32>,
      tpu.vector_store %arg10[%swap3A_158, %swap3A_159], %gather3A_157 {strides = array<i32>} : memref<1000x32xf32, #tpu.memory_space<vmem>>, vector<16xf32>,
      %add3A_161 = arith.constant 1 : i32
      %add3A_162 = vector.broadcast %add3A_161 : i32 to vector<16xi32>
      %add3A_163 = arith.addi %add3A_152, %add3A_162 : vector<16xi32>
      %mul3A_164 = arith.constant 16 : i32
      %mul3A_165 = arith.muli %scan3A_98, %mul3A_164 : i32
      %add3A_166 = arith.constant 6 : i32
      %add3A_167 = arith.addi %mul3A_165, %add3A_166 : i32
      %gather3A_168 = tpu.vector_load_idx %arg9[%iota3A, %add3A_163] : memref<16x1000xf32, #tpu.memory_space<vmem>>[vector<16xi32>, vector<16xi32>], vector<16xf32>,
      %swap3A_169 = arith.index_cast %add3A_167 : i32 to index
      %swap3A_170 = arith.constant 0 : index
      %swap3A_171 = tpu.vector_load %arg10[%swap3A_169, %swap3A_170] {strides = array<i32>} : memref<1000x32xf32, #tpu.memory_space<vmem>>, vector<16xf32>,
      tpu.vector_store %arg10[%swap3A_169, %swap3A_170], %gather3A_168 {strides = array<i32>} : memref<1000x32xf32, #tpu.memory_space<vmem>>, vector<16xf32>,
      %add3A_172 = arith.constant 1 : i32
      %add3A_173 = vector.broadcast %add3A_172 : i32 to vector<16xi32>
      %add3A_174 = arith.addi %add3A_163, %add3A_173 : vector<16xi32>
      %mul3A_175 = arith.constant 16 : i32
      %mul3A_176 = arith.muli %scan3A_98, %mul3A_175 : i32
      %add3A_177 = arith.constant 7 : i32
      %add3A_178 = arith.addi %mul3A_176, %add3A_177 : i32
      %gather3A_179 = tpu.vector_load_idx %arg9[%iota3A, %add3A_174] : memref<16x1000xf32, #tpu.memory_space<vmem>>[vector<16xi32>, vector<16xi32>], vector<16xf32>,
      %swap3A_180 = arith.index_cast %add3A_178 : i32 to index
      %swap3A_181 = arith.constant 0 : index
      %swap3A_182 = tpu.vector_load %arg10[%swap3A_180, %swap3A_181] {strides = array<i32>} : memref<1000x32xf32, #tpu.memory_space<vmem>>, vector<16xf32>,
      tpu.vector_store %arg10[%swap3A_180, %swap3A_181], %gather3A_179 {strides = array<i32>} : memref<1000x32xf32, #tpu.memory_space<vmem>>, vector<16xf32>,
      %add3A_183 = arith.constant 1 : i32
      %add3A_184 = vector.broadcast %add3A_183 : i32 to vector<16xi32>
      %add3A_185 = arith.addi %add3A_174, %add3A_184 : vector<16xi32>
      %mul3A_186 = arith.constant 16 : i32
      %mul3A_187 = arith.muli %scan3A_98, %mul3A_186 : i32
      %add3A_188 = arith.constant 8 : i32
      %add3A_189 = arith.addi %mul3A_187, %add3A_188 : i32
      %gather3A_190 = tpu.vector_load_idx %arg9[%iota3A, %add3A_185] : memref<16x1000xf32, #tpu.memory_space<vmem>>[vector<16xi32>, vector<16xi32>], vector<16xf32>,
      %swap3A_191 = arith.index_cast %add3A_189 : i32 to index
      %swap3A_192 = arith.constant 0 : index
      %swap3A_193 = tpu.vector_load %arg10[%swap3A_191, %swap3A_192] {strides = array<i32>} : memref<1000x32xf32, #tpu.memory_space<vmem>>, vector<16xf32>,
      tpu.vector_store %arg10[%swap3A_191, %swap3A_192], %gather3A_190 {strides = array<i32>} : memref<1000x32xf32, #tpu.memory_space<vmem>>, vector<16xf32>,
      %add3A_194 = arith.constant 1 : i32
      %add3A_195 = vector.broadcast %add3A_194 : i32 to vector<16xi32>
      %add3A_196 = arith.addi %add3A_185, %add3A_195 : vector<16xi32>
      %mul3A_197 = arith.constant 16 : i32
      %mul3A_198 = arith.muli %scan3A_98, %mul3A_197 : i32
      %add3A_199 = arith.constant 9 : i32
      %add3A_200 = arith.addi %mul3A_198, %add3A_199 : i32
      %gather3A_201 = tpu.vector_load_idx %arg9[%iota3A, %add3A_196] : memref<16x1000xf32, #tpu.memory_space<vmem>>[vector<16xi32>, vector<16xi32>], vector<16xf32>,
      %swap3A_202 = arith.index_cast %add3A_200 : i32 to index
      %swap3A_203 = arith.constant 0 : index
      %swap3A_204 = tpu.vector_load %arg10[%swap3A_202, %swap3A_203] {strides = array<i32>} : memref<1000x32xf32, #tpu.memory_space<vmem>>, vector<16xf32>,
      tpu.vector_store %arg10[%swap3A_202, %swap3A_203], %gather3A_201 {strides = array<i32>} : memref<1000x32xf32, #tpu.memory_space<vmem>>, vector<16xf32>,
      %add3A_205 = arith.constant 1 : i32
      %add3A_206 = vector.broadcast %add3A_205 : i32 to vector<16xi32>
      %add3A_207 = arith.addi %add3A_196, %add3A_206 : vector<16xi32>
      %mul3A_208 = arith.constant 16 : i32
      %mul3A_209 = arith.muli %scan3A_98, %mul3A_208 : i32
      %add3A_210 = arith.constant 10 : i32
      %add3A_211 = arith.addi %mul3A_209, %add3A_210 : i32
      %gather3A_212 = tpu.vector_load_idx %arg9[%iota3A, %add3A_207] : memref<16x1000xf32, #tpu.memory_space<vmem>>[vector<16xi32>, vector<16xi32>], vector<16xf32>,
      %swap3A_213 = arith.index_cast %add3A_211 : i32 to index
      %swap3A_214 = arith.constant 0 : index
      %swap3A_215 = tpu.vector_load %arg10[%swap3A_213, %swap3A_214] {strides = array<i32>} : memref<1000x32xf32, #tpu.memory_space<vmem>>, vector<16xf32>,
      tpu.vector_store %arg10[%swap3A_213, %swap3A_214], %gather3A_212 {strides = array<i32>} : memref<1000x32xf32, #tpu.memory_space<vmem>>, vector<16xf32>,
      %add3A_216 = arith.constant 1 : i32
      %add3A_217 = vector.broadcast %add3A_216 : i32 to vector<16xi32>
      %add3A_218 = arith.addi %add3A_207, %add3A_217 : vector<16xi32>
      %mul3A_219 = arith.constant 16 : i32
      %mul3A_220 = arith.muli %scan3A_98, %mul3A_219 : i32
      %add3A_221 = arith.constant 11 : i32
      %add3A_222 = arith.addi %mul3A_220, %add3A_221 : i32
      %gather3A_223 = tpu.vector_load_idx %arg9[%iota3A, %add3A_218] : memref<16x1000xf32, #tpu.memory_space<vmem>>[vector<16xi32>, vector<16xi32>], vector<16xf32>,
      %swap3A_224 = arith.index_cast %add3A_222 : i32 to index
      %swap3A_225 = arith.constant 0 : index
      %swap3A_226 = tpu.vector_load %arg10[%swap3A_224, %swap3A_225] {strides = array<i32>} : memref<1000x32xf32, #tpu.memory_space<vmem>>, vector<16xf32>,
      tpu.vector_store %arg10[%swap3A_224, %swap3A_225], %gather3A_223 {strides = array<i32>} : memref<1000x32xf32, #tpu.memory_space<vmem>>, vector<16xf32>,
      %add3A_227 = arith.constant 1 : i32
      %add3A_228 = vector.broadcast %add3A_227 : i32 to vector<16xi32>
      %add3A_229 = arith.addi %add3A_218, %add3A_228 : vector<16xi32>
      %mul3A_230 = arith.constant 16 : i32
      %mul3A_231 = arith.muli %scan3A_98, %mul3A_230 : i32
      %add3A_232 = arith.constant 12 : i32
      %add3A_233 = arith.addi %mul3A_231, %add3A_232 : i32
      %gather3A_234 = tpu.vector_load_idx %arg9[%iota3A, %add3A_229] : memref<16x1000xf32, #tpu.memory_space<vmem>>[vector<16xi32>, vector<16xi32>], vector<16xf32>,
      %swap3A_235 = arith.index_cast %add3A_233 : i32 to index
      %swap3A_236 = arith.constant 0 : index
      %swap3A_237 = tpu.vector_load %arg10[%swap3A_235, %swap3A_236] {strides = array<i32>} : memref<1000x32xf32, #tpu.memory_space<vmem>>, vector<16xf32>,
      tpu.vector_store %arg10[%swap3A_235, %swap3A_236], %gather3A_234 {strides = array<i32>} : memref<1000x32xf32, #tpu.memory_space<vmem>>, vector<16xf32>,
      %add3A_238 = arith.constant 1 : i32
      %add3A_239 = vector.broadcast %add3A_238 : i32 to vector<16xi32>
      %add3A_240 = arith.addi %add3A_229, %add3A_239 : vector<16xi32>
      %mul3A_241 = arith.constant 16 : i32
      %mul3A_242 = arith.muli %scan3A_98, %mul3A_241 : i32
      %add3A_243 = arith.constant 13 : i32
      %add3A_244 = arith.addi %mul3A_242, %add3A_243 : i32
      %gather3A_245 = tpu.vector_load_idx %arg9[%iota3A, %add3A_240] : memref<16x1000xf32, #tpu.memory_space<vmem>>[vector<16xi32>, vector<16xi32>], vector<16xf32>,
      %swap3A_246 = arith.index_cast %add3A_244 : i32 to index
      %swap3A_247 = arith.constant 0 : index
      %swap3A_248 = tpu.vector_load %arg10[%swap3A_246, %swap3A_247] {strides = array<i32>} : memref<1000x32xf32, #tpu.memory_space<vmem>>, vector<16xf32>,
      tpu.vector_store %arg10[%swap3A_246, %swap3A_247], %gather3A_245 {strides = array<i32>} : memref<1000x32xf32, #tpu.memory_space<vmem>>, vector<16xf32>,
      %add3A_249 = arith.constant 1 : i32
      %add3A_250 = vector.broadcast %add3A_249 : i32 to vector<16xi32>
      %add3A_251 = arith.addi %add3A_240, %add3A_250 : vector<16xi32>
      %mul3A_252 = arith.constant 16 : i32
      %mul3A_253 = arith.muli %scan3A_98, %mul3A_252 : i32
      %add3A_254 = arith.constant 14 : i32
      %add3A_255 = arith.addi %mul3A_253, %add3A_254 : i32
      %gather3A_256 = tpu.vector_load_idx %arg9[%iota3A, %add3A_251] : memref<16x1000xf32, #tpu.memory_space<vmem>>[vector<16xi32>, vector<16xi32>], vector<16xf32>,
      %swap3A_257 = arith.index_cast %add3A_255 : i32 to index
      %swap3A_258 = arith.constant 0 : index
      %swap3A_259 = tpu.vector_load %arg10[%swap3A_257, %swap3A_258] {strides = array<i32>} : memref<1000x32xf32, #tpu.memory_space<vmem>>, vector<16xf32>,
      tpu.vector_store %arg10[%swap3A_257, %swap3A_258], %gather3A_256 {strides = array<i32>} : memref<1000x32xf32, #tpu.memory_space<vmem>>, vector<16xf32>,
      %add3A_260 = arith.constant 1 : i32
      %add3A_261 = vector.broadcast %add3A_260 : i32 to vector<16xi32>
      %add3A_262 = arith.addi %add3A_251, %add3A_261 : vector<16xi32>
      %mul3A_263 = arith.constant 16 : i32
      %mul3A_264 = arith.muli %scan3A_98, %mul3A_263 : i32
      %add3A_265 = arith.constant 15 : i32
      %add3A_266 = arith.addi %mul3A_264, %add3A_265 : i32
      %gather3A_267 = tpu.vector_load_idx %arg9[%iota3A, %add3A_262] : memref<16x1000xf32, #tpu.memory_space<vmem>>[vector<16xi32>, vector<16xi32>], vector<16xf32>,
      %swap3A_268 = arith.index_cast %add3A_266 : i32 to index
      %swap3A_269 = arith.constant 0 : index
      %swap3A_270 = tpu.vector_load %arg10[%swap3A_268, %swap3A_269] {strides = array<i32>} : memref<1000x32xf32, #tpu.memory_space<vmem>>, vector<16xf32>,
      tpu.vector_store %arg10[%swap3A_268, %swap3A_269], %gather3A_267 {strides = array<i32>} : memref<1000x32xf32, #tpu.memory_space<vmem>>, vector<16xf32>,
      %add3A_271 = arith.constant 1 : i32
      %add3A_272 = vector.broadcast %add3A_271 : i32 to vector<16xi32>
      %add3A_273 = arith.addi %add3A_262, %add3A_272 : vector<16xi32>
      scf.yield %add3A_273 : vector<16xi32>
    }
    %scan3A_23 = arith.constant 62 : i32
    "tpu.region"() ({
      %run_scoped3A = tpu.sem_alloc : memref<!tpu.dma_semaphore, #tpu.memory_space<semaphore_mem>>
      %dma_start3A_98 = arith.constant 0 : i32
      %dma_start3A_99 = tpu.memref_slice %arg6[%add3A_13, %dma_start3A_98] : memref<160000x32xf32, #tpu.memory_space<hbm>> -> memref<1000x32xf32, #tpu.memory_space<hbm>>
      %dma_start3A_100 = arith.constant 0 : i32
      %dma_start3A_101 = tpu.memref_slice %arg6[%add3A_13, %dma_start3A_100] : memref<160000x32xf32, #tpu.memory_space<hbm>> -> memref<1000x32xf32, #tpu.memory_space<hbm>>
      tpu.enqueue_dma source(%arg10 : memref<1000x32xf32, #tpu.memory_space<vmem>>) target(%dma_start3A_101 : memref<1000x32xf32, #tpu.memory_space<hbm>>) target_semaphore(%run_scoped3A : memref<!tpu.dma_semaphore, #tpu.memory_space<semaphore_mem>>)
      %dma_wait3A_102 = arith.constant 0 : i32
      %dma_wait3A_103 = tpu.memref_slice %arg6[%add3A_13, %dma_wait3A_102] : memref<160000x32xf32, #tpu.memory_space<hbm>> -> memref<1000x32xf32, #tpu.memory_space<hbm>>
      %dma_wait3A_104 = arith.constant 0 : i32
      %dma_wait3A_105 = tpu.memref_slice %arg6[%add3A_13, %dma_wait3A_104] : memref<160000x32xf32, #tpu.memory_space<hbm>> -> memref<1000x32xf32, #tpu.memory_space<hbm>>
      tpu.wait_dma2 semaphore(%run_scoped3A : memref<!tpu.dma_semaphore, #tpu.memory_space<semaphore_mem>>) src(%arg10 : memref<1000x32xf32, #tpu.memory_space<vmem>>) dst(%dma_wait3A_105 : memref<1000x32xf32, #tpu.memory_space<hbm>>)
      tpu.yield
    }) : () -> ()
    %dma_wait3A = arith.constant 0 : i32
    %dma_wait3A_24 = arith.constant 0 : i32
    %dma_wait3A_25 = tpu.memref_slice %arg2[%dma_wait3A, %dma_wait3A_24] : memref<10000x32xf32, #tpu.memory_space<hbm>> -> memref<10000x32xf32, #tpu.memory_space<hbm>>
    tpu.wait_indirect_dma semaphore(%arg11 : memref<!tpu.dma_semaphore, #tpu.memory_space<semaphore_mem>>) src(%dma_wait3A_25 : memref<10000x32xf32, #tpu.memory_space<hbm>>) dst(%arg8 : memref<1000x32xf32, #tpu.memory_space<vmem>>)
    "tpu.region"() ({
      %run_scoped3A = tpu.sem_alloc : memref<!tpu.dma_semaphore, #tpu.memory_space<semaphore_mem>>
      %dma_start3A_98 = arith.constant 0 : i32
      %dma_start3A_99 = tpu.memref_slice %arg5[%add3A_13, %dma_start3A_98] : memref<160000x32xf32, #tpu.memory_space<hbm>> -> memref<1000x32xf32, #tpu.memory_space<hbm>>
      %dma_start3A_100 = arith.constant 0 : i32
      %dma_start3A_101 = tpu.memref_slice %arg5[%add3A_13, %dma_start3A_100] : memref<160000x32xf32, #tpu.memory_space<hbm>> -> memref<1000x32xf32, #tpu.memory_space<hbm>>
      tpu.enqueue_dma source(%arg8 : memref<1000x32xf32, #tpu.memory_space<vmem>>) target(%dma_start3A_101 : memref<1000x32xf32, #tpu.memory_space<hbm>>) target_semaphore(%run_scoped3A : memref<!tpu.dma_semaphore, #tpu.memory_space<semaphore_mem>>)
      %dma_wait3A_102 = arith.constant 0 : i32
      %dma_wait3A_103 = tpu.memref_slice %arg5[%add3A_13, %dma_wait3A_102] : memref<160000x32xf32, #tpu.memory_space<hbm>> -> memref<1000x32xf32, #tpu.memory_space<hbm>>
      %dma_wait3A_104 = arith.constant 0 : i32
      %dma_wait3A_105 = tpu.memref_slice %arg5[%add3A_13, %dma_wait3A_104] : memref<160000x32xf32, #tpu.memory_space<hbm>> -> memref<1000x32xf32, #tpu.memory_space<hbm>>
      tpu.wait_dma2 semaphore(%run_scoped3A : memref<!tpu.dma_semaphore, #tpu.memory_space<semaphore_mem>>) src(%arg8 : memref<1000x32xf32, #tpu.memory_space<vmem>>) dst(%dma_wait3A_105 : memref<1000x32xf32, #tpu.memory_space<hbm>>)
      tpu.yield
    }) : () -> ()
    %mul3A_26 = arith.constant 5000 : i32
    %mul3A_27 = arith.muli %add3A, %mul3A_26 : i32
    %add3A_28 = arith.constant 1000 : i32
    %add3A_29 = arith.addi %mul3A_27, %add3A_28 : i32
    "tpu.region"() ({
      %run_scoped3A = tpu.sem_alloc : memref<!tpu.dma_semaphore, #tpu.memory_space<semaphore_mem>>
      %dma_start3A_98 = tpu.memref_slice %arg3[%add3A_29] : memref<160000xi32, #tpu.memory_space<hbm>> -> memref<1000xi32, #tpu.memory_space<hbm>>
      %dma_start3A_99 = tpu.memref_slice %arg3[%add3A_29] : memref<160000xi32, #tpu.memory_space<hbm>> -> memref<1000xi32, #tpu.memory_space<hbm>>
      tpu.enqueue_dma source(%dma_start3A_99 : memref<1000xi32, #tpu.memory_space<hbm>>) target(%arg7 : memref<1000xi32, #tpu.memory_space<vmem>>) target_semaphore(%run_scoped3A : memref<!tpu.dma_semaphore, #tpu.memory_space<semaphore_mem>>)
      %dma_wait3A_100 = tpu.memref_slice %arg3[%add3A_29] : memref<160000xi32, #tpu.memory_space<hbm>> -> memref<1000xi32, #tpu.memory_space<hbm>>
      %dma_wait3A_101 = tpu.memref_slice %arg3[%add3A_29] : memref<160000xi32, #tpu.memory_space<hbm>> -> memref<1000xi32, #tpu.memory_space<hbm>>
      tpu.wait_dma2 semaphore(%run_scoped3A : memref<!tpu.dma_semaphore, #tpu.memory_space<semaphore_mem>>) src(%dma_wait3A_101 : memref<1000xi32, #tpu.memory_space<hbm>>) dst(%arg7 : memref<1000xi32, #tpu.memory_space<vmem>>)
      tpu.yield
    }) : () -> ()
    %dma_start3A_30 = arith.constant 0 : i32
    %dma_start3A_31 = arith.constant 0 : i32
    %dma_start3A_32 = tpu.memref_slice %arg2[%dma_start3A_30, %dma_start3A_31] : memref<10000x32xf32, #tpu.memory_space<hbm>> -> memref<10000x32xf32, #tpu.memory_space<hbm>>
    tpu.enqueue_indirect_dma source(%dma_start3A_32 : memref<10000x32xf32, #tpu.memory_space<hbm>>) target(%arg8 : memref<1000x32xf32, #tpu.memory_space<vmem>>) offsets(%arg7 : memref<1000xi32, #tpu.memory_space<vmem>>) semaphore(%arg11 : memref<!tpu.dma_semaphore, #tpu.memory_space<semaphore_mem>>)
    "tpu.region"() ({
      %run_scoped3A = tpu.sem_alloc : memref<!tpu.dma_semaphore, #tpu.memory_space<semaphore_mem>>
      %dma_start3A_98 = arith.constant 0 : i32
      %dma_start3A_99 = tpu.memref_slice %arg4[%dma_start3A_98, %add3A_29] : memref<16x160000xf32, #tpu.memory_space<hbm>> -> memref<16x1000xf32, #tpu.memory_space<hbm>>
      %dma_start3A_100 = arith.constant 0 : i32
      %dma_start3A_101 = tpu.memref_slice %arg4[%dma_start3A_100, %add3A_29] : memref<16x160000xf32, #tpu.memory_space<hbm>> -> memref<16x1000xf32, #tpu.memory_space<hbm>>
      tpu.enqueue_dma source(%dma_start3A_101 : memref<16x1000xf32, #tpu.memory_space<hbm>>) target(%arg9 : memref<16x1000xf32, #tpu.memory_space<vmem>>) target_semaphore(%run_scoped3A : memref<!tpu.dma_semaphore, #tpu.memory_space<semaphore_mem>>)
      %dma_wait3A_102 = arith.constant 0 : i32
      %dma_wait3A_103 = tpu.memref_slice %arg4[%dma_wait3A_102, %add3A_29] : memref<16x160000xf32, #tpu.memory_space<hbm>> -> memref<16x1000xf32, #tpu.memory_space<hbm>>
      %dma_wait3A_104 = arith.constant 0 : i32
      %dma_wait3A_105 = tpu.memref_slice %arg4[%dma_wait3A_104, %add3A_29] : memref<16x160000xf32, #tpu.memory_space<hbm>> -> memref<16x1000xf32, #tpu.memory_space<hbm>>
      tpu.wait_dma2 semaphore(%run_scoped3A : memref<!tpu.dma_semaphore, #tpu.memory_space<semaphore_mem>>) src(%dma_wait3A_105 : memref<16x1000xf32, #tpu.memory_space<hbm>>) dst(%arg9 : memref<16x1000xf32, #tpu.memory_space<vmem>>)
      tpu.yield
    }) : () -> ()
    %broadcast_in_dim3A_33 = arith.constant 0 : i32
    %broadcast_in_dim3A_34 = vector.broadcast %broadcast_in_dim3A_33 : i32 to vector<16xi32>
    %scan3A_35 = arith.constant 0 : i32
    %scan3A_36 = arith.constant 62 : i32
    %scan3A_37 = arith.addi %scan3A_35, %scan3A_36 : i32
    %scan3A_38 = arith.constant 1 : i32
    %scan3A_39 = scf.for %scan3A_98 = %scan3A_35 to %scan3A_37 step %scan3A_38 iter_args(%scan3A_99 = %broadcast_in_dim3A_34) -> (vector<16xi32>)  : i32 {
      %mul3A_100 = arith.constant 16 : i32
      %mul3A_101 = arith.muli %scan3A_98, %mul3A_100 : i32
      %add3A_102 = arith.constant 0 : i32
      %add3A_103 = arith.addi %mul3A_101, %add3A_102 : i32
      %gather3A = tpu.vector_load_idx %arg9[%iota3A, %scan3A_99] : memref<16x1000xf32, #tpu.memory_space<vmem>>[vector<16xi32>, vector<16xi32>], vector<16xf32>,
      %swap3A = arith.index_cast %add3A_103 : i32 to index
      %swap3A_104 = arith.constant 0 : index
      %swap3A_105 = tpu.vector_load %arg10[%swap3A, %swap3A_104] {strides = array<i32>} : memref<1000x32xf32, #tpu.memory_space<vmem>>, vector<16xf32>,
      tpu.vector_store %arg10[%swap3A, %swap3A_104], %gather3A {strides = array<i32>} : memref<1000x32xf32, #tpu.memory_space<vmem>>, vector<16xf32>,
      %add3A_106 = arith.constant 1 : i32
      %add3A_107 = vector.broadcast %add3A_106 : i32 to vector<16xi32>
      %add3A_108 = arith.addi %scan3A_99, %add3A_107 : vector<16xi32>
      %mul3A_109 = arith.constant 16 : i32
      %mul3A_110 = arith.muli %scan3A_98, %mul3A_109 : i32
      %add3A_111 = arith.constant 1 : i32
      %add3A_112 = arith.addi %mul3A_110, %add3A_111 : i32
      %gather3A_113 = tpu.vector_load_idx %arg9[%iota3A, %add3A_108] : memref<16x1000xf32, #tpu.memory_space<vmem>>[vector<16xi32>, vector<16xi32>], vector<16xf32>,
      %swap3A_114 = arith.index_cast %add3A_112 : i32 to index
      %swap3A_115 = arith.constant 0 : index
      %swap3A_116 = tpu.vector_load %arg10[%swap3A_114, %swap3A_115] {strides = array<i32>} : memref<1000x32xf32, #tpu.memory_space<vmem>>, vector<16xf32>,
      tpu.vector_store %arg10[%swap3A_114, %swap3A_115], %gather3A_113 {strides = array<i32>} : memref<1000x32xf32, #tpu.memory_space<vmem>>, vector<16xf32>,
      %add3A_117 = arith.constant 1 : i32
      %add3A_118 = vector.broadcast %add3A_117 : i32 to vector<16xi32>
      %add3A_119 = arith.addi %add3A_108, %add3A_118 : vector<16xi32>
      %mul3A_120 = arith.constant 16 : i32
      %mul3A_121 = arith.muli %scan3A_98, %mul3A_120 : i32
      %add3A_122 = arith.constant 2 : i32
      %add3A_123 = arith.addi %mul3A_121, %add3A_122 : i32
      %gather3A_124 = tpu.vector_load_idx %arg9[%iota3A, %add3A_119] : memref<16x1000xf32, #tpu.memory_space<vmem>>[vector<16xi32>, vector<16xi32>], vector<16xf32>,
      %swap3A_125 = arith.index_cast %add3A_123 : i32 to index
      %swap3A_126 = arith.constant 0 : index
      %swap3A_127 = tpu.vector_load %arg10[%swap3A_125, %swap3A_126] {strides = array<i32>} : memref<1000x32xf32, #tpu.memory_space<vmem>>, vector<16xf32>,
      tpu.vector_store %arg10[%swap3A_125, %swap3A_126], %gather3A_124 {strides = array<i32>} : memref<1000x32xf32, #tpu.memory_space<vmem>>, vector<16xf32>,
      %add3A_128 = arith.constant 1 : i32
      %add3A_129 = vector.broadcast %add3A_128 : i32 to vector<16xi32>
      %add3A_130 = arith.addi %add3A_119, %add3A_129 : vector<16xi32>
      %mul3A_131 = arith.constant 16 : i32
      %mul3A_132 = arith.muli %scan3A_98, %mul3A_131 : i32
      %add3A_133 = arith.constant 3 : i32
      %add3A_134 = arith.addi %mul3A_132, %add3A_133 : i32
      %gather3A_135 = tpu.vector_load_idx %arg9[%iota3A, %add3A_130] : memref<16x1000xf32, #tpu.memory_space<vmem>>[vector<16xi32>, vector<16xi32>], vector<16xf32>,
      %swap3A_136 = arith.index_cast %add3A_134 : i32 to index
      %swap3A_137 = arith.constant 0 : index
      %swap3A_138 = tpu.vector_load %arg10[%swap3A_136, %swap3A_137] {strides = array<i32>} : memref<1000x32xf32, #tpu.memory_space<vmem>>, vector<16xf32>,
      tpu.vector_store %arg10[%swap3A_136, %swap3A_137], %gather3A_135 {strides = array<i32>} : memref<1000x32xf32, #tpu.memory_space<vmem>>, vector<16xf32>,
      %add3A_139 = arith.constant 1 : i32
      %add3A_140 = vector.broadcast %add3A_139 : i32 to vector<16xi32>
      %add3A_141 = arith.addi %add3A_130, %add3A_140 : vector<16xi32>
      %mul3A_142 = arith.constant 16 : i32
      %mul3A_143 = arith.muli %scan3A_98, %mul3A_142 : i32
      %add3A_144 = arith.constant 4 : i32
      %add3A_145 = arith.addi %mul3A_143, %add3A_144 : i32
      %gather3A_146 = tpu.vector_load_idx %arg9[%iota3A, %add3A_141] : memref<16x1000xf32, #tpu.memory_space<vmem>>[vector<16xi32>, vector<16xi32>], vector<16xf32>,
      %swap3A_147 = arith.index_cast %add3A_145 : i32 to index
      %swap3A_148 = arith.constant 0 : index
      %swap3A_149 = tpu.vector_load %arg10[%swap3A_147, %swap3A_148] {strides = array<i32>} : memref<1000x32xf32, #tpu.memory_space<vmem>>, vector<16xf32>,
      tpu.vector_store %arg10[%swap3A_147, %swap3A_148], %gather3A_146 {strides = array<i32>} : memref<1000x32xf32, #tpu.memory_space<vmem>>, vector<16xf32>,
      %add3A_150 = arith.constant 1 : i32
      %add3A_151 = vector.broadcast %add3A_150 : i32 to vector<16xi32>
      %add3A_152 = arith.addi %add3A_141, %add3A_151 : vector<16xi32>
      %mul3A_153 = arith.constant 16 : i32
      %mul3A_154 = arith.muli %scan3A_98, %mul3A_153 : i32
      %add3A_155 = arith.constant 5 : i32
      %add3A_156 = arith.addi %mul3A_154, %add3A_155 : i32
      %gather3A_157 = tpu.vector_load_idx %arg9[%iota3A, %add3A_152] : memref<16x1000xf32, #tpu.memory_space<vmem>>[vector<16xi32>, vector<16xi32>], vector<16xf32>,
      %swap3A_158 = arith.index_cast %add3A_156 : i32 to index
      %swap3A_159 = arith.constant 0 : index
      %swap3A_160 = tpu.vector_load %arg10[%swap3A_158, %swap3A_159] {strides = array<i32>} : memref<1000x32xf32, #tpu.memory_space<vmem>>, vector<16xf32>,
      tpu.vector_store %arg10[%swap3A_158, %swap3A_159], %gather3A_157 {strides = array<i32>} : memref<1000x32xf32, #tpu.memory_space<vmem>>, vector<16xf32>,
      %add3A_161 = arith.constant 1 : i32
      %add3A_162 = vector.broadcast %add3A_161 : i32 to vector<16xi32>
      %add3A_163 = arith.addi %add3A_152, %add3A_162 : vector<16xi32>
      %mul3A_164 = arith.constant 16 : i32
      %mul3A_165 = arith.muli %scan3A_98, %mul3A_164 : i32
      %add3A_166 = arith.constant 6 : i32
      %add3A_167 = arith.addi %mul3A_165, %add3A_166 : i32
      %gather3A_168 = tpu.vector_load_idx %arg9[%iota3A, %add3A_163] : memref<16x1000xf32, #tpu.memory_space<vmem>>[vector<16xi32>, vector<16xi32>], vector<16xf32>,
      %swap3A_169 = arith.index_cast %add3A_167 : i32 to index
      %swap3A_170 = arith.constant 0 : index
      %swap3A_171 = tpu.vector_load %arg10[%swap3A_169, %swap3A_170] {strides = array<i32>} : memref<1000x32xf32, #tpu.memory_space<vmem>>, vector<16xf32>,
      tpu.vector_store %arg10[%swap3A_169, %swap3A_170], %gather3A_168 {strides = array<i32>} : memref<1000x32xf32, #tpu.memory_space<vmem>>, vector<16xf32>,
      %add3A_172 = arith.constant 1 : i32
      %add3A_173 = vector.broadcast %add3A_172 : i32 to vector<16xi32>
      %add3A_174 = arith.addi %add3A_163, %add3A_173 : vector<16xi32>
      %mul3A_175 = arith.constant 16 : i32
      %mul3A_176 = arith.muli %scan3A_98, %mul3A_175 : i32
      %add3A_177 = arith.constant 7 : i32
      %add3A_178 = arith.addi %mul3A_176, %add3A_177 : i32
      %gather3A_179 = tpu.vector_load_idx %arg9[%iota3A, %add3A_174] : memref<16x1000xf32, #tpu.memory_space<vmem>>[vector<16xi32>, vector<16xi32>], vector<16xf32>,
      %swap3A_180 = arith.index_cast %add3A_178 : i32 to index
      %swap3A_181 = arith.constant 0 : index
      %swap3A_182 = tpu.vector_load %arg10[%swap3A_180, %swap3A_181] {strides = array<i32>} : memref<1000x32xf32, #tpu.memory_space<vmem>>, vector<16xf32>,
      tpu.vector_store %arg10[%swap3A_180, %swap3A_181], %gather3A_179 {strides = array<i32>} : memref<1000x32xf32, #tpu.memory_space<vmem>>, vector<16xf32>,
      %add3A_183 = arith.constant 1 : i32
      %add3A_184 = vector.broadcast %add3A_183 : i32 to vector<16xi32>
      %add3A_185 = arith.addi %add3A_174, %add3A_184 : vector<16xi32>
      %mul3A_186 = arith.constant 16 : i32
      %mul3A_187 = arith.muli %scan3A_98, %mul3A_186 : i32
      %add3A_188 = arith.constant 8 : i32
      %add3A_189 = arith.addi %mul3A_187, %add3A_188 : i32
      %gather3A_190 = tpu.vector_load_idx %arg9[%iota3A, %add3A_185] : memref<16x1000xf32, #tpu.memory_space<vmem>>[vector<16xi32>, vector<16xi32>], vector<16xf32>,
      %swap3A_191 = arith.index_cast %add3A_189 : i32 to index
      %swap3A_192 = arith.constant 0 : index
      %swap3A_193 = tpu.vector_load %arg10[%swap3A_191, %swap3A_192] {strides = array<i32>} : memref<1000x32xf32, #tpu.memory_space<vmem>>, vector<16xf32>,
      tpu.vector_store %arg10[%swap3A_191, %swap3A_192], %gather3A_190 {strides = array<i32>} : memref<1000x32xf32, #tpu.memory_space<vmem>>, vector<16xf32>,
      %add3A_194 = arith.constant 1 : i32
      %add3A_195 = vector.broadcast %add3A_194 : i32 to vector<16xi32>
      %add3A_196 = arith.addi %add3A_185, %add3A_195 : vector<16xi32>
      %mul3A_197 = arith.constant 16 : i32
      %mul3A_198 = arith.muli %scan3A_98, %mul3A_197 : i32
      %add3A_199 = arith.constant 9 : i32
      %add3A_200 = arith.addi %mul3A_198, %add3A_199 : i32
      %gather3A_201 = tpu.vector_load_idx %arg9[%iota3A, %add3A_196] : memref<16x1000xf32, #tpu.memory_space<vmem>>[vector<16xi32>, vector<16xi32>], vector<16xf32>,
      %swap3A_202 = arith.index_cast %add3A_200 : i32 to index
      %swap3A_203 = arith.constant 0 : index
      %swap3A_204 = tpu.vector_load %arg10[%swap3A_202, %swap3A_203] {strides = array<i32>} : memref<1000x32xf32, #tpu.memory_space<vmem>>, vector<16xf32>,
      tpu.vector_store %arg10[%swap3A_202, %swap3A_203], %gather3A_201 {strides = array<i32>} : memref<1000x32xf32, #tpu.memory_space<vmem>>, vector<16xf32>,
      %add3A_205 = arith.constant 1 : i32
      %add3A_206 = vector.broadcast %add3A_205 : i32 to vector<16xi32>
      %add3A_207 = arith.addi %add3A_196, %add3A_206 : vector<16xi32>
      %mul3A_208 = arith.constant 16 : i32
      %mul3A_209 = arith.muli %scan3A_98, %mul3A_208 : i32
      %add3A_210 = arith.constant 10 : i32
      %add3A_211 = arith.addi %mul3A_209, %add3A_210 : i32
      %gather3A_212 = tpu.vector_load_idx %arg9[%iota3A, %add3A_207] : memref<16x1000xf32, #tpu.memory_space<vmem>>[vector<16xi32>, vector<16xi32>], vector<16xf32>,
      %swap3A_213 = arith.index_cast %add3A_211 : i32 to index
      %swap3A_214 = arith.constant 0 : index
      %swap3A_215 = tpu.vector_load %arg10[%swap3A_213, %swap3A_214] {strides = array<i32>} : memref<1000x32xf32, #tpu.memory_space<vmem>>, vector<16xf32>,
      tpu.vector_store %arg10[%swap3A_213, %swap3A_214], %gather3A_212 {strides = array<i32>} : memref<1000x32xf32, #tpu.memory_space<vmem>>, vector<16xf32>,
      %add3A_216 = arith.constant 1 : i32
      %add3A_217 = vector.broadcast %add3A_216 : i32 to vector<16xi32>
      %add3A_218 = arith.addi %add3A_207, %add3A_217 : vector<16xi32>
      %mul3A_219 = arith.constant 16 : i32
      %mul3A_220 = arith.muli %scan3A_98, %mul3A_219 : i32
      %add3A_221 = arith.constant 11 : i32
      %add3A_222 = arith.addi %mul3A_220, %add3A_221 : i32
      %gather3A_223 = tpu.vector_load_idx %arg9[%iota3A, %add3A_218] : memref<16x1000xf32, #tpu.memory_space<vmem>>[vector<16xi32>, vector<16xi32>], vector<16xf32>,
      %swap3A_224 = arith.index_cast %add3A_222 : i32 to index
      %swap3A_225 = arith.constant 0 : index
      %swap3A_226 = tpu.vector_load %arg10[%swap3A_224, %swap3A_225] {strides = array<i32>} : memref<1000x32xf32, #tpu.memory_space<vmem>>, vector<16xf32>,
      tpu.vector_store %arg10[%swap3A_224, %swap3A_225], %gather3A_223 {strides = array<i32>} : memref<1000x32xf32, #tpu.memory_space<vmem>>, vector<16xf32>,
      %add3A_227 = arith.constant 1 : i32
      %add3A_228 = vector.broadcast %add3A_227 : i32 to vector<16xi32>
      %add3A_229 = arith.addi %add3A_218, %add3A_228 : vector<16xi32>
      %mul3A_230 = arith.constant 16 : i32
      %mul3A_231 = arith.muli %scan3A_98, %mul3A_230 : i32
      %add3A_232 = arith.constant 12 : i32
      %add3A_233 = arith.addi %mul3A_231, %add3A_232 : i32
      %gather3A_234 = tpu.vector_load_idx %arg9[%iota3A, %add3A_229] : memref<16x1000xf32, #tpu.memory_space<vmem>>[vector<16xi32>, vector<16xi32>], vector<16xf32>,
      %swap3A_235 = arith.index_cast %add3A_233 : i32 to index
      %swap3A_236 = arith.constant 0 : index
      %swap3A_237 = tpu.vector_load %arg10[%swap3A_235, %swap3A_236] {strides = array<i32>} : memref<1000x32xf32, #tpu.memory_space<vmem>>, vector<16xf32>,
      tpu.vector_store %arg10[%swap3A_235, %swap3A_236], %gather3A_234 {strides = array<i32>} : memref<1000x32xf32, #tpu.memory_space<vmem>>, vector<16xf32>,
      %add3A_238 = arith.constant 1 : i32
      %add3A_239 = vector.broadcast %add3A_238 : i32 to vector<16xi32>
      %add3A_240 = arith.addi %add3A_229, %add3A_239 : vector<16xi32>
      %mul3A_241 = arith.constant 16 : i32
      %mul3A_242 = arith.muli %scan3A_98, %mul3A_241 : i32
      %add3A_243 = arith.constant 13 : i32
      %add3A_244 = arith.addi %mul3A_242, %add3A_243 : i32
      %gather3A_245 = tpu.vector_load_idx %arg9[%iota3A, %add3A_240] : memref<16x1000xf32, #tpu.memory_space<vmem>>[vector<16xi32>, vector<16xi32>], vector<16xf32>,
      %swap3A_246 = arith.index_cast %add3A_244 : i32 to index
      %swap3A_247 = arith.constant 0 : index
      %swap3A_248 = tpu.vector_load %arg10[%swap3A_246, %swap3A_247] {strides = array<i32>} : memref<1000x32xf32, #tpu.memory_space<vmem>>, vector<16xf32>,
      tpu.vector_store %arg10[%swap3A_246, %swap3A_247], %gather3A_245 {strides = array<i32>} : memref<1000x32xf32, #tpu.memory_space<vmem>>, vector<16xf32>,
      %add3A_249 = arith.constant 1 : i32
      %add3A_250 = vector.broadcast %add3A_249 : i32 to vector<16xi32>
      %add3A_251 = arith.addi %add3A_240, %add3A_250 : vector<16xi32>
      %mul3A_252 = arith.constant 16 : i32
      %mul3A_253 = arith.muli %scan3A_98, %mul3A_252 : i32
      %add3A_254 = arith.constant 14 : i32
      %add3A_255 = arith.addi %mul3A_253, %add3A_254 : i32
      %gather3A_256 = tpu.vector_load_idx %arg9[%iota3A, %add3A_251] : memref<16x1000xf32, #tpu.memory_space<vmem>>[vector<16xi32>, vector<16xi32>], vector<16xf32>,
      %swap3A_257 = arith.index_cast %add3A_255 : i32 to index
      %swap3A_258 = arith.constant 0 : index
      %swap3A_259 = tpu.vector_load %arg10[%swap3A_257, %swap3A_258] {strides = array<i32>} : memref<1000x32xf32, #tpu.memory_space<vmem>>, vector<16xf32>,
      tpu.vector_store %arg10[%swap3A_257, %swap3A_258], %gather3A_256 {strides = array<i32>} : memref<1000x32xf32, #tpu.memory_space<vmem>>, vector<16xf32>,
      %add3A_260 = arith.constant 1 : i32
      %add3A_261 = vector.broadcast %add3A_260 : i32 to vector<16xi32>
      %add3A_262 = arith.addi %add3A_251, %add3A_261 : vector<16xi32>
      %mul3A_263 = arith.constant 16 : i32
      %mul3A_264 = arith.muli %scan3A_98, %mul3A_263 : i32
      %add3A_265 = arith.constant 15 : i32
      %add3A_266 = arith.addi %mul3A_264, %add3A_265 : i32
      %gather3A_267 = tpu.vector_load_idx %arg9[%iota3A, %add3A_262] : memref<16x1000xf32, #tpu.memory_space<vmem>>[vector<16xi32>, vector<16xi32>], vector<16xf32>,
      %swap3A_268 = arith.index_cast %add3A_266 : i32 to index
      %swap3A_269 = arith.constant 0 : index
      %swap3A_270 = tpu.vector_load %arg10[%swap3A_268, %swap3A_269] {strides = array<i32>} : memref<1000x32xf32, #tpu.memory_space<vmem>>, vector<16xf32>,
      tpu.vector_store %arg10[%swap3A_268, %swap3A_269], %gather3A_267 {strides = array<i32>} : memref<1000x32xf32, #tpu.memory_space<vmem>>, vector<16xf32>,
      %add3A_271 = arith.constant 1 : i32
      %add3A_272 = vector.broadcast %add3A_271 : i32 to vector<16xi32>
      %add3A_273 = arith.addi %add3A_262, %add3A_272 : vector<16xi32>
      scf.yield %add3A_273 : vector<16xi32>
    }
    %scan3A_40 = arith.constant 62 : i32
    "tpu.region"() ({
      %run_scoped3A = tpu.sem_alloc : memref<!tpu.dma_semaphore, #tpu.memory_space<semaphore_mem>>
      %dma_start3A_98 = arith.constant 0 : i32
      %dma_start3A_99 = tpu.memref_slice %arg6[%add3A_29, %dma_start3A_98] : memref<160000x32xf32, #tpu.memory_space<hbm>> -> memref<1000x32xf32, #tpu.memory_space<hbm>>
      %dma_start3A_100 = arith.constant 0 : i32
      %dma_start3A_101 = tpu.memref_slice %arg6[%add3A_29, %dma_start3A_100] : memref<160000x32xf32, #tpu.memory_space<hbm>> -> memref<1000x32xf32, #tpu.memory_space<hbm>>
      tpu.enqueue_dma source(%arg10 : memref<1000x32xf32, #tpu.memory_space<vmem>>) target(%dma_start3A_101 : memref<1000x32xf32, #tpu.memory_space<hbm>>) target_semaphore(%run_scoped3A : memref<!tpu.dma_semaphore, #tpu.memory_space<semaphore_mem>>)
      %dma_wait3A_102 = arith.constant 0 : i32
      %dma_wait3A_103 = tpu.memref_slice %arg6[%add3A_29, %dma_wait3A_102] : memref<160000x32xf32, #tpu.memory_space<hbm>> -> memref<1000x32xf32, #tpu.memory_space<hbm>>
      %dma_wait3A_104 = arith.constant 0 : i32
      %dma_wait3A_105 = tpu.memref_slice %arg6[%add3A_29, %dma_wait3A_104] : memref<160000x32xf32, #tpu.memory_space<hbm>> -> memref<1000x32xf32, #tpu.memory_space<hbm>>
      tpu.wait_dma2 semaphore(%run_scoped3A : memref<!tpu.dma_semaphore, #tpu.memory_space<semaphore_mem>>) src(%arg10 : memref<1000x32xf32, #tpu.memory_space<vmem>>) dst(%dma_wait3A_105 : memref<1000x32xf32, #tpu.memory_space<hbm>>)
      tpu.yield
    }) : () -> ()
    %dma_wait3A_41 = arith.constant 0 : i32
    %dma_wait3A_42 = arith.constant 0 : i32
    %dma_wait3A_43 = tpu.memref_slice %arg2[%dma_wait3A_41, %dma_wait3A_42] : memref<10000x32xf32, #tpu.memory_space<hbm>> -> memref<10000x32xf32, #tpu.memory_space<hbm>>
    tpu.wait_indirect_dma semaphore(%arg11 : memref<!tpu.dma_semaphore, #tpu.memory_space<semaphore_mem>>) src(%dma_wait3A_43 : memref<10000x32xf32, #tpu.memory_space<hbm>>) dst(%arg8 : memref<1000x32xf32, #tpu.memory_space<vmem>>)
    "tpu.region"() ({
      %run_scoped3A = tpu.sem_alloc : memref<!tpu.dma_semaphore, #tpu.memory_space<semaphore_mem>>
      %dma_start3A_98 = arith.constant 0 : i32
      %dma_start3A_99 = tpu.memref_slice %arg5[%add3A_29, %dma_start3A_98] : memref<160000x32xf32, #tpu.memory_space<hbm>> -> memref<1000x32xf32, #tpu.memory_space<hbm>>
      %dma_start3A_100 = arith.constant 0 : i32
      %dma_start3A_101 = tpu.memref_slice %arg5[%add3A_29, %dma_start3A_100] : memref<160000x32xf32, #tpu.memory_space<hbm>> -> memref<1000x32xf32, #tpu.memory_space<hbm>>
      tpu.enqueue_dma source(%arg8 : memref<1000x32xf32, #tpu.memory_space<vmem>>) target(%dma_start3A_101 : memref<1000x32xf32, #tpu.memory_space<hbm>>) target_semaphore(%run_scoped3A : memref<!tpu.dma_semaphore, #tpu.memory_space<semaphore_mem>>)
      %dma_wait3A_102 = arith.constant 0 : i32
      %dma_wait3A_103 = tpu.memref_slice %arg5[%add3A_29, %dma_wait3A_102] : memref<160000x32xf32, #tpu.memory_space<hbm>> -> memref<1000x32xf32, #tpu.memory_space<hbm>>
      %dma_wait3A_104 = arith.constant 0 : i32
      %dma_wait3A_105 = tpu.memref_slice %arg5[%add3A_29, %dma_wait3A_104] : memref<160000x32xf32, #tpu.memory_space<hbm>> -> memref<1000x32xf32, #tpu.memory_space<hbm>>
      tpu.wait_dma2 semaphore(%run_scoped3A : memref<!tpu.dma_semaphore, #tpu.memory_space<semaphore_mem>>) src(%arg8 : memref<1000x32xf32, #tpu.memory_space<vmem>>) dst(%dma_wait3A_105 : memref<1000x32xf32, #tpu.memory_space<hbm>>)
      tpu.yield
    }) : () -> ()
    %mul3A_44 = arith.constant 5000 : i32
    %mul3A_45 = arith.muli %add3A, %mul3A_44 : i32
    %add3A_46 = arith.constant 2000 : i32
    %add3A_47 = arith.addi %mul3A_45, %add3A_46 : i32
    "tpu.region"() ({
      %run_scoped3A = tpu.sem_alloc : memref<!tpu.dma_semaphore, #tpu.memory_space<semaphore_mem>>
      %dma_start3A_98 = tpu.memref_slice %arg3[%add3A_47] : memref<160000xi32, #tpu.memory_space<hbm>> -> memref<1000xi32, #tpu.memory_space<hbm>>
      %dma_start3A_99 = tpu.memref_slice %arg3[%add3A_47] : memref<160000xi32, #tpu.memory_space<hbm>> -> memref<1000xi32, #tpu.memory_space<hbm>>
      tpu.enqueue_dma source(%dma_start3A_99 : memref<1000xi32, #tpu.memory_space<hbm>>) target(%arg7 : memref<1000xi32, #tpu.memory_space<vmem>>) target_semaphore(%run_scoped3A : memref<!tpu.dma_semaphore, #tpu.memory_space<semaphore_mem>>)
      %dma_wait3A_100 = tpu.memref_slice %arg3[%add3A_47] : memref<160000xi32, #tpu.memory_space<hbm>> -> memref<1000xi32, #tpu.memory_space<hbm>>
      %dma_wait3A_101 = tpu.memref_slice %arg3[%add3A_47] : memref<160000xi32, #tpu.memory_space<hbm>> -> memref<1000xi32, #tpu.memory_space<hbm>>
      tpu.wait_dma2 semaphore(%run_scoped3A : memref<!tpu.dma_semaphore, #tpu.memory_space<semaphore_mem>>) src(%dma_wait3A_101 : memref<1000xi32, #tpu.memory_space<hbm>>) dst(%arg7 : memref<1000xi32, #tpu.memory_space<vmem>>)
      tpu.yield
    }) : () -> ()
    %dma_start3A_48 = arith.constant 0 : i32
    %dma_start3A_49 = arith.constant 0 : i32
    %dma_start3A_50 = tpu.memref_slice %arg2[%dma_start3A_48, %dma_start3A_49] : memref<10000x32xf32, #tpu.memory_space<hbm>> -> memref<10000x32xf32, #tpu.memory_space<hbm>>
    tpu.enqueue_indirect_dma source(%dma_start3A_50 : memref<10000x32xf32, #tpu.memory_space<hbm>>) target(%arg8 : memref<1000x32xf32, #tpu.memory_space<vmem>>) offsets(%arg7 : memref<1000xi32, #tpu.memory_space<vmem>>) semaphore(%arg11 : memref<!tpu.dma_semaphore, #tpu.memory_space<semaphore_mem>>)
    "tpu.region"() ({
      %run_scoped3A = tpu.sem_alloc : memref<!tpu.dma_semaphore, #tpu.memory_space<semaphore_mem>>
      %dma_start3A_98 = arith.constant 0 : i32
      %dma_start3A_99 = tpu.memref_slice %arg4[%dma_start3A_98, %add3A_47] : memref<16x160000xf32, #tpu.memory_space<hbm>> -> memref<16x1000xf32, #tpu.memory_space<hbm>>
      %dma_start3A_100 = arith.constant 0 : i32
      %dma_start3A_101 = tpu.memref_slice %arg4[%dma_start3A_100, %add3A_47] : memref<16x160000xf32, #tpu.memory_space<hbm>> -> memref<16x1000xf32, #tpu.memory_space<hbm>>
      tpu.enqueue_dma source(%dma_start3A_101 : memref<16x1000xf32, #tpu.memory_space<hbm>>) target(%arg9 : memref<16x1000xf32, #tpu.memory_space<vmem>>) target_semaphore(%run_scoped3A : memref<!tpu.dma_semaphore, #tpu.memory_space<semaphore_mem>>)
      %dma_wait3A_102 = arith.constant 0 : i32
      %dma_wait3A_103 = tpu.memref_slice %arg4[%dma_wait3A_102, %add3A_47] : memref<16x160000xf32, #tpu.memory_space<hbm>> -> memref<16x1000xf32, #tpu.memory_space<hbm>>
      %dma_wait3A_104 = arith.constant 0 : i32
      %dma_wait3A_105 = tpu.memref_slice %arg4[%dma_wait3A_104, %add3A_47] : memref<16x160000xf32, #tpu.memory_space<hbm>> -> memref<16x1000xf32, #tpu.memory_space<hbm>>
      tpu.wait_dma2 semaphore(%run_scoped3A : memref<!tpu.dma_semaphore, #tpu.memory_space<semaphore_mem>>) src(%dma_wait3A_105 : memref<16x1000xf32, #tpu.memory_space<hbm>>) dst(%arg9 : memref<16x1000xf32, #tpu.memory_space<vmem>>)
      tpu.yield
    }) : () -> ()
    %broadcast_in_dim3A_51 = arith.constant 0 : i32
    %broadcast_in_dim3A_52 = vector.broadcast %broadcast_in_dim3A_51 : i32 to vector<16xi32>
    %scan3A_53 = arith.constant 0 : i32
    %scan3A_54 = arith.constant 62 : i32
    %scan3A_55 = arith.addi %scan3A_53, %scan3A_54 : i32
    %scan3A_56 = arith.constant 1 : i32
    %scan3A_57 = scf.for %scan3A_98 = %scan3A_53 to %scan3A_55 step %scan3A_56 iter_args(%scan3A_99 = %broadcast_in_dim3A_52) -> (vector<16xi32>)  : i32 {
      %mul3A_100 = arith.constant 16 : i32
      %mul3A_101 = arith.muli %scan3A_98, %mul3A_100 : i32
      %add3A_102 = arith.constant 0 : i32
      %add3A_103 = arith.addi %mul3A_101, %add3A_102 : i32
      %gather3A = tpu.vector_load_idx %arg9[%iota3A, %scan3A_99] : memref<16x1000xf32, #tpu.memory_space<vmem>>[vector<16xi32>, vector<16xi32>], vector<16xf32>,
      %swap3A = arith.index_cast %add3A_103 : i32 to index
      %swap3A_104 = arith.constant 0 : index
      %swap3A_105 = tpu.vector_load %arg10[%swap3A, %swap3A_104] {strides = array<i32>} : memref<1000x32xf32, #tpu.memory_space<vmem>>, vector<16xf32>,
      tpu.vector_store %arg10[%swap3A, %swap3A_104], %gather3A {strides = array<i32>} : memref<1000x32xf32, #tpu.memory_space<vmem>>, vector<16xf32>,
      %add3A_106 = arith.constant 1 : i32
      %add3A_107 = vector.broadcast %add3A_106 : i32 to vector<16xi32>
      %add3A_108 = arith.addi %scan3A_99, %add3A_107 : vector<16xi32>
      %mul3A_109 = arith.constant 16 : i32
      %mul3A_110 = arith.muli %scan3A_98, %mul3A_109 : i32
      %add3A_111 = arith.constant 1 : i32
      %add3A_112 = arith.addi %mul3A_110, %add3A_111 : i32
      %gather3A_113 = tpu.vector_load_idx %arg9[%iota3A, %add3A_108] : memref<16x1000xf32, #tpu.memory_space<vmem>>[vector<16xi32>, vector<16xi32>], vector<16xf32>,
      %swap3A_114 = arith.index_cast %add3A_112 : i32 to index
      %swap3A_115 = arith.constant 0 : index
      %swap3A_116 = tpu.vector_load %arg10[%swap3A_114, %swap3A_115] {strides = array<i32>} : memref<1000x32xf32, #tpu.memory_space<vmem>>, vector<16xf32>,
      tpu.vector_store %arg10[%swap3A_114, %swap3A_115], %gather3A_113 {strides = array<i32>} : memref<1000x32xf32, #tpu.memory_space<vmem>>, vector<16xf32>,
      %add3A_117 = arith.constant 1 : i32
      %add3A_118 = vector.broadcast %add3A_117 : i32 to vector<16xi32>
      %add3A_119 = arith.addi %add3A_108, %add3A_118 : vector<16xi32>
      %mul3A_120 = arith.constant 16 : i32
      %mul3A_121 = arith.muli %scan3A_98, %mul3A_120 : i32
      %add3A_122 = arith.constant 2 : i32
      %add3A_123 = arith.addi %mul3A_121, %add3A_122 : i32
      %gather3A_124 = tpu.vector_load_idx %arg9[%iota3A, %add3A_119] : memref<16x1000xf32, #tpu.memory_space<vmem>>[vector<16xi32>, vector<16xi32>], vector<16xf32>,
      %swap3A_125 = arith.index_cast %add3A_123 : i32 to index
      %swap3A_126 = arith.constant 0 : index
      %swap3A_127 = tpu.vector_load %arg10[%swap3A_125, %swap3A_126] {strides = array<i32>} : memref<1000x32xf32, #tpu.memory_space<vmem>>, vector<16xf32>,
      tpu.vector_store %arg10[%swap3A_125, %swap3A_126], %gather3A_124 {strides = array<i32>} : memref<1000x32xf32, #tpu.memory_space<vmem>>, vector<16xf32>,
      %add3A_128 = arith.constant 1 : i32
      %add3A_129 = vector.broadcast %add3A_128 : i32 to vector<16xi32>
      %add3A_130 = arith.addi %add3A_119, %add3A_129 : vector<16xi32>
      %mul3A_131 = arith.constant 16 : i32
      %mul3A_132 = arith.muli %scan3A_98, %mul3A_131 : i32
      %add3A_133 = arith.constant 3 : i32
      %add3A_134 = arith.addi %mul3A_132, %add3A_133 : i32
      %gather3A_135 = tpu.vector_load_idx %arg9[%iota3A, %add3A_130] : memref<16x1000xf32, #tpu.memory_space<vmem>>[vector<16xi32>, vector<16xi32>], vector<16xf32>,
      %swap3A_136 = arith.index_cast %add3A_134 : i32 to index
      %swap3A_137 = arith.constant 0 : index
      %swap3A_138 = tpu.vector_load %arg10[%swap3A_136, %swap3A_137] {strides = array<i32>} : memref<1000x32xf32, #tpu.memory_space<vmem>>, vector<16xf32>,
      tpu.vector_store %arg10[%swap3A_136, %swap3A_137], %gather3A_135 {strides = array<i32>} : memref<1000x32xf32, #tpu.memory_space<vmem>>, vector<16xf32>,
      %add3A_139 = arith.constant 1 : i32
      %add3A_140 = vector.broadcast %add3A_139 : i32 to vector<16xi32>
      %add3A_141 = arith.addi %add3A_130, %add3A_140 : vector<16xi32>
      %mul3A_142 = arith.constant 16 : i32
      %mul3A_143 = arith.muli %scan3A_98, %mul3A_142 : i32
      %add3A_144 = arith.constant 4 : i32
      %add3A_145 = arith.addi %mul3A_143, %add3A_144 : i32
      %gather3A_146 = tpu.vector_load_idx %arg9[%iota3A, %add3A_141] : memref<16x1000xf32, #tpu.memory_space<vmem>>[vector<16xi32>, vector<16xi32>], vector<16xf32>,
      %swap3A_147 = arith.index_cast %add3A_145 : i32 to index
      %swap3A_148 = arith.constant 0 : index
      %swap3A_149 = tpu.vector_load %arg10[%swap3A_147, %swap3A_148] {strides = array<i32>} : memref<1000x32xf32, #tpu.memory_space<vmem>>, vector<16xf32>,
      tpu.vector_store %arg10[%swap3A_147, %swap3A_148], %gather3A_146 {strides = array<i32>} : memref<1000x32xf32, #tpu.memory_space<vmem>>, vector<16xf32>,
      %add3A_150 = arith.constant 1 : i32
      %add3A_151 = vector.broadcast %add3A_150 : i32 to vector<16xi32>
      %add3A_152 = arith.addi %add3A_141, %add3A_151 : vector<16xi32>
      %mul3A_153 = arith.constant 16 : i32
      %mul3A_154 = arith.muli %scan3A_98, %mul3A_153 : i32
      %add3A_155 = arith.constant 5 : i32
      %add3A_156 = arith.addi %mul3A_154, %add3A_155 : i32
      %gather3A_157 = tpu.vector_load_idx %arg9[%iota3A, %add3A_152] : memref<16x1000xf32, #tpu.memory_space<vmem>>[vector<16xi32>, vector<16xi32>], vector<16xf32>,
      %swap3A_158 = arith.index_cast %add3A_156 : i32 to index
      %swap3A_159 = arith.constant 0 : index
      %swap3A_160 = tpu.vector_load %arg10[%swap3A_158, %swap3A_159] {strides = array<i32>} : memref<1000x32xf32, #tpu.memory_space<vmem>>, vector<16xf32>,
      tpu.vector_store %arg10[%swap3A_158, %swap3A_159], %gather3A_157 {strides = array<i32>} : memref<1000x32xf32, #tpu.memory_space<vmem>>, vector<16xf32>,
      %add3A_161 = arith.constant 1 : i32
      %add3A_162 = vector.broadcast %add3A_161 : i32 to vector<16xi32>
      %add3A_163 = arith.addi %add3A_152, %add3A_162 : vector<16xi32>
      %mul3A_164 = arith.constant 16 : i32
      %mul3A_165 = arith.muli %scan3A_98, %mul3A_164 : i32
      %add3A_166 = arith.constant 6 : i32
      %add3A_167 = arith.addi %mul3A_165, %add3A_166 : i32
      %gather3A_168 = tpu.vector_load_idx %arg9[%iota3A, %add3A_163] : memref<16x1000xf32, #tpu.memory_space<vmem>>[vector<16xi32>, vector<16xi32>], vector<16xf32>,
      %swap3A_169 = arith.index_cast %add3A_167 : i32 to index
      %swap3A_170 = arith.constant 0 : index
      %swap3A_171 = tpu.vector_load %arg10[%swap3A_169, %swap3A_170] {strides = array<i32>} : memref<1000x32xf32, #tpu.memory_space<vmem>>, vector<16xf32>,
      tpu.vector_store %arg10[%swap3A_169, %swap3A_170], %gather3A_168 {strides = array<i32>} : memref<1000x32xf32, #tpu.memory_space<vmem>>, vector<16xf32>,
      %add3A_172 = arith.constant 1 : i32
      %add3A_173 = vector.broadcast %add3A_172 : i32 to vector<16xi32>
      %add3A_174 = arith.addi %add3A_163, %add3A_173 : vector<16xi32>
      %mul3A_175 = arith.constant 16 : i32
      %mul3A_176 = arith.muli %scan3A_98, %mul3A_175 : i32
      %add3A_177 = arith.constant 7 : i32
      %add3A_178 = arith.addi %mul3A_176, %add3A_177 : i32
      %gather3A_179 = tpu.vector_load_idx %arg9[%iota3A, %add3A_174] : memref<16x1000xf32, #tpu.memory_space<vmem>>[vector<16xi32>, vector<16xi32>], vector<16xf32>,
      %swap3A_180 = arith.index_cast %add3A_178 : i32 to index
      %swap3A_181 = arith.constant 0 : index
      %swap3A_182 = tpu.vector_load %arg10[%swap3A_180, %swap3A_181] {strides = array<i32>} : memref<1000x32xf32, #tpu.memory_space<vmem>>, vector<16xf32>,
      tpu.vector_store %arg10[%swap3A_180, %swap3A_181], %gather3A_179 {strides = array<i32>} : memref<1000x32xf32, #tpu.memory_space<vmem>>, vector<16xf32>,
      %add3A_183 = arith.constant 1 : i32
      %add3A_184 = vector.broadcast %add3A_183 : i32 to vector<16xi32>
      %add3A_185 = arith.addi %add3A_174, %add3A_184 : vector<16xi32>
      %mul3A_186 = arith.constant 16 : i32
      %mul3A_187 = arith.muli %scan3A_98, %mul3A_186 : i32
      %add3A_188 = arith.constant 8 : i32
      %add3A_189 = arith.addi %mul3A_187, %add3A_188 : i32
      %gather3A_190 = tpu.vector_load_idx %arg9[%iota3A, %add3A_185] : memref<16x1000xf32, #tpu.memory_space<vmem>>[vector<16xi32>, vector<16xi32>], vector<16xf32>,
      %swap3A_191 = arith.index_cast %add3A_189 : i32 to index
      %swap3A_192 = arith.constant 0 : index
      %swap3A_193 = tpu.vector_load %arg10[%swap3A_191, %swap3A_192] {strides = array<i32>} : memref<1000x32xf32, #tpu.memory_space<vmem>>, vector<16xf32>,
      tpu.vector_store %arg10[%swap3A_191, %swap3A_192], %gather3A_190 {strides = array<i32>} : memref<1000x32xf32, #tpu.memory_space<vmem>>, vector<16xf32>,
      %add3A_194 = arith.constant 1 : i32
      %add3A_195 = vector.broadcast %add3A_194 : i32 to vector<16xi32>
      %add3A_196 = arith.addi %add3A_185, %add3A_195 : vector<16xi32>
      %mul3A_197 = arith.constant 16 : i32
      %mul3A_198 = arith.muli %scan3A_98, %mul3A_197 : i32
      %add3A_199 = arith.constant 9 : i32
      %add3A_200 = arith.addi %mul3A_198, %add3A_199 : i32
      %gather3A_201 = tpu.vector_load_idx %arg9[%iota3A, %add3A_196] : memref<16x1000xf32, #tpu.memory_space<vmem>>[vector<16xi32>, vector<16xi32>], vector<16xf32>,
      %swap3A_202 = arith.index_cast %add3A_200 : i32 to index
      %swap3A_203 = arith.constant 0 : index
      %swap3A_204 = tpu.vector_load %arg10[%swap3A_202, %swap3A_203] {strides = array<i32>} : memref<1000x32xf32, #tpu.memory_space<vmem>>, vector<16xf32>,
      tpu.vector_store %arg10[%swap3A_202, %swap3A_203], %gather3A_201 {strides = array<i32>} : memref<1000x32xf32, #tpu.memory_space<vmem>>, vector<16xf32>,
      %add3A_205 = arith.constant 1 : i32
      %add3A_206 = vector.broadcast %add3A_205 : i32 to vector<16xi32>
      %add3A_207 = arith.addi %add3A_196, %add3A_206 : vector<16xi32>
      %mul3A_208 = arith.constant 16 : i32
      %mul3A_209 = arith.muli %scan3A_98, %mul3A_208 : i32
      %add3A_210 = arith.constant 10 : i32
      %add3A_211 = arith.addi %mul3A_209, %add3A_210 : i32
      %gather3A_212 = tpu.vector_load_idx %arg9[%iota3A, %add3A_207] : memref<16x1000xf32, #tpu.memory_space<vmem>>[vector<16xi32>, vector<16xi32>], vector<16xf32>,
      %swap3A_213 = arith.index_cast %add3A_211 : i32 to index
      %swap3A_214 = arith.constant 0 : index
      %swap3A_215 = tpu.vector_load %arg10[%swap3A_213, %swap3A_214] {strides = array<i32>} : memref<1000x32xf32, #tpu.memory_space<vmem>>, vector<16xf32>,
      tpu.vector_store %arg10[%swap3A_213, %swap3A_214], %gather3A_212 {strides = array<i32>} : memref<1000x32xf32, #tpu.memory_space<vmem>>, vector<16xf32>,
      %add3A_216 = arith.constant 1 : i32
      %add3A_217 = vector.broadcast %add3A_216 : i32 to vector<16xi32>
      %add3A_218 = arith.addi %add3A_207, %add3A_217 : vector<16xi32>
      %mul3A_219 = arith.constant 16 : i32
      %mul3A_220 = arith.muli %scan3A_98, %mul3A_219 : i32
      %add3A_221 = arith.constant 11 : i32
      %add3A_222 = arith.addi %mul3A_220, %add3A_221 : i32
      %gather3A_223 = tpu.vector_load_idx %arg9[%iota3A, %add3A_218] : memref<16x1000xf32, #tpu.memory_space<vmem>>[vector<16xi32>, vector<16xi32>], vector<16xf32>,
      %swap3A_224 = arith.index_cast %add3A_222 : i32 to index
      %swap3A_225 = arith.constant 0 : index
      %swap3A_226 = tpu.vector_load %arg10[%swap3A_224, %swap3A_225] {strides = array<i32>} : memref<1000x32xf32, #tpu.memory_space<vmem>>, vector<16xf32>,
      tpu.vector_store %arg10[%swap3A_224, %swap3A_225], %gather3A_223 {strides = array<i32>} : memref<1000x32xf32, #tpu.memory_space<vmem>>, vector<16xf32>,
      %add3A_227 = arith.constant 1 : i32
      %add3A_228 = vector.broadcast %add3A_227 : i32 to vector<16xi32>
      %add3A_229 = arith.addi %add3A_218, %add3A_228 : vector<16xi32>
      %mul3A_230 = arith.constant 16 : i32
      %mul3A_231 = arith.muli %scan3A_98, %mul3A_230 : i32
      %add3A_232 = arith.constant 12 : i32
      %add3A_233 = arith.addi %mul3A_231, %add3A_232 : i32
      %gather3A_234 = tpu.vector_load_idx %arg9[%iota3A, %add3A_229] : memref<16x1000xf32, #tpu.memory_space<vmem>>[vector<16xi32>, vector<16xi32>], vector<16xf32>,
      %swap3A_235 = arith.index_cast %add3A_233 : i32 to index
      %swap3A_236 = arith.constant 0 : index
      %swap3A_237 = tpu.vector_load %arg10[%swap3A_235, %swap3A_236] {strides = array<i32>} : memref<1000x32xf32, #tpu.memory_space<vmem>>, vector<16xf32>,
      tpu.vector_store %arg10[%swap3A_235, %swap3A_236], %gather3A_234 {strides = array<i32>} : memref<1000x32xf32, #tpu.memory_space<vmem>>, vector<16xf32>,
      %add3A_238 = arith.constant 1 : i32
      %add3A_239 = vector.broadcast %add3A_238 : i32 to vector<16xi32>
      %add3A_240 = arith.addi %add3A_229, %add3A_239 : vector<16xi32>
      %mul3A_241 = arith.constant 16 : i32
      %mul3A_242 = arith.muli %scan3A_98, %mul3A_241 : i32
      %add3A_243 = arith.constant 13 : i32
      %add3A_244 = arith.addi %mul3A_242, %add3A_243 : i32
      %gather3A_245 = tpu.vector_load_idx %arg9[%iota3A, %add3A_240] : memref<16x1000xf32, #tpu.memory_space<vmem>>[vector<16xi32>, vector<16xi32>], vector<16xf32>,
      %swap3A_246 = arith.index_cast %add3A_244 : i32 to index
      %swap3A_247 = arith.constant 0 : index
      %swap3A_248 = tpu.vector_load %arg10[%swap3A_246, %swap3A_247] {strides = array<i32>} : memref<1000x32xf32, #tpu.memory_space<vmem>>, vector<16xf32>,
      tpu.vector_store %arg10[%swap3A_246, %swap3A_247], %gather3A_245 {strides = array<i32>} : memref<1000x32xf32, #tpu.memory_space<vmem>>, vector<16xf32>,
      %add3A_249 = arith.constant 1 : i32
      %add3A_250 = vector.broadcast %add3A_249 : i32 to vector<16xi32>
      %add3A_251 = arith.addi %add3A_240, %add3A_250 : vector<16xi32>
      %mul3A_252 = arith.constant 16 : i32
      %mul3A_253 = arith.muli %scan3A_98, %mul3A_252 : i32
      %add3A_254 = arith.constant 14 : i32
      %add3A_255 = arith.addi %mul3A_253, %add3A_254 : i32
      %gather3A_256 = tpu.vector_load_idx %arg9[%iota3A, %add3A_251] : memref<16x1000xf32, #tpu.memory_space<vmem>>[vector<16xi32>, vector<16xi32>], vector<16xf32>,
      %swap3A_257 = arith.index_cast %add3A_255 : i32 to index
      %swap3A_258 = arith.constant 0 : index
      %swap3A_259 = tpu.vector_load %arg10[%swap3A_257, %swap3A_258] {strides = array<i32>} : memref<1000x32xf32, #tpu.memory_space<vmem>>, vector<16xf32>,
      tpu.vector_store %arg10[%swap3A_257, %swap3A_258], %gather3A_256 {strides = array<i32>} : memref<1000x32xf32, #tpu.memory_space<vmem>>, vector<16xf32>,
      %add3A_260 = arith.constant 1 : i32
      %add3A_261 = vector.broadcast %add3A_260 : i32 to vector<16xi32>
      %add3A_262 = arith.addi %add3A_251, %add3A_261 : vector<16xi32>
      %mul3A_263 = arith.constant 16 : i32
      %mul3A_264 = arith.muli %scan3A_98, %mul3A_263 : i32
      %add3A_265 = arith.constant 15 : i32
      %add3A_266 = arith.addi %mul3A_264, %add3A_265 : i32
      %gather3A_267 = tpu.vector_load_idx %arg9[%iota3A, %add3A_262] : memref<16x1000xf32, #tpu.memory_space<vmem>>[vector<16xi32>, vector<16xi32>], vector<16xf32>,
      %swap3A_268 = arith.index_cast %add3A_266 : i32 to index
      %swap3A_269 = arith.constant 0 : index
      %swap3A_270 = tpu.vector_load %arg10[%swap3A_268, %swap3A_269] {strides = array<i32>} : memref<1000x32xf32, #tpu.memory_space<vmem>>, vector<16xf32>,
      tpu.vector_store %arg10[%swap3A_268, %swap3A_269], %gather3A_267 {strides = array<i32>} : memref<1000x32xf32, #tpu.memory_space<vmem>>, vector<16xf32>,
      %add3A_271 = arith.constant 1 : i32
      %add3A_272 = vector.broadcast %add3A_271 : i32 to vector<16xi32>
      %add3A_273 = arith.addi %add3A_262, %add3A_272 : vector<16xi32>
      scf.yield %add3A_273 : vector<16xi32>
    }
    %scan3A_58 = arith.constant 62 : i32
    "tpu.region"() ({
      %run_scoped3A = tpu.sem_alloc : memref<!tpu.dma_semaphore, #tpu.memory_space<semaphore_mem>>
      %dma_start3A_98 = arith.constant 0 : i32
      %dma_start3A_99 = tpu.memref_slice %arg6[%add3A_47, %dma_start3A_98] : memref<160000x32xf32, #tpu.memory_space<hbm>> -> memref<1000x32xf32, #tpu.memory_space<hbm>>
      %dma_start3A_100 = arith.constant 0 : i32
      %dma_start3A_101 = tpu.memref_slice %arg6[%add3A_47, %dma_start3A_100] : memref<160000x32xf32, #tpu.memory_space<hbm>> -> memref<1000x32xf32, #tpu.memory_space<hbm>>
      tpu.enqueue_dma source(%arg10 : memref<1000x32xf32, #tpu.memory_space<vmem>>) target(%dma_start3A_101 : memref<1000x32xf32, #tpu.memory_space<hbm>>) target_semaphore(%run_scoped3A : memref<!tpu.dma_semaphore, #tpu.memory_space<semaphore_mem>>)
      %dma_wait3A_102 = arith.constant 0 : i32
      %dma_wait3A_103 = tpu.memref_slice %arg6[%add3A_47, %dma_wait3A_102] : memref<160000x32xf32, #tpu.memory_space<hbm>> -> memref<1000x32xf32, #tpu.memory_space<hbm>>
      %dma_wait3A_104 = arith.constant 0 : i32
      %dma_wait3A_105 = tpu.memref_slice %arg6[%add3A_47, %dma_wait3A_104] : memref<160000x32xf32, #tpu.memory_space<hbm>> -> memref<1000x32xf32, #tpu.memory_space<hbm>>
      tpu.wait_dma2 semaphore(%run_scoped3A : memref<!tpu.dma_semaphore, #tpu.memory_space<semaphore_mem>>) src(%arg10 : memref<1000x32xf32, #tpu.memory_space<vmem>>) dst(%dma_wait3A_105 : memref<1000x32xf32, #tpu.memory_space<hbm>>)
      tpu.yield
    }) : () -> ()
    %dma_wait3A_59 = arith.constant 0 : i32
    %dma_wait3A_60 = arith.constant 0 : i32
    %dma_wait3A_61 = tpu.memref_slice %arg2[%dma_wait3A_59, %dma_wait3A_60] : memref<10000x32xf32, #tpu.memory_space<hbm>> -> memref<10000x32xf32, #tpu.memory_space<hbm>>
    tpu.wait_indirect_dma semaphore(%arg11 : memref<!tpu.dma_semaphore, #tpu.memory_space<semaphore_mem>>) src(%dma_wait3A_61 : memref<10000x32xf32, #tpu.memory_space<hbm>>) dst(%arg8 : memref<1000x32xf32, #tpu.memory_space<vmem>>)
    "tpu.region"() ({
      %run_scoped3A = tpu.sem_alloc : memref<!tpu.dma_semaphore, #tpu.memory_space<semaphore_mem>>
      %dma_start3A_98 = arith.constant 0 : i32
      %dma_start3A_99 = tpu.memref_slice %arg5[%add3A_47, %dma_start3A_98] : memref<160000x32xf32, #tpu.memory_space<hbm>> -> memref<1000x32xf32, #tpu.memory_space<hbm>>
      %dma_start3A_100 = arith.constant 0 : i32
      %dma_start3A_101 = tpu.memref_slice %arg5[%add3A_47, %dma_start3A_100] : memref<160000x32xf32, #tpu.memory_space<hbm>> -> memref<1000x32xf32, #tpu.memory_space<hbm>>
      tpu.enqueue_dma source(%arg8 : memref<1000x32xf32, #tpu.memory_space<vmem>>) target(%dma_start3A_101 : memref<1000x32xf32, #tpu.memory_space<hbm>>) target_semaphore(%run_scoped3A : memref<!tpu.dma_semaphore, #tpu.memory_space<semaphore_mem>>)
      %dma_wait3A_102 = arith.constant 0 : i32
      %dma_wait3A_103 = tpu.memref_slice %arg5[%add3A_47, %dma_wait3A_102] : memref<160000x32xf32, #tpu.memory_space<hbm>> -> memref<1000x32xf32, #tpu.memory_space<hbm>>
      %dma_wait3A_104 = arith.constant 0 : i32
      %dma_wait3A_105 = tpu.memref_slice %arg5[%add3A_47, %dma_wait3A_104] : memref<160000x32xf32, #tpu.memory_space<hbm>> -> memref<1000x32xf32, #tpu.memory_space<hbm>>
      tpu.wait_dma2 semaphore(%run_scoped3A : memref<!tpu.dma_semaphore, #tpu.memory_space<semaphore_mem>>) src(%arg8 : memref<1000x32xf32, #tpu.memory_space<vmem>>) dst(%dma_wait3A_105 : memref<1000x32xf32, #tpu.memory_space<hbm>>)
      tpu.yield
    }) : () -> ()
    %mul3A_62 = arith.constant 5000 : i32
    %mul3A_63 = arith.muli %add3A, %mul3A_62 : i32
    %add3A_64 = arith.constant 3000 : i32
    %add3A_65 = arith.addi %mul3A_63, %add3A_64 : i32
    "tpu.region"() ({
      %run_scoped3A = tpu.sem_alloc : memref<!tpu.dma_semaphore, #tpu.memory_space<semaphore_mem>>
      %dma_start3A_98 = tpu.memref_slice %arg3[%add3A_65] : memref<160000xi32, #tpu.memory_space<hbm>> -> memref<1000xi32, #tpu.memory_space<hbm>>
      %dma_start3A_99 = tpu.memref_slice %arg3[%add3A_65] : memref<160000xi32, #tpu.memory_space<hbm>> -> memref<1000xi32, #tpu.memory_space<hbm>>
      tpu.enqueue_dma source(%dma_start3A_99 : memref<1000xi32, #tpu.memory_space<hbm>>) target(%arg7 : memref<1000xi32, #tpu.memory_space<vmem>>) target_semaphore(%run_scoped3A : memref<!tpu.dma_semaphore, #tpu.memory_space<semaphore_mem>>)
      %dma_wait3A_100 = tpu.memref_slice %arg3[%add3A_65] : memref<160000xi32, #tpu.memory_space<hbm>> -> memref<1000xi32, #tpu.memory_space<hbm>>
      %dma_wait3A_101 = tpu.memref_slice %arg3[%add3A_65] : memref<160000xi32, #tpu.memory_space<hbm>> -> memref<1000xi32, #tpu.memory_space<hbm>>
      tpu.wait_dma2 semaphore(%run_scoped3A : memref<!tpu.dma_semaphore, #tpu.memory_space<semaphore_mem>>) src(%dma_wait3A_101 : memref<1000xi32, #tpu.memory_space<hbm>>) dst(%arg7 : memref<1000xi32, #tpu.memory_space<vmem>>)
      tpu.yield
    }) : () -> ()
    %dma_start3A_66 = arith.constant 0 : i32
    %dma_start3A_67 = arith.constant 0 : i32
    %dma_start3A_68 = tpu.memref_slice %arg2[%dma_start3A_66, %dma_start3A_67] : memref<10000x32xf32, #tpu.memory_space<hbm>> -> memref<10000x32xf32, #tpu.memory_space<hbm>>
    tpu.enqueue_indirect_dma source(%dma_start3A_68 : memref<10000x32xf32, #tpu.memory_space<hbm>>) target(%arg8 : memref<1000x32xf32, #tpu.memory_space<vmem>>) offsets(%arg7 : memref<1000xi32, #tpu.memory_space<vmem>>) semaphore(%arg11 : memref<!tpu.dma_semaphore, #tpu.memory_space<semaphore_mem>>)
    "tpu.region"() ({
      %run_scoped3A = tpu.sem_alloc : memref<!tpu.dma_semaphore, #tpu.memory_space<semaphore_mem>>
      %dma_start3A_98 = arith.constant 0 : i32
      %dma_start3A_99 = tpu.memref_slice %arg4[%dma_start3A_98, %add3A_65] : memref<16x160000xf32, #tpu.memory_space<hbm>> -> memref<16x1000xf32, #tpu.memory_space<hbm>>
      %dma_start3A_100 = arith.constant 0 : i32
      %dma_start3A_101 = tpu.memref_slice %arg4[%dma_start3A_100, %add3A_65] : memref<16x160000xf32, #tpu.memory_space<hbm>> -> memref<16x1000xf32, #tpu.memory_space<hbm>>
      tpu.enqueue_dma source(%dma_start3A_101 : memref<16x1000xf32, #tpu.memory_space<hbm>>) target(%arg9 : memref<16x1000xf32, #tpu.memory_space<vmem>>) target_semaphore(%run_scoped3A : memref<!tpu.dma_semaphore, #tpu.memory_space<semaphore_mem>>)
      %dma_wait3A_102 = arith.constant 0 : i32
      %dma_wait3A_103 = tpu.memref_slice %arg4[%dma_wait3A_102, %add3A_65] : memref<16x160000xf32, #tpu.memory_space<hbm>> -> memref<16x1000xf32, #tpu.memory_space<hbm>>
      %dma_wait3A_104 = arith.constant 0 : i32
      %dma_wait3A_105 = tpu.memref_slice %arg4[%dma_wait3A_104, %add3A_65] : memref<16x160000xf32, #tpu.memory_space<hbm>> -> memref<16x1000xf32, #tpu.memory_space<hbm>>
      tpu.wait_dma2 semaphore(%run_scoped3A : memref<!tpu.dma_semaphore, #tpu.memory_space<semaphore_mem>>) src(%dma_wait3A_105 : memref<16x1000xf32, #tpu.memory_space<hbm>>) dst(%arg9 : memref<16x1000xf32, #tpu.memory_space<vmem>>)
      tpu.yield
    }) : () -> ()
    %broadcast_in_dim3A_69 = arith.constant 0 : i32
    %broadcast_in_dim3A_70 = vector.broadcast %broadcast_in_dim3A_69 : i32 to vector<16xi32>
    %scan3A_71 = arith.constant 0 : i32
    %scan3A_72 = arith.constant 62 : i32
    %scan3A_73 = arith.addi %scan3A_71, %scan3A_72 : i32
    %scan3A_74 = arith.constant 1 : i32
    %scan3A_75 = scf.for %scan3A_98 = %scan3A_71 to %scan3A_73 step %scan3A_74 iter_args(%scan3A_99 = %broadcast_in_dim3A_70) -> (vector<16xi32>)  : i32 {
      %mul3A_100 = arith.constant 16 : i32
      %mul3A_101 = arith.muli %scan3A_98, %mul3A_100 : i32
      %add3A_102 = arith.constant 0 : i32
      %add3A_103 = arith.addi %mul3A_101, %add3A_102 : i32
      %gather3A = tpu.vector_load_idx %arg9[%iota3A, %scan3A_99] : memref<16x1000xf32, #tpu.memory_space<vmem>>[vector<16xi32>, vector<16xi32>], vector<16xf32>,
      %swap3A = arith.index_cast %add3A_103 : i32 to index
      %swap3A_104 = arith.constant 0 : index
      %swap3A_105 = tpu.vector_load %arg10[%swap3A, %swap3A_104] {strides = array<i32>} : memref<1000x32xf32, #tpu.memory_space<vmem>>, vector<16xf32>,
      tpu.vector_store %arg10[%swap3A, %swap3A_104], %gather3A {strides = array<i32>} : memref<1000x32xf32, #tpu.memory_space<vmem>>, vector<16xf32>,
      %add3A_106 = arith.constant 1 : i32
      %add3A_107 = vector.broadcast %add3A_106 : i32 to vector<16xi32>
      %add3A_108 = arith.addi %scan3A_99, %add3A_107 : vector<16xi32>
      %mul3A_109 = arith.constant 16 : i32
      %mul3A_110 = arith.muli %scan3A_98, %mul3A_109 : i32
      %add3A_111 = arith.constant 1 : i32
      %add3A_112 = arith.addi %mul3A_110, %add3A_111 : i32
      %gather3A_113 = tpu.vector_load_idx %arg9[%iota3A, %add3A_108] : memref<16x1000xf32, #tpu.memory_space<vmem>>[vector<16xi32>, vector<16xi32>], vector<16xf32>,
      %swap3A_114 = arith.index_cast %add3A_112 : i32 to index
      %swap3A_115 = arith.constant 0 : index
      %swap3A_116 = tpu.vector_load %arg10[%swap3A_114, %swap3A_115] {strides = array<i32>} : memref<1000x32xf32, #tpu.memory_space<vmem>>, vector<16xf32>,
      tpu.vector_store %arg10[%swap3A_114, %swap3A_115], %gather3A_113 {strides = array<i32>} : memref<1000x32xf32, #tpu.memory_space<vmem>>, vector<16xf32>,
      %add3A_117 = arith.constant 1 : i32
      %add3A_118 = vector.broadcast %add3A_117 : i32 to vector<16xi32>
      %add3A_119 = arith.addi %add3A_108, %add3A_118 : vector<16xi32>
      %mul3A_120 = arith.constant 16 : i32
      %mul3A_121 = arith.muli %scan3A_98, %mul3A_120 : i32
      %add3A_122 = arith.constant 2 : i32
      %add3A_123 = arith.addi %mul3A_121, %add3A_122 : i32
      %gather3A_124 = tpu.vector_load_idx %arg9[%iota3A, %add3A_119] : memref<16x1000xf32, #tpu.memory_space<vmem>>[vector<16xi32>, vector<16xi32>], vector<16xf32>,
      %swap3A_125 = arith.index_cast %add3A_123 : i32 to index
      %swap3A_126 = arith.constant 0 : index
      %swap3A_127 = tpu.vector_load %arg10[%swap3A_125, %swap3A_126] {strides = array<i32>} : memref<1000x32xf32, #tpu.memory_space<vmem>>, vector<16xf32>,
      tpu.vector_store %arg10[%swap3A_125, %swap3A_126], %gather3A_124 {strides = array<i32>} : memref<1000x32xf32, #tpu.memory_space<vmem>>, vector<16xf32>,
      %add3A_128 = arith.constant 1 : i32
      %add3A_129 = vector.broadcast %add3A_128 : i32 to vector<16xi32>
      %add3A_130 = arith.addi %add3A_119, %add3A_129 : vector<16xi32>
      %mul3A_131 = arith.constant 16 : i32
      %mul3A_132 = arith.muli %scan3A_98, %mul3A_131 : i32
      %add3A_133 = arith.constant 3 : i32
      %add3A_134 = arith.addi %mul3A_132, %add3A_133 : i32
      %gather3A_135 = tpu.vector_load_idx %arg9[%iota3A, %add3A_130] : memref<16x1000xf32, #tpu.memory_space<vmem>>[vector<16xi32>, vector<16xi32>], vector<16xf32>,
      %swap3A_136 = arith.index_cast %add3A_134 : i32 to index
      %swap3A_137 = arith.constant 0 : index
      %swap3A_138 = tpu.vector_load %arg10[%swap3A_136, %swap3A_137] {strides = array<i32>} : memref<1000x32xf32, #tpu.memory_space<vmem>>, vector<16xf32>,
      tpu.vector_store %arg10[%swap3A_136, %swap3A_137], %gather3A_135 {strides = array<i32>} : memref<1000x32xf32, #tpu.memory_space<vmem>>, vector<16xf32>,
      %add3A_139 = arith.constant 1 : i32
      %add3A_140 = vector.broadcast %add3A_139 : i32 to vector<16xi32>
      %add3A_141 = arith.addi %add3A_130, %add3A_140 : vector<16xi32>
      %mul3A_142 = arith.constant 16 : i32
      %mul3A_143 = arith.muli %scan3A_98, %mul3A_142 : i32
      %add3A_144 = arith.constant 4 : i32
      %add3A_145 = arith.addi %mul3A_143, %add3A_144 : i32
      %gather3A_146 = tpu.vector_load_idx %arg9[%iota3A, %add3A_141] : memref<16x1000xf32, #tpu.memory_space<vmem>>[vector<16xi32>, vector<16xi32>], vector<16xf32>,
      %swap3A_147 = arith.index_cast %add3A_145 : i32 to index
      %swap3A_148 = arith.constant 0 : index
      %swap3A_149 = tpu.vector_load %arg10[%swap3A_147, %swap3A_148] {strides = array<i32>} : memref<1000x32xf32, #tpu.memory_space<vmem>>, vector<16xf32>,
      tpu.vector_store %arg10[%swap3A_147, %swap3A_148], %gather3A_146 {strides = array<i32>} : memref<1000x32xf32, #tpu.memory_space<vmem>>, vector<16xf32>,
      %add3A_150 = arith.constant 1 : i32
      %add3A_151 = vector.broadcast %add3A_150 : i32 to vector<16xi32>
      %add3A_152 = arith.addi %add3A_141, %add3A_151 : vector<16xi32>
      %mul3A_153 = arith.constant 16 : i32
      %mul3A_154 = arith.muli %scan3A_98, %mul3A_153 : i32
      %add3A_155 = arith.constant 5 : i32
      %add3A_156 = arith.addi %mul3A_154, %add3A_155 : i32
      %gather3A_157 = tpu.vector_load_idx %arg9[%iota3A, %add3A_152] : memref<16x1000xf32, #tpu.memory_space<vmem>>[vector<16xi32>, vector<16xi32>], vector<16xf32>,
      %swap3A_158 = arith.index_cast %add3A_156 : i32 to index
      %swap3A_159 = arith.constant 0 : index
      %swap3A_160 = tpu.vector_load %arg10[%swap3A_158, %swap3A_159] {strides = array<i32>} : memref<1000x32xf32, #tpu.memory_space<vmem>>, vector<16xf32>,
      tpu.vector_store %arg10[%swap3A_158, %swap3A_159], %gather3A_157 {strides = array<i32>} : memref<1000x32xf32, #tpu.memory_space<vmem>>, vector<16xf32>,
      %add3A_161 = arith.constant 1 : i32
      %add3A_162 = vector.broadcast %add3A_161 : i32 to vector<16xi32>
      %add3A_163 = arith.addi %add3A_152, %add3A_162 : vector<16xi32>
      %mul3A_164 = arith.constant 16 : i32
      %mul3A_165 = arith.muli %scan3A_98, %mul3A_164 : i32
      %add3A_166 = arith.constant 6 : i32
      %add3A_167 = arith.addi %mul3A_165, %add3A_166 : i32
      %gather3A_168 = tpu.vector_load_idx %arg9[%iota3A, %add3A_163] : memref<16x1000xf32, #tpu.memory_space<vmem>>[vector<16xi32>, vector<16xi32>], vector<16xf32>,
      %swap3A_169 = arith.index_cast %add3A_167 : i32 to index
      %swap3A_170 = arith.constant 0 : index
      %swap3A_171 = tpu.vector_load %arg10[%swap3A_169, %swap3A_170] {strides = array<i32>} : memref<1000x32xf32, #tpu.memory_space<vmem>>, vector<16xf32>,
      tpu.vector_store %arg10[%swap3A_169, %swap3A_170], %gather3A_168 {strides = array<i32>} : memref<1000x32xf32, #tpu.memory_space<vmem>>, vector<16xf32>,
      %add3A_172 = arith.constant 1 : i32
      %add3A_173 = vector.broadcast %add3A_172 : i32 to vector<16xi32>
      %add3A_174 = arith.addi %add3A_163, %add3A_173 : vector<16xi32>
      %mul3A_175 = arith.constant 16 : i32
      %mul3A_176 = arith.muli %scan3A_98, %mul3A_175 : i32
      %add3A_177 = arith.constant 7 : i32
      %add3A_178 = arith.addi %mul3A_176, %add3A_177 : i32
      %gather3A_179 = tpu.vector_load_idx %arg9[%iota3A, %add3A_174] : memref<16x1000xf32, #tpu.memory_space<vmem>>[vector<16xi32>, vector<16xi32>], vector<16xf32>,
      %swap3A_180 = arith.index_cast %add3A_178 : i32 to index
      %swap3A_181 = arith.constant 0 : index
      %swap3A_182 = tpu.vector_load %arg10[%swap3A_180, %swap3A_181] {strides = array<i32>} : memref<1000x32xf32, #tpu.memory_space<vmem>>, vector<16xf32>,
      tpu.vector_store %arg10[%swap3A_180, %swap3A_181], %gather3A_179 {strides = array<i32>} : memref<1000x32xf32, #tpu.memory_space<vmem>>, vector<16xf32>,
      %add3A_183 = arith.constant 1 : i32
      %add3A_184 = vector.broadcast %add3A_183 : i32 to vector<16xi32>
      %add3A_185 = arith.addi %add3A_174, %add3A_184 : vector<16xi32>
      %mul3A_186 = arith.constant 16 : i32
      %mul3A_187 = arith.muli %scan3A_98, %mul3A_186 : i32
      %add3A_188 = arith.constant 8 : i32
      %add3A_189 = arith.addi %mul3A_187, %add3A_188 : i32
      %gather3A_190 = tpu.vector_load_idx %arg9[%iota3A, %add3A_185] : memref<16x1000xf32, #tpu.memory_space<vmem>>[vector<16xi32>, vector<16xi32>], vector<16xf32>,
      %swap3A_191 = arith.index_cast %add3A_189 : i32 to index
      %swap3A_192 = arith.constant 0 : index
      %swap3A_193 = tpu.vector_load %arg10[%swap3A_191, %swap3A_192] {strides = array<i32>} : memref<1000x32xf32, #tpu.memory_space<vmem>>, vector<16xf32>,
      tpu.vector_store %arg10[%swap3A_191, %swap3A_192], %gather3A_190 {strides = array<i32>} : memref<1000x32xf32, #tpu.memory_space<vmem>>, vector<16xf32>,
      %add3A_194 = arith.constant 1 : i32
      %add3A_195 = vector.broadcast %add3A_194 : i32 to vector<16xi32>
      %add3A_196 = arith.addi %add3A_185, %add3A_195 : vector<16xi32>
      %mul3A_197 = arith.constant 16 : i32
      %mul3A_198 = arith.muli %scan3A_98, %mul3A_197 : i32
      %add3A_199 = arith.constant 9 : i32
      %add3A_200 = arith.addi %mul3A_198, %add3A_199 : i32
      %gather3A_201 = tpu.vector_load_idx %arg9[%iota3A, %add3A_196] : memref<16x1000xf32, #tpu.memory_space<vmem>>[vector<16xi32>, vector<16xi32>], vector<16xf32>,
      %swap3A_202 = arith.index_cast %add3A_200 : i32 to index
      %swap3A_203 = arith.constant 0 : index
      %swap3A_204 = tpu.vector_load %arg10[%swap3A_202, %swap3A_203] {strides = array<i32>} : memref<1000x32xf32, #tpu.memory_space<vmem>>, vector<16xf32>,
      tpu.vector_store %arg10[%swap3A_202, %swap3A_203], %gather3A_201 {strides = array<i32>} : memref<1000x32xf32, #tpu.memory_space<vmem>>, vector<16xf32>,
      %add3A_205 = arith.constant 1 : i32
      %add3A_206 = vector.broadcast %add3A_205 : i32 to vector<16xi32>
      %add3A_207 = arith.addi %add3A_196, %add3A_206 : vector<16xi32>
      %mul3A_208 = arith.constant 16 : i32
      %mul3A_209 = arith.muli %scan3A_98, %mul3A_208 : i32
      %add3A_210 = arith.constant 10 : i32
      %add3A_211 = arith.addi %mul3A_209, %add3A_210 : i32
      %gather3A_212 = tpu.vector_load_idx %arg9[%iota3A, %add3A_207] : memref<16x1000xf32, #tpu.memory_space<vmem>>[vector<16xi32>, vector<16xi32>], vector<16xf32>,
      %swap3A_213 = arith.index_cast %add3A_211 : i32 to index
      %swap3A_214 = arith.constant 0 : index
      %swap3A_215 = tpu.vector_load %arg10[%swap3A_213, %swap3A_214] {strides = array<i32>} : memref<1000x32xf32, #tpu.memory_space<vmem>>, vector<16xf32>,
      tpu.vector_store %arg10[%swap3A_213, %swap3A_214], %gather3A_212 {strides = array<i32>} : memref<1000x32xf32, #tpu.memory_space<vmem>>, vector<16xf32>,
      %add3A_216 = arith.constant 1 : i32
      %add3A_217 = vector.broadcast %add3A_216 : i32 to vector<16xi32>
      %add3A_218 = arith.addi %add3A_207, %add3A_217 : vector<16xi32>
      %mul3A_219 = arith.constant 16 : i32
      %mul3A_220 = arith.muli %scan3A_98, %mul3A_219 : i32
      %add3A_221 = arith.constant 11 : i32
      %add3A_222 = arith.addi %mul3A_220, %add3A_221 : i32
      %gather3A_223 = tpu.vector_load_idx %arg9[%iota3A, %add3A_218] : memref<16x1000xf32, #tpu.memory_space<vmem>>[vector<16xi32>, vector<16xi32>], vector<16xf32>,
      %swap3A_224 = arith.index_cast %add3A_222 : i32 to index
      %swap3A_225 = arith.constant 0 : index
      %swap3A_226 = tpu.vector_load %arg10[%swap3A_224, %swap3A_225] {strides = array<i32>} : memref<1000x32xf32, #tpu.memory_space<vmem>>, vector<16xf32>,
      tpu.vector_store %arg10[%swap3A_224, %swap3A_225], %gather3A_223 {strides = array<i32>} : memref<1000x32xf32, #tpu.memory_space<vmem>>, vector<16xf32>,
      %add3A_227 = arith.constant 1 : i32
      %add3A_228 = vector.broadcast %add3A_227 : i32 to vector<16xi32>
      %add3A_229 = arith.addi %add3A_218, %add3A_228 : vector<16xi32>
      %mul3A_230 = arith.constant 16 : i32
      %mul3A_231 = arith.muli %scan3A_98, %mul3A_230 : i32
      %add3A_232 = arith.constant 12 : i32
      %add3A_233 = arith.addi %mul3A_231, %add3A_232 : i32
      %gather3A_234 = tpu.vector_load_idx %arg9[%iota3A, %add3A_229] : memref<16x1000xf32, #tpu.memory_space<vmem>>[vector<16xi32>, vector<16xi32>], vector<16xf32>,
      %swap3A_235 = arith.index_cast %add3A_233 : i32 to index
      %swap3A_236 = arith.constant 0 : index
      %swap3A_237 = tpu.vector_load %arg10[%swap3A_235, %swap3A_236] {strides = array<i32>} : memref<1000x32xf32, #tpu.memory_space<vmem>>, vector<16xf32>,
      tpu.vector_store %arg10[%swap3A_235, %swap3A_236], %gather3A_234 {strides = array<i32>} : memref<1000x32xf32, #tpu.memory_space<vmem>>, vector<16xf32>,
      %add3A_238 = arith.constant 1 : i32
      %add3A_239 = vector.broadcast %add3A_238 : i32 to vector<16xi32>
      %add3A_240 = arith.addi %add3A_229, %add3A_239 : vector<16xi32>
      %mul3A_241 = arith.constant 16 : i32
      %mul3A_242 = arith.muli %scan3A_98, %mul3A_241 : i32
      %add3A_243 = arith.constant 13 : i32
      %add3A_244 = arith.addi %mul3A_242, %add3A_243 : i32
      %gather3A_245 = tpu.vector_load_idx %arg9[%iota3A, %add3A_240] : memref<16x1000xf32, #tpu.memory_space<vmem>>[vector<16xi32>, vector<16xi32>], vector<16xf32>,
      %swap3A_246 = arith.index_cast %add3A_244 : i32 to index
      %swap3A_247 = arith.constant 0 : index
      %swap3A_248 = tpu.vector_load %arg10[%swap3A_246, %swap3A_247] {strides = array<i32>} : memref<1000x32xf32, #tpu.memory_space<vmem>>, vector<16xf32>,
      tpu.vector_store %arg10[%swap3A_246, %swap3A_247], %gather3A_245 {strides = array<i32>} : memref<1000x32xf32, #tpu.memory_space<vmem>>, vector<16xf32>,
      %add3A_249 = arith.constant 1 : i32
      %add3A_250 = vector.broadcast %add3A_249 : i32 to vector<16xi32>
      %add3A_251 = arith.addi %add3A_240, %add3A_250 : vector<16xi32>
      %mul3A_252 = arith.constant 16 : i32
      %mul3A_253 = arith.muli %scan3A_98, %mul3A_252 : i32
      %add3A_254 = arith.constant 14 : i32
      %add3A_255 = arith.addi %mul3A_253, %add3A_254 : i32
      %gather3A_256 = tpu.vector_load_idx %arg9[%iota3A, %add3A_251] : memref<16x1000xf32, #tpu.memory_space<vmem>>[vector<16xi32>, vector<16xi32>], vector<16xf32>,
      %swap3A_257 = arith.index_cast %add3A_255 : i32 to index
      %swap3A_258 = arith.constant 0 : index
      %swap3A_259 = tpu.vector_load %arg10[%swap3A_257, %swap3A_258] {strides = array<i32>} : memref<1000x32xf32, #tpu.memory_space<vmem>>, vector<16xf32>,
      tpu.vector_store %arg10[%swap3A_257, %swap3A_258], %gather3A_256 {strides = array<i32>} : memref<1000x32xf32, #tpu.memory_space<vmem>>, vector<16xf32>,
      %add3A_260 = arith.constant 1 : i32
      %add3A_261 = vector.broadcast %add3A_260 : i32 to vector<16xi32>
      %add3A_262 = arith.addi %add3A_251, %add3A_261 : vector<16xi32>
      %mul3A_263 = arith.constant 16 : i32
      %mul3A_264 = arith.muli %scan3A_98, %mul3A_263 : i32
      %add3A_265 = arith.constant 15 : i32
      %add3A_266 = arith.addi %mul3A_264, %add3A_265 : i32
      %gather3A_267 = tpu.vector_load_idx %arg9[%iota3A, %add3A_262] : memref<16x1000xf32, #tpu.memory_space<vmem>>[vector<16xi32>, vector<16xi32>], vector<16xf32>,
      %swap3A_268 = arith.index_cast %add3A_266 : i32 to index
      %swap3A_269 = arith.constant 0 : index
      %swap3A_270 = tpu.vector_load %arg10[%swap3A_268, %swap3A_269] {strides = array<i32>} : memref<1000x32xf32, #tpu.memory_space<vmem>>, vector<16xf32>,
      tpu.vector_store %arg10[%swap3A_268, %swap3A_269], %gather3A_267 {strides = array<i32>} : memref<1000x32xf32, #tpu.memory_space<vmem>>, vector<16xf32>,
      %add3A_271 = arith.constant 1 : i32
      %add3A_272 = vector.broadcast %add3A_271 : i32 to vector<16xi32>
      %add3A_273 = arith.addi %add3A_262, %add3A_272 : vector<16xi32>
      scf.yield %add3A_273 : vector<16xi32>
    }
    %scan3A_76 = arith.constant 62 : i32
    "tpu.region"() ({
      %run_scoped3A = tpu.sem_alloc : memref<!tpu.dma_semaphore, #tpu.memory_space<semaphore_mem>>
      %dma_start3A_98 = arith.constant 0 : i32
      %dma_start3A_99 = tpu.memref_slice %arg6[%add3A_65, %dma_start3A_98] : memref<160000x32xf32, #tpu.memory_space<hbm>> -> memref<1000x32xf32, #tpu.memory_space<hbm>>
      %dma_start3A_100 = arith.constant 0 : i32
      %dma_start3A_101 = tpu.memref_slice %arg6[%add3A_65, %dma_start3A_100] : memref<160000x32xf32, #tpu.memory_space<hbm>> -> memref<1000x32xf32, #tpu.memory_space<hbm>>
      tpu.enqueue_dma source(%arg10 : memref<1000x32xf32, #tpu.memory_space<vmem>>) target(%dma_start3A_101 : memref<1000x32xf32, #tpu.memory_space<hbm>>) target_semaphore(%run_scoped3A : memref<!tpu.dma_semaphore, #tpu.memory_space<semaphore_mem>>)
      %dma_wait3A_102 = arith.constant 0 : i32
      %dma_wait3A_103 = tpu.memref_slice %arg6[%add3A_65, %dma_wait3A_102] : memref<160000x32xf32, #tpu.memory_space<hbm>> -> memref<1000x32xf32, #tpu.memory_space<hbm>>
      %dma_wait3A_104 = arith.constant 0 : i32
      %dma_wait3A_105 = tpu.memref_slice %arg6[%add3A_65, %dma_wait3A_104] : memref<160000x32xf32, #tpu.memory_space<hbm>> -> memref<1000x32xf32, #tpu.memory_space<hbm>>
      tpu.wait_dma2 semaphore(%run_scoped3A : memref<!tpu.dma_semaphore, #tpu.memory_space<semaphore_mem>>) src(%arg10 : memref<1000x32xf32, #tpu.memory_space<vmem>>) dst(%dma_wait3A_105 : memref<1000x32xf32, #tpu.memory_space<hbm>>)
      tpu.yield
    }) : () -> ()
    %dma_wait3A_77 = arith.constant 0 : i32
    %dma_wait3A_78 = arith.constant 0 : i32
    %dma_wait3A_79 = tpu.memref_slice %arg2[%dma_wait3A_77, %dma_wait3A_78] : memref<10000x32xf32, #tpu.memory_space<hbm>> -> memref<10000x32xf32, #tpu.memory_space<hbm>>
    tpu.wait_indirect_dma semaphore(%arg11 : memref<!tpu.dma_semaphore, #tpu.memory_space<semaphore_mem>>) src(%dma_wait3A_79 : memref<10000x32xf32, #tpu.memory_space<hbm>>) dst(%arg8 : memref<1000x32xf32, #tpu.memory_space<vmem>>)
    "tpu.region"() ({
      %run_scoped3A = tpu.sem_alloc : memref<!tpu.dma_semaphore, #tpu.memory_space<semaphore_mem>>
      %dma_start3A_98 = arith.constant 0 : i32
      %dma_start3A_99 = tpu.memref_slice %arg5[%add3A_65, %dma_start3A_98] : memref<160000x32xf32, #tpu.memory_space<hbm>> -> memref<1000x32xf32, #tpu.memory_space<hbm>>
      %dma_start3A_100 = arith.constant 0 : i32
      %dma_start3A_101 = tpu.memref_slice %arg5[%add3A_65, %dma_start3A_100] : memref<160000x32xf32, #tpu.memory_space<hbm>> -> memref<1000x32xf32, #tpu.memory_space<hbm>>
      tpu.enqueue_dma source(%arg8 : memref<1000x32xf32, #tpu.memory_space<vmem>>) target(%dma_start3A_101 : memref<1000x32xf32, #tpu.memory_space<hbm>>) target_semaphore(%run_scoped3A : memref<!tpu.dma_semaphore, #tpu.memory_space<semaphore_mem>>)
      %dma_wait3A_102 = arith.constant 0 : i32
      %dma_wait3A_103 = tpu.memref_slice %arg5[%add3A_65, %dma_wait3A_102] : memref<160000x32xf32, #tpu.memory_space<hbm>> -> memref<1000x32xf32, #tpu.memory_space<hbm>>
      %dma_wait3A_104 = arith.constant 0 : i32
      %dma_wait3A_105 = tpu.memref_slice %arg5[%add3A_65, %dma_wait3A_104] : memref<160000x32xf32, #tpu.memory_space<hbm>> -> memref<1000x32xf32, #tpu.memory_space<hbm>>
      tpu.wait_dma2 semaphore(%run_scoped3A : memref<!tpu.dma_semaphore, #tpu.memory_space<semaphore_mem>>) src(%arg8 : memref<1000x32xf32, #tpu.memory_space<vmem>>) dst(%dma_wait3A_105 : memref<1000x32xf32, #tpu.memory_space<hbm>>)
      tpu.yield
    }) : () -> ()
    %mul3A_80 = arith.constant 5000 : i32
    %mul3A_81 = arith.muli %add3A, %mul3A_80 : i32
    %add3A_82 = arith.constant 4000 : i32
    %add3A_83 = arith.addi %mul3A_81, %add3A_82 : i32
    "tpu.region"() ({
      %run_scoped3A = tpu.sem_alloc : memref<!tpu.dma_semaphore, #tpu.memory_space<semaphore_mem>>
      %dma_start3A_98 = tpu.memref_slice %arg3[%add3A_83] : memref<160000xi32, #tpu.memory_space<hbm>> -> memref<1000xi32, #tpu.memory_space<hbm>>
      %dma_start3A_99 = tpu.memref_slice %arg3[%add3A_83] : memref<160000xi32, #tpu.memory_space<hbm>> -> memref<1000xi32, #tpu.memory_space<hbm>>
      tpu.enqueue_dma source(%dma_start3A_99 : memref<1000xi32, #tpu.memory_space<hbm>>) target(%arg7 : memref<1000xi32, #tpu.memory_space<vmem>>) target_semaphore(%run_scoped3A : memref<!tpu.dma_semaphore, #tpu.memory_space<semaphore_mem>>)
      %dma_wait3A_100 = tpu.memref_slice %arg3[%add3A_83] : memref<160000xi32, #tpu.memory_space<hbm>> -> memref<1000xi32, #tpu.memory_space<hbm>>
      %dma_wait3A_101 = tpu.memref_slice %arg3[%add3A_83] : memref<160000xi32, #tpu.memory_space<hbm>> -> memref<1000xi32, #tpu.memory_space<hbm>>
      tpu.wait_dma2 semaphore(%run_scoped3A : memref<!tpu.dma_semaphore, #tpu.memory_space<semaphore_mem>>) src(%dma_wait3A_101 : memref<1000xi32, #tpu.memory_space<hbm>>) dst(%arg7 : memref<1000xi32, #tpu.memory_space<vmem>>)
      tpu.yield
    }) : () -> ()
    %dma_start3A_84 = arith.constant 0 : i32
    %dma_start3A_85 = arith.constant 0 : i32
    %dma_start3A_86 = tpu.memref_slice %arg2[%dma_start3A_84, %dma_start3A_85] : memref<10000x32xf32, #tpu.memory_space<hbm>> -> memref<10000x32xf32, #tpu.memory_space<hbm>>
    tpu.enqueue_indirect_dma source(%dma_start3A_86 : memref<10000x32xf32, #tpu.memory_space<hbm>>) target(%arg8 : memref<1000x32xf32, #tpu.memory_space<vmem>>) offsets(%arg7 : memref<1000xi32, #tpu.memory_space<vmem>>) semaphore(%arg11 : memref<!tpu.dma_semaphore, #tpu.memory_space<semaphore_mem>>)
    "tpu.region"() ({
      %run_scoped3A = tpu.sem_alloc : memref<!tpu.dma_semaphore, #tpu.memory_space<semaphore_mem>>
      %dma_start3A_98 = arith.constant 0 : i32
      %dma_start3A_99 = tpu.memref_slice %arg4[%dma_start3A_98, %add3A_83] : memref<16x160000xf32, #tpu.memory_space<hbm>> -> memref<16x1000xf32, #tpu.memory_space<hbm>>
      %dma_start3A_100 = arith.constant 0 : i32
      %dma_start3A_101 = tpu.memref_slice %arg4[%dma_start3A_100, %add3A_83] : memref<16x160000xf32, #tpu.memory_space<hbm>> -> memref<16x1000xf32, #tpu.memory_space<hbm>>
      tpu.enqueue_dma source(%dma_start3A_101 : memref<16x1000xf32, #tpu.memory_space<hbm>>) target(%arg9 : memref<16x1000xf32, #tpu.memory_space<vmem>>) target_semaphore(%run_scoped3A : memref<!tpu.dma_semaphore, #tpu.memory_space<semaphore_mem>>)
      %dma_wait3A_102 = arith.constant 0 : i32
      %dma_wait3A_103 = tpu.memref_slice %arg4[%dma_wait3A_102, %add3A_83] : memref<16x160000xf32, #tpu.memory_space<hbm>> -> memref<16x1000xf32, #tpu.memory_space<hbm>>
      %dma_wait3A_104 = arith.constant 0 : i32
      %dma_wait3A_105 = tpu.memref_slice %arg4[%dma_wait3A_104, %add3A_83] : memref<16x160000xf32, #tpu.memory_space<hbm>> -> memref<16x1000xf32, #tpu.memory_space<hbm>>
      tpu.wait_dma2 semaphore(%run_scoped3A : memref<!tpu.dma_semaphore, #tpu.memory_space<semaphore_mem>>) src(%dma_wait3A_105 : memref<16x1000xf32, #tpu.memory_space<hbm>>) dst(%arg9 : memref<16x1000xf32, #tpu.memory_space<vmem>>)
      tpu.yield
    }) : () -> ()
    %broadcast_in_dim3A_87 = arith.constant 0 : i32
    %broadcast_in_dim3A_88 = vector.broadcast %broadcast_in_dim3A_87 : i32 to vector<16xi32>
    %scan3A_89 = arith.constant 0 : i32
    %scan3A_90 = arith.constant 62 : i32
    %scan3A_91 = arith.addi %scan3A_89, %scan3A_90 : i32
    %scan3A_92 = arith.constant 1 : i32
    %scan3A_93 = scf.for %scan3A_98 = %scan3A_89 to %scan3A_91 step %scan3A_92 iter_args(%scan3A_99 = %broadcast_in_dim3A_88) -> (vector<16xi32>)  : i32 {
      %mul3A_100 = arith.constant 16 : i32
      %mul3A_101 = arith.muli %scan3A_98, %mul3A_100 : i32
      %add3A_102 = arith.constant 0 : i32
      %add3A_103 = arith.addi %mul3A_101, %add3A_102 : i32
      %gather3A = tpu.vector_load_idx %arg9[%iota3A, %scan3A_99] : memref<16x1000xf32, #tpu.memory_space<vmem>>[vector<16xi32>, vector<16xi32>], vector<16xf32>,
      %swap3A = arith.index_cast %add3A_103 : i32 to index
      %swap3A_104 = arith.constant 0 : index
      %swap3A_105 = tpu.vector_load %arg10[%swap3A, %swap3A_104] {strides = array<i32>} : memref<1000x32xf32, #tpu.memory_space<vmem>>, vector<16xf32>,
      tpu.vector_store %arg10[%swap3A, %swap3A_104], %gather3A {strides = array<i32>} : memref<1000x32xf32, #tpu.memory_space<vmem>>, vector<16xf32>,
      %add3A_106 = arith.constant 1 : i32
      %add3A_107 = vector.broadcast %add3A_106 : i32 to vector<16xi32>
      %add3A_108 = arith.addi %scan3A_99, %add3A_107 : vector<16xi32>
      %mul3A_109 = arith.constant 16 : i32
      %mul3A_110 = arith.muli %scan3A_98, %mul3A_109 : i32
      %add3A_111 = arith.constant 1 : i32
      %add3A_112 = arith.addi %mul3A_110, %add3A_111 : i32
      %gather3A_113 = tpu.vector_load_idx %arg9[%iota3A, %add3A_108] : memref<16x1000xf32, #tpu.memory_space<vmem>>[vector<16xi32>, vector<16xi32>], vector<16xf32>,
      %swap3A_114 = arith.index_cast %add3A_112 : i32 to index
      %swap3A_115 = arith.constant 0 : index
      %swap3A_116 = tpu.vector_load %arg10[%swap3A_114, %swap3A_115] {strides = array<i32>} : memref<1000x32xf32, #tpu.memory_space<vmem>>, vector<16xf32>,
      tpu.vector_store %arg10[%swap3A_114, %swap3A_115], %gather3A_113 {strides = array<i32>} : memref<1000x32xf32, #tpu.memory_space<vmem>>, vector<16xf32>,
      %add3A_117 = arith.constant 1 : i32
      %add3A_118 = vector.broadcast %add3A_117 : i32 to vector<16xi32>
      %add3A_119 = arith.addi %add3A_108, %add3A_118 : vector<16xi32>
      %mul3A_120 = arith.constant 16 : i32
      %mul3A_121 = arith.muli %scan3A_98, %mul3A_120 : i32
      %add3A_122 = arith.constant 2 : i32
      %add3A_123 = arith.addi %mul3A_121, %add3A_122 : i32
      %gather3A_124 = tpu.vector_load_idx %arg9[%iota3A, %add3A_119] : memref<16x1000xf32, #tpu.memory_space<vmem>>[vector<16xi32>, vector<16xi32>], vector<16xf32>,
      %swap3A_125 = arith.index_cast %add3A_123 : i32 to index
      %swap3A_126 = arith.constant 0 : index
      %swap3A_127 = tpu.vector_load %arg10[%swap3A_125, %swap3A_126] {strides = array<i32>} : memref<1000x32xf32, #tpu.memory_space<vmem>>, vector<16xf32>,
      tpu.vector_store %arg10[%swap3A_125, %swap3A_126], %gather3A_124 {strides = array<i32>} : memref<1000x32xf32, #tpu.memory_space<vmem>>, vector<16xf32>,
      %add3A_128 = arith.constant 1 : i32
      %add3A_129 = vector.broadcast %add3A_128 : i32 to vector<16xi32>
      %add3A_130 = arith.addi %add3A_119, %add3A_129 : vector<16xi32>
      %mul3A_131 = arith.constant 16 : i32
      %mul3A_132 = arith.muli %scan3A_98, %mul3A_131 : i32
      %add3A_133 = arith.constant 3 : i32
      %add3A_134 = arith.addi %mul3A_132, %add3A_133 : i32
      %gather3A_135 = tpu.vector_load_idx %arg9[%iota3A, %add3A_130] : memref<16x1000xf32, #tpu.memory_space<vmem>>[vector<16xi32>, vector<16xi32>], vector<16xf32>,
      %swap3A_136 = arith.index_cast %add3A_134 : i32 to index
      %swap3A_137 = arith.constant 0 : index
      %swap3A_138 = tpu.vector_load %arg10[%swap3A_136, %swap3A_137] {strides = array<i32>} : memref<1000x32xf32, #tpu.memory_space<vmem>>, vector<16xf32>,
      tpu.vector_store %arg10[%swap3A_136, %swap3A_137], %gather3A_135 {strides = array<i32>} : memref<1000x32xf32, #tpu.memory_space<vmem>>, vector<16xf32>,
      %add3A_139 = arith.constant 1 : i32
      %add3A_140 = vector.broadcast %add3A_139 : i32 to vector<16xi32>
      %add3A_141 = arith.addi %add3A_130, %add3A_140 : vector<16xi32>
      %mul3A_142 = arith.constant 16 : i32
      %mul3A_143 = arith.muli %scan3A_98, %mul3A_142 : i32
      %add3A_144 = arith.constant 4 : i32
      %add3A_145 = arith.addi %mul3A_143, %add3A_144 : i32
      %gather3A_146 = tpu.vector_load_idx %arg9[%iota3A, %add3A_141] : memref<16x1000xf32, #tpu.memory_space<vmem>>[vector<16xi32>, vector<16xi32>], vector<16xf32>,
      %swap3A_147 = arith.index_cast %add3A_145 : i32 to index
      %swap3A_148 = arith.constant 0 : index
      %swap3A_149 = tpu.vector_load %arg10[%swap3A_147, %swap3A_148] {strides = array<i32>} : memref<1000x32xf32, #tpu.memory_space<vmem>>, vector<16xf32>,
      tpu.vector_store %arg10[%swap3A_147, %swap3A_148], %gather3A_146 {strides = array<i32>} : memref<1000x32xf32, #tpu.memory_space<vmem>>, vector<16xf32>,
      %add3A_150 = arith.constant 1 : i32
      %add3A_151 = vector.broadcast %add3A_150 : i32 to vector<16xi32>
      %add3A_152 = arith.addi %add3A_141, %add3A_151 : vector<16xi32>
      %mul3A_153 = arith.constant 16 : i32
      %mul3A_154 = arith.muli %scan3A_98, %mul3A_153 : i32
      %add3A_155 = arith.constant 5 : i32
      %add3A_156 = arith.addi %mul3A_154, %add3A_155 : i32
      %gather3A_157 = tpu.vector_load_idx %arg9[%iota3A, %add3A_152] : memref<16x1000xf32, #tpu.memory_space<vmem>>[vector<16xi32>, vector<16xi32>], vector<16xf32>,
      %swap3A_158 = arith.index_cast %add3A_156 : i32 to index
      %swap3A_159 = arith.constant 0 : index
      %swap3A_160 = tpu.vector_load %arg10[%swap3A_158, %swap3A_159] {strides = array<i32>} : memref<1000x32xf32, #tpu.memory_space<vmem>>, vector<16xf32>,
      tpu.vector_store %arg10[%swap3A_158, %swap3A_159], %gather3A_157 {strides = array<i32>} : memref<1000x32xf32, #tpu.memory_space<vmem>>, vector<16xf32>,
      %add3A_161 = arith.constant 1 : i32
      %add3A_162 = vector.broadcast %add3A_161 : i32 to vector<16xi32>
      %add3A_163 = arith.addi %add3A_152, %add3A_162 : vector<16xi32>
      %mul3A_164 = arith.constant 16 : i32
      %mul3A_165 = arith.muli %scan3A_98, %mul3A_164 : i32
      %add3A_166 = arith.constant 6 : i32
      %add3A_167 = arith.addi %mul3A_165, %add3A_166 : i32
      %gather3A_168 = tpu.vector_load_idx %arg9[%iota3A, %add3A_163] : memref<16x1000xf32, #tpu.memory_space<vmem>>[vector<16xi32>, vector<16xi32>], vector<16xf32>,
      %swap3A_169 = arith.index_cast %add3A_167 : i32 to index
      %swap3A_170 = arith.constant 0 : index
      %swap3A_171 = tpu.vector_load %arg10[%swap3A_169, %swap3A_170] {strides = array<i32>} : memref<1000x32xf32, #tpu.memory_space<vmem>>, vector<16xf32>,
      tpu.vector_store %arg10[%swap3A_169, %swap3A_170], %gather3A_168 {strides = array<i32>} : memref<1000x32xf32, #tpu.memory_space<vmem>>, vector<16xf32>,
      %add3A_172 = arith.constant 1 : i32
      %add3A_173 = vector.broadcast %add3A_172 : i32 to vector<16xi32>
      %add3A_174 = arith.addi %add3A_163, %add3A_173 : vector<16xi32>
      %mul3A_175 = arith.constant 16 : i32
      %mul3A_176 = arith.muli %scan3A_98, %mul3A_175 : i32
      %add3A_177 = arith.constant 7 : i32
      %add3A_178 = arith.addi %mul3A_176, %add3A_177 : i32
      %gather3A_179 = tpu.vector_load_idx %arg9[%iota3A, %add3A_174] : memref<16x1000xf32, #tpu.memory_space<vmem>>[vector<16xi32>, vector<16xi32>], vector<16xf32>,
      %swap3A_180 = arith.index_cast %add3A_178 : i32 to index
      %swap3A_181 = arith.constant 0 : index
      %swap3A_182 = tpu.vector_load %arg10[%swap3A_180, %swap3A_181] {strides = array<i32>} : memref<1000x32xf32, #tpu.memory_space<vmem>>, vector<16xf32>,
      tpu.vector_store %arg10[%swap3A_180, %swap3A_181], %gather3A_179 {strides = array<i32>} : memref<1000x32xf32, #tpu.memory_space<vmem>>, vector<16xf32>,
      %add3A_183 = arith.constant 1 : i32
      %add3A_184 = vector.broadcast %add3A_183 : i32 to vector<16xi32>
      %add3A_185 = arith.addi %add3A_174, %add3A_184 : vector<16xi32>
      %mul3A_186 = arith.constant 16 : i32
      %mul3A_187 = arith.muli %scan3A_98, %mul3A_186 : i32
      %add3A_188 = arith.constant 8 : i32
      %add3A_189 = arith.addi %mul3A_187, %add3A_188 : i32
      %gather3A_190 = tpu.vector_load_idx %arg9[%iota3A, %add3A_185] : memref<16x1000xf32, #tpu.memory_space<vmem>>[vector<16xi32>, vector<16xi32>], vector<16xf32>,
      %swap3A_191 = arith.index_cast %add3A_189 : i32 to index
      %swap3A_192 = arith.constant 0 : index
      %swap3A_193 = tpu.vector_load %arg10[%swap3A_191, %swap3A_192] {strides = array<i32>} : memref<1000x32xf32, #tpu.memory_space<vmem>>, vector<16xf32>,
      tpu.vector_store %arg10[%swap3A_191, %swap3A_192], %gather3A_190 {strides = array<i32>} : memref<1000x32xf32, #tpu.memory_space<vmem>>, vector<16xf32>,
      %add3A_194 = arith.constant 1 : i32
      %add3A_195 = vector.broadcast %add3A_194 : i32 to vector<16xi32>
      %add3A_196 = arith.addi %add3A_185, %add3A_195 : vector<16xi32>
      %mul3A_197 = arith.constant 16 : i32
      %mul3A_198 = arith.muli %scan3A_98, %mul3A_197 : i32
      %add3A_199 = arith.constant 9 : i32
      %add3A_200 = arith.addi %mul3A_198, %add3A_199 : i32
      %gather3A_201 = tpu.vector_load_idx %arg9[%iota3A, %add3A_196] : memref<16x1000xf32, #tpu.memory_space<vmem>>[vector<16xi32>, vector<16xi32>], vector<16xf32>,
      %swap3A_202 = arith.index_cast %add3A_200 : i32 to index
      %swap3A_203 = arith.constant 0 : index
      %swap3A_204 = tpu.vector_load %arg10[%swap3A_202, %swap3A_203] {strides = array<i32>} : memref<1000x32xf32, #tpu.memory_space<vmem>>, vector<16xf32>,
      tpu.vector_store %arg10[%swap3A_202, %swap3A_203], %gather3A_201 {strides = array<i32>} : memref<1000x32xf32, #tpu.memory_space<vmem>>, vector<16xf32>,
      %add3A_205 = arith.constant 1 : i32
      %add3A_206 = vector.broadcast %add3A_205 : i32 to vector<16xi32>
      %add3A_207 = arith.addi %add3A_196, %add3A_206 : vector<16xi32>
      %mul3A_208 = arith.constant 16 : i32
      %mul3A_209 = arith.muli %scan3A_98, %mul3A_208 : i32
      %add3A_210 = arith.constant 10 : i32
      %add3A_211 = arith.addi %mul3A_209, %add3A_210 : i32
      %gather3A_212 = tpu.vector_load_idx %arg9[%iota3A, %add3A_207] : memref<16x1000xf32, #tpu.memory_space<vmem>>[vector<16xi32>, vector<16xi32>], vector<16xf32>,
      %swap3A_213 = arith.index_cast %add3A_211 : i32 to index
      %swap3A_214 = arith.constant 0 : index
      %swap3A_215 = tpu.vector_load %arg10[%swap3A_213, %swap3A_214] {strides = array<i32>} : memref<1000x32xf32, #tpu.memory_space<vmem>>, vector<16xf32>,
      tpu.vector_store %arg10[%swap3A_213, %swap3A_214], %gather3A_212 {strides = array<i32>} : memref<1000x32xf32, #tpu.memory_space<vmem>>, vector<16xf32>,
      %add3A_216 = arith.constant 1 : i32
      %add3A_217 = vector.broadcast %add3A_216 : i32 to vector<16xi32>
      %add3A_218 = arith.addi %add3A_207, %add3A_217 : vector<16xi32>
      %mul3A_219 = arith.constant 16 : i32
      %mul3A_220 = arith.muli %scan3A_98, %mul3A_219 : i32
      %add3A_221 = arith.constant 11 : i32
      %add3A_222 = arith.addi %mul3A_220, %add3A_221 : i32
      %gather3A_223 = tpu.vector_load_idx %arg9[%iota3A, %add3A_218] : memref<16x1000xf32, #tpu.memory_space<vmem>>[vector<16xi32>, vector<16xi32>], vector<16xf32>,
      %swap3A_224 = arith.index_cast %add3A_222 : i32 to index
      %swap3A_225 = arith.constant 0 : index
      %swap3A_226 = tpu.vector_load %arg10[%swap3A_224, %swap3A_225] {strides = array<i32>} : memref<1000x32xf32, #tpu.memory_space<vmem>>, vector<16xf32>,
      tpu.vector_store %arg10[%swap3A_224, %swap3A_225], %gather3A_223 {strides = array<i32>} : memref<1000x32xf32, #tpu.memory_space<vmem>>, vector<16xf32>,
      %add3A_227 = arith.constant 1 : i32
      %add3A_228 = vector.broadcast %add3A_227 : i32 to vector<16xi32>
      %add3A_229 = arith.addi %add3A_218, %add3A_228 : vector<16xi32>
      %mul3A_230 = arith.constant 16 : i32
      %mul3A_231 = arith.muli %scan3A_98, %mul3A_230 : i32
      %add3A_232 = arith.constant 12 : i32
      %add3A_233 = arith.addi %mul3A_231, %add3A_232 : i32
      %gather3A_234 = tpu.vector_load_idx %arg9[%iota3A, %add3A_229] : memref<16x1000xf32, #tpu.memory_space<vmem>>[vector<16xi32>, vector<16xi32>], vector<16xf32>,
      %swap3A_235 = arith.index_cast %add3A_233 : i32 to index
      %swap3A_236 = arith.constant 0 : index
      %swap3A_237 = tpu.vector_load %arg10[%swap3A_235, %swap3A_236] {strides = array<i32>} : memref<1000x32xf32, #tpu.memory_space<vmem>>, vector<16xf32>,
      tpu.vector_store %arg10[%swap3A_235, %swap3A_236], %gather3A_234 {strides = array<i32>} : memref<1000x32xf32, #tpu.memory_space<vmem>>, vector<16xf32>,
      %add3A_238 = arith.constant 1 : i32
      %add3A_239 = vector.broadcast %add3A_238 : i32 to vector<16xi32>
      %add3A_240 = arith.addi %add3A_229, %add3A_239 : vector<16xi32>
      %mul3A_241 = arith.constant 16 : i32
      %mul3A_242 = arith.muli %scan3A_98, %mul3A_241 : i32
      %add3A_243 = arith.constant 13 : i32
      %add3A_244 = arith.addi %mul3A_242, %add3A_243 : i32
      %gather3A_245 = tpu.vector_load_idx %arg9[%iota3A, %add3A_240] : memref<16x1000xf32, #tpu.memory_space<vmem>>[vector<16xi32>, vector<16xi32>], vector<16xf32>,
      %swap3A_246 = arith.index_cast %add3A_244 : i32 to index
      %swap3A_247 = arith.constant 0 : index
      %swap3A_248 = tpu.vector_load %arg10[%swap3A_246, %swap3A_247] {strides = array<i32>} : memref<1000x32xf32, #tpu.memory_space<vmem>>, vector<16xf32>,
      tpu.vector_store %arg10[%swap3A_246, %swap3A_247], %gather3A_245 {strides = array<i32>} : memref<1000x32xf32, #tpu.memory_space<vmem>>, vector<16xf32>,
      %add3A_249 = arith.constant 1 : i32
      %add3A_250 = vector.broadcast %add3A_249 : i32 to vector<16xi32>
      %add3A_251 = arith.addi %add3A_240, %add3A_250 : vector<16xi32>
      %mul3A_252 = arith.constant 16 : i32
      %mul3A_253 = arith.muli %scan3A_98, %mul3A_252 : i32
      %add3A_254 = arith.constant 14 : i32
      %add3A_255 = arith.addi %mul3A_253, %add3A_254 : i32
      %gather3A_256 = tpu.vector_load_idx %arg9[%iota3A, %add3A_251] : memref<16x1000xf32, #tpu.memory_space<vmem>>[vector<16xi32>, vector<16xi32>], vector<16xf32>,
      %swap3A_257 = arith.index_cast %add3A_255 : i32 to index
      %swap3A_258 = arith.constant 0 : index
      %swap3A_259 = tpu.vector_load %arg10[%swap3A_257, %swap3A_258] {strides = array<i32>} : memref<1000x32xf32, #tpu.memory_space<vmem>>, vector<16xf32>,
      tpu.vector_store %arg10[%swap3A_257, %swap3A_258], %gather3A_256 {strides = array<i32>} : memref<1000x32xf32, #tpu.memory_space<vmem>>, vector<16xf32>,
      %add3A_260 = arith.constant 1 : i32
      %add3A_261 = vector.broadcast %add3A_260 : i32 to vector<16xi32>
      %add3A_262 = arith.addi %add3A_251, %add3A_261 : vector<16xi32>
      %mul3A_263 = arith.constant 16 : i32
      %mul3A_264 = arith.muli %scan3A_98, %mul3A_263 : i32
      %add3A_265 = arith.constant 15 : i32
      %add3A_266 = arith.addi %mul3A_264, %add3A_265 : i32
      %gather3A_267 = tpu.vector_load_idx %arg9[%iota3A, %add3A_262] : memref<16x1000xf32, #tpu.memory_space<vmem>>[vector<16xi32>, vector<16xi32>], vector<16xf32>,
      %swap3A_268 = arith.index_cast %add3A_266 : i32 to index
      %swap3A_269 = arith.constant 0 : index
      %swap3A_270 = tpu.vector_load %arg10[%swap3A_268, %swap3A_269] {strides = array<i32>} : memref<1000x32xf32, #tpu.memory_space<vmem>>, vector<16xf32>,
      tpu.vector_store %arg10[%swap3A_268, %swap3A_269], %gather3A_267 {strides = array<i32>} : memref<1000x32xf32, #tpu.memory_space<vmem>>, vector<16xf32>,
      %add3A_271 = arith.constant 1 : i32
      %add3A_272 = vector.broadcast %add3A_271 : i32 to vector<16xi32>
      %add3A_273 = arith.addi %add3A_262, %add3A_272 : vector<16xi32>
      scf.yield %add3A_273 : vector<16xi32>
    }
    %scan3A_94 = arith.constant 62 : i32
    "tpu.region"() ({
      %run_scoped3A = tpu.sem_alloc : memref<!tpu.dma_semaphore, #tpu.memory_space<semaphore_mem>>
      %dma_start3A_98 = arith.constant 0 : i32
      %dma_start3A_99 = tpu.memref_slice %arg6[%add3A_83, %dma_start3A_98] : memref<160000x32xf32, #tpu.memory_space<hbm>> -> memref<1000x32xf32, #tpu.memory_space<hbm>>
      %dma_start3A_100 = arith.constant 0 : i32
      %dma_start3A_101 = tpu.memref_slice %arg6[%add3A_83, %dma_start3A_100] : memref<160000x32xf32, #tpu.memory_space<hbm>> -> memref<1000x32xf32, #tpu.memory_space<hbm>>
      tpu.enqueue_dma source(%arg10 : memref<1000x32xf32, #tpu.memory_space<vmem>>) target(%dma_start3A_101 : memref<1000x32xf32, #tpu.memory_space<hbm>>) target_semaphore(%run_scoped3A : memref<!tpu.dma_semaphore, #tpu.memory_space<semaphore_mem>>)
      %dma_wait3A_102 = arith.constant 0 : i32
      %dma_wait3A_103 = tpu.memref_slice %arg6[%add3A_83, %dma_wait3A_102] : memref<160000x32xf32, #tpu.memory_space<hbm>> -> memref<1000x32xf32, #tpu.memory_space<hbm>>
      %dma_wait3A_104 = arith.constant 0 : i32
      %dma_wait3A_105 = tpu.memref_slice %arg6[%add3A_83, %dma_wait3A_104] : memref<160000x32xf32, #tpu.memory_space<hbm>> -> memref<1000x32xf32, #tpu.memory_space<hbm>>
      tpu.wait_dma2 semaphore(%run_scoped3A : memref<!tpu.dma_semaphore, #tpu.memory_space<semaphore_mem>>) src(%arg10 : memref<1000x32xf32, #tpu.memory_space<vmem>>) dst(%dma_wait3A_105 : memref<1000x32xf32, #tpu.memory_space<hbm>>)
      tpu.yield
    }) : () -> ()
    %dma_wait3A_95 = arith.constant 0 : i32
    %dma_wait3A_96 = arith.constant 0 : i32
    %dma_wait3A_97 = tpu.memref_slice %arg2[%dma_wait3A_95, %dma_wait3A_96] : memref<10000x32xf32, #tpu.memory_space<hbm>> -> memref<10000x32xf32, #tpu.memory_space<hbm>>
    tpu.wait_indirect_dma semaphore(%arg11 : memref<!tpu.dma_semaphore, #tpu.memory_space<semaphore_mem>>) src(%dma_wait3A_97 : memref<10000x32xf32, #tpu.memory_space<hbm>>) dst(%arg8 : memref<1000x32xf32, #tpu.memory_space<vmem>>)
    "tpu.region"() ({
      %run_scoped3A = tpu.sem_alloc : memref<!tpu.dma_semaphore, #tpu.memory_space<semaphore_mem>>
      %dma_start3A_98 = arith.constant 0 : i32
      %dma_start3A_99 = tpu.memref_slice %arg5[%add3A_83, %dma_start3A_98] : memref<160000x32xf32, #tpu.memory_space<hbm>> -> memref<1000x32xf32, #tpu.memory_space<hbm>>
      %dma_start3A_100 = arith.constant 0 : i32
      %dma_start3A_101 = tpu.memref_slice %arg5[%add3A_83, %dma_start3A_100] : memref<160000x32xf32, #tpu.memory_space<hbm>> -> memref<1000x32xf32, #tpu.memory_space<hbm>>
      tpu.enqueue_dma source(%arg8 : memref<1000x32xf32, #tpu.memory_space<vmem>>) target(%dma_start3A_101 : memref<1000x32xf32, #tpu.memory_space<hbm>>) target_semaphore(%run_scoped3A : memref<!tpu.dma_semaphore, #tpu.memory_space<semaphore_mem>>)
      %dma_wait3A_102 = arith.constant 0 : i32
      %dma_wait3A_103 = tpu.memref_slice %arg5[%add3A_83, %dma_wait3A_102] : memref<160000x32xf32, #tpu.memory_space<hbm>> -> memref<1000x32xf32, #tpu.memory_space<hbm>>
      %dma_wait3A_104 = arith.constant 0 : i32
      %dma_wait3A_105 = tpu.memref_slice %arg5[%add3A_83, %dma_wait3A_104] : memref<160000x32xf32, #tpu.memory_space<hbm>> -> memref<1000x32xf32, #tpu.memory_space<hbm>>
      tpu.wait_dma2 semaphore(%run_scoped3A : memref<!tpu.dma_semaphore, #tpu.memory_space<semaphore_mem>>) src(%arg8 : memref<1000x32xf32, #tpu.memory_space<vmem>>) dst(%dma_wait3A_105 : memref<1000x32xf32, #tpu.memory_space<hbm>>)
      tpu.yield
    }) : () -> ()
    return
  }
}

#map = affine_map<(d0, d1) -> (0, 0)>
#map1 = affine_map<(d0, d1) -> (0)>
#map2 = affine_map<(d0, d1) -> (0, 0, 0)>
module attributes {stable_mosaic.version = 14 : i64} {
  func.func @scatter_k(%arg0: i32, %arg1: i32, %arg2: memref<160000x32xf32, #tpu.memory_space<hbm>>, %arg3: memref<160000xi32, #tpu.memory_space<hbm>>, %arg4: memref<2x10000x32xf32, #tpu.memory_space<hbm>>, %arg5: memref<1000xi32, #tpu.memory_space<vmem>>, %arg6: memref<1000x32xf32, #tpu.memory_space<vmem>>, %arg7: memref<625x32xf32, #tpu.memory_space<vmem>>, %arg8: memref<10000x32xf32, #tpu.memory_space<vmem_shared>>) attributes {dimension_semantics = [#tpu.dimension_semantics<core_parallel>, #tpu.dimension_semantics<subcore_parallel>], iteration_bounds = array<i64: 2, 16>, scalar_prefetch = 0 : i64, scratch_operands = 4 : i64, tpu.core_type = #tpu.core_type<sc_vector_subcore>, window_params = [{transform_indices = #map}, {transform_indices = #map1}, {transform_indices = #map2}]} {
    %mul3A = arith.constant 2 : i32
    %mul3A_0 = arith.muli %arg1, %mul3A : i32
    %add3A = arith.addi %mul3A_0, %arg0 : i32
    %broadcast_in_dim3A = arith.constant 0.000000e+00 : f32
    %broadcast_in_dim3A_1 = vector.broadcast %broadcast_in_dim3A : f32 to vector<16xf32>
    %scan3A = arith.constant 0 : i32
    %scan3A_2 = arith.constant 0 : i32
    %scan3A_3 = arith.constant 625 : i32
    %scan3A_4 = arith.addi %scan3A_2, %scan3A_3 : i32
    %scan3A_5 = arith.constant 1 : i32
    scf.for %scan3A_34 = %scan3A_2 to %scan3A_4 step %scan3A_5  : i32 {
      %swap3A = arith.index_cast %scan3A_34 : i32 to index
      %swap3A_35 = arith.constant 0 : index
      %swap3A_36 = tpu.vector_load %arg7[%swap3A, %swap3A_35] {strides = array<i32>} : memref<625x32xf32, #tpu.memory_space<vmem>>, vector<1x16xf32>,
      %swap3A_37 = vector.shape_cast %swap3A_36 : vector<1x16xf32> to vector<16xf32>
      %swap3A_38 = vector.shape_cast %broadcast_in_dim3A_1 : vector<16xf32> to vector<1x16xf32>
      tpu.vector_store %arg7[%swap3A, %swap3A_35], %swap3A_38 {strides = array<i32>} : memref<625x32xf32, #tpu.memory_space<vmem>>, vector<1x16xf32>,
      %swap3A_39 = arith.index_cast %scan3A_34 : i32 to index
      %swap3A_40 = arith.constant 16 : index
      %swap3A_41 = tpu.vector_load %arg7[%swap3A_39, %swap3A_40] {strides = array<i32>} : memref<625x32xf32, #tpu.memory_space<vmem>>, vector<1x16xf32>,
      %swap3A_42 = vector.shape_cast %swap3A_41 : vector<1x16xf32> to vector<16xf32>
      %swap3A_43 = vector.shape_cast %broadcast_in_dim3A_1 : vector<16xf32> to vector<1x16xf32>
      tpu.vector_store %arg7[%swap3A_39, %swap3A_40], %swap3A_43 {strides = array<i32>} : memref<625x32xf32, #tpu.memory_space<vmem>>, vector<1x16xf32>,
    }
    %scan3A_6 = arith.constant 625 : i32
    %mul3A_7 = arith.constant 625 : i32
    %mul3A_8 = arith.muli %arg1, %mul3A_7 : i32
    "tpu.region"() ({
      %run_scoped3A = tpu.sem_alloc : memref<!tpu.dma_semaphore, #tpu.memory_space<semaphore_mem>>
      %dma_start3A = arith.constant 0 : i32
      %dma_start3A_34 = tpu.memref_slice %arg8[%mul3A_8, %dma_start3A] : memref<10000x32xf32, #tpu.memory_space<vmem_shared>> -> memref<625x32xf32, #tpu.memory_space<vmem_shared>>
      %dma_start3A_35 = arith.constant 0 : i32
      %dma_start3A_36 = tpu.memref_slice %arg8[%mul3A_8, %dma_start3A_35] : memref<10000x32xf32, #tpu.memory_space<vmem_shared>> -> memref<625x32xf32, #tpu.memory_space<vmem_shared>>
      tpu.enqueue_dma source(%arg7 : memref<625x32xf32, #tpu.memory_space<vmem>>) target(%dma_start3A_36 : memref<625x32xf32, #tpu.memory_space<vmem_shared>>) target_semaphore(%run_scoped3A : memref<!tpu.dma_semaphore, #tpu.memory_space<semaphore_mem>>)
      %dma_wait3A = arith.constant 0 : i32
      %dma_wait3A_37 = tpu.memref_slice %arg8[%mul3A_8, %dma_wait3A] : memref<10000x32xf32, #tpu.memory_space<vmem_shared>> -> memref<625x32xf32, #tpu.memory_space<vmem_shared>>
      %dma_wait3A_38 = arith.constant 0 : i32
      %dma_wait3A_39 = tpu.memref_slice %arg8[%mul3A_8, %dma_wait3A_38] : memref<10000x32xf32, #tpu.memory_space<vmem_shared>> -> memref<625x32xf32, #tpu.memory_space<vmem_shared>>
      tpu.wait_dma2 semaphore(%run_scoped3A : memref<!tpu.dma_semaphore, #tpu.memory_space<semaphore_mem>>) src(%arg7 : memref<625x32xf32, #tpu.memory_space<vmem>>) dst(%dma_wait3A_39 : memref<625x32xf32, #tpu.memory_space<vmem_shared>>)
      tpu.yield
    }) : () -> ()
    %barrier3A = arith.constant 0 : index
    tpu.barrier barrier_id(%barrier3A)
    %mul3A_9 = arith.constant 5000 : i32
    %mul3A_10 = arith.muli %add3A, %mul3A_9 : i32
    %add3A_11 = arith.constant 0 : i32
    %add3A_12 = arith.addi %mul3A_10, %add3A_11 : i32
    "tpu.region"() ({
      %run_scoped3A = tpu.sem_alloc : memref<!tpu.dma_semaphore, #tpu.memory_space<semaphore_mem>>
      %dma_start3A = tpu.memref_slice %arg3[%add3A_12] : memref<160000xi32, #tpu.memory_space<hbm>> -> memref<1000xi32, #tpu.memory_space<hbm>>
      %dma_start3A_34 = tpu.memref_slice %arg3[%add3A_12] : memref<160000xi32, #tpu.memory_space<hbm>> -> memref<1000xi32, #tpu.memory_space<hbm>>
      tpu.enqueue_dma source(%dma_start3A_34 : memref<1000xi32, #tpu.memory_space<hbm>>) target(%arg5 : memref<1000xi32, #tpu.memory_space<vmem>>) target_semaphore(%run_scoped3A : memref<!tpu.dma_semaphore, #tpu.memory_space<semaphore_mem>>)
      %dma_wait3A = tpu.memref_slice %arg3[%add3A_12] : memref<160000xi32, #tpu.memory_space<hbm>> -> memref<1000xi32, #tpu.memory_space<hbm>>
      %dma_wait3A_35 = tpu.memref_slice %arg3[%add3A_12] : memref<160000xi32, #tpu.memory_space<hbm>> -> memref<1000xi32, #tpu.memory_space<hbm>>
      tpu.wait_dma2 semaphore(%run_scoped3A : memref<!tpu.dma_semaphore, #tpu.memory_space<semaphore_mem>>) src(%dma_wait3A_35 : memref<1000xi32, #tpu.memory_space<hbm>>) dst(%arg5 : memref<1000xi32, #tpu.memory_space<vmem>>)
      tpu.yield
    }) : () -> ()
    "tpu.region"() ({
      %run_scoped3A = tpu.sem_alloc : memref<!tpu.dma_semaphore, #tpu.memory_space<semaphore_mem>>
      %dma_start3A = arith.constant 0 : i32
      %dma_start3A_34 = tpu.memref_slice %arg2[%add3A_12, %dma_start3A] : memref<160000x32xf32, #tpu.memory_space<hbm>> -> memref<1000x32xf32, #tpu.memory_space<hbm>>
      %dma_start3A_35 = arith.constant 0 : i32
      %dma_start3A_36 = tpu.memref_slice %arg2[%add3A_12, %dma_start3A_35] : memref<160000x32xf32, #tpu.memory_space<hbm>> -> memref<1000x32xf32, #tpu.memory_space<hbm>>
      tpu.enqueue_dma source(%dma_start3A_36 : memref<1000x32xf32, #tpu.memory_space<hbm>>) target(%arg6 : memref<1000x32xf32, #tpu.memory_space<vmem>>) target_semaphore(%run_scoped3A : memref<!tpu.dma_semaphore, #tpu.memory_space<semaphore_mem>>)
      %dma_wait3A = arith.constant 0 : i32
      %dma_wait3A_37 = tpu.memref_slice %arg2[%add3A_12, %dma_wait3A] : memref<160000x32xf32, #tpu.memory_space<hbm>> -> memref<1000x32xf32, #tpu.memory_space<hbm>>
      %dma_wait3A_38 = arith.constant 0 : i32
      %dma_wait3A_39 = tpu.memref_slice %arg2[%add3A_12, %dma_wait3A_38] : memref<160000x32xf32, #tpu.memory_space<hbm>> -> memref<1000x32xf32, #tpu.memory_space<hbm>>
      tpu.wait_dma2 semaphore(%run_scoped3A : memref<!tpu.dma_semaphore, #tpu.memory_space<semaphore_mem>>) src(%dma_wait3A_39 : memref<1000x32xf32, #tpu.memory_space<hbm>>) dst(%arg6 : memref<1000x32xf32, #tpu.memory_space<vmem>>)
      tpu.yield
    }) : () -> ()
    "tpu.region"() ({
      %run_scoped3A = tpu.sem_alloc : memref<!tpu.dma_semaphore, #tpu.memory_space<semaphore_mem>>
      %dma_start3A = arith.constant 0 : i32
      %dma_start3A_34 = arith.constant 0 : i32
      %dma_start3A_35 = tpu.memref_slice %arg8[%dma_start3A, %dma_start3A_34] : memref<10000x32xf32, #tpu.memory_space<vmem_shared>> -> memref<10000x32xf32, #tpu.memory_space<vmem_shared>>
      tpu.enqueue_indirect_dma source(%arg6 : memref<1000x32xf32, #tpu.memory_space<vmem>>) target(%dma_start3A_35 : memref<10000x32xf32, #tpu.memory_space<vmem_shared>>) offsets(%arg5 : memref<1000xi32, #tpu.memory_space<vmem>>) semaphore(%run_scoped3A : memref<!tpu.dma_semaphore, #tpu.memory_space<semaphore_mem>>) {add = true}
      %dma_wait3A = arith.constant 0 : i32
      %dma_wait3A_36 = arith.constant 0 : i32
      %dma_wait3A_37 = tpu.memref_slice %arg8[%dma_wait3A, %dma_wait3A_36] : memref<10000x32xf32, #tpu.memory_space<vmem_shared>> -> memref<10000x32xf32, #tpu.memory_space<vmem_shared>>
      tpu.wait_indirect_dma semaphore(%run_scoped3A : memref<!tpu.dma_semaphore, #tpu.memory_space<semaphore_mem>>) src(%arg6 : memref<1000x32xf32, #tpu.memory_space<vmem>>) dst(%dma_wait3A_37 : memref<10000x32xf32, #tpu.memory_space<vmem_shared>>)
      tpu.yield
    }) : () -> ()
    %mul3A_13 = arith.constant 5000 : i32
    %mul3A_14 = arith.muli %add3A, %mul3A_13 : i32
    %add3A_15 = arith.constant 1000 : i32
    %add3A_16 = arith.addi %mul3A_14, %add3A_15 : i32
    "tpu.region"() ({
      %run_scoped3A = tpu.sem_alloc : memref<!tpu.dma_semaphore, #tpu.memory_space<semaphore_mem>>
      %dma_start3A = tpu.memref_slice %arg3[%add3A_16] : memref<160000xi32, #tpu.memory_space<hbm>> -> memref<1000xi32, #tpu.memory_space<hbm>>
      %dma_start3A_34 = tpu.memref_slice %arg3[%add3A_16] : memref<160000xi32, #tpu.memory_space<hbm>> -> memref<1000xi32, #tpu.memory_space<hbm>>
      tpu.enqueue_dma source(%dma_start3A_34 : memref<1000xi32, #tpu.memory_space<hbm>>) target(%arg5 : memref<1000xi32, #tpu.memory_space<vmem>>) target_semaphore(%run_scoped3A : memref<!tpu.dma_semaphore, #tpu.memory_space<semaphore_mem>>)
      %dma_wait3A = tpu.memref_slice %arg3[%add3A_16] : memref<160000xi32, #tpu.memory_space<hbm>> -> memref<1000xi32, #tpu.memory_space<hbm>>
      %dma_wait3A_35 = tpu.memref_slice %arg3[%add3A_16] : memref<160000xi32, #tpu.memory_space<hbm>> -> memref<1000xi32, #tpu.memory_space<hbm>>
      tpu.wait_dma2 semaphore(%run_scoped3A : memref<!tpu.dma_semaphore, #tpu.memory_space<semaphore_mem>>) src(%dma_wait3A_35 : memref<1000xi32, #tpu.memory_space<hbm>>) dst(%arg5 : memref<1000xi32, #tpu.memory_space<vmem>>)
      tpu.yield
    }) : () -> ()
    "tpu.region"() ({
      %run_scoped3A = tpu.sem_alloc : memref<!tpu.dma_semaphore, #tpu.memory_space<semaphore_mem>>
      %dma_start3A = arith.constant 0 : i32
      %dma_start3A_34 = tpu.memref_slice %arg2[%add3A_16, %dma_start3A] : memref<160000x32xf32, #tpu.memory_space<hbm>> -> memref<1000x32xf32, #tpu.memory_space<hbm>>
      %dma_start3A_35 = arith.constant 0 : i32
      %dma_start3A_36 = tpu.memref_slice %arg2[%add3A_16, %dma_start3A_35] : memref<160000x32xf32, #tpu.memory_space<hbm>> -> memref<1000x32xf32, #tpu.memory_space<hbm>>
      tpu.enqueue_dma source(%dma_start3A_36 : memref<1000x32xf32, #tpu.memory_space<hbm>>) target(%arg6 : memref<1000x32xf32, #tpu.memory_space<vmem>>) target_semaphore(%run_scoped3A : memref<!tpu.dma_semaphore, #tpu.memory_space<semaphore_mem>>)
      %dma_wait3A = arith.constant 0 : i32
      %dma_wait3A_37 = tpu.memref_slice %arg2[%add3A_16, %dma_wait3A] : memref<160000x32xf32, #tpu.memory_space<hbm>> -> memref<1000x32xf32, #tpu.memory_space<hbm>>
      %dma_wait3A_38 = arith.constant 0 : i32
      %dma_wait3A_39 = tpu.memref_slice %arg2[%add3A_16, %dma_wait3A_38] : memref<160000x32xf32, #tpu.memory_space<hbm>> -> memref<1000x32xf32, #tpu.memory_space<hbm>>
      tpu.wait_dma2 semaphore(%run_scoped3A : memref<!tpu.dma_semaphore, #tpu.memory_space<semaphore_mem>>) src(%dma_wait3A_39 : memref<1000x32xf32, #tpu.memory_space<hbm>>) dst(%arg6 : memref<1000x32xf32, #tpu.memory_space<vmem>>)
      tpu.yield
    }) : () -> ()
    "tpu.region"() ({
      %run_scoped3A = tpu.sem_alloc : memref<!tpu.dma_semaphore, #tpu.memory_space<semaphore_mem>>
      %dma_start3A = arith.constant 0 : i32
      %dma_start3A_34 = arith.constant 0 : i32
      %dma_start3A_35 = tpu.memref_slice %arg8[%dma_start3A, %dma_start3A_34] : memref<10000x32xf32, #tpu.memory_space<vmem_shared>> -> memref<10000x32xf32, #tpu.memory_space<vmem_shared>>
      tpu.enqueue_indirect_dma source(%arg6 : memref<1000x32xf32, #tpu.memory_space<vmem>>) target(%dma_start3A_35 : memref<10000x32xf32, #tpu.memory_space<vmem_shared>>) offsets(%arg5 : memref<1000xi32, #tpu.memory_space<vmem>>) semaphore(%run_scoped3A : memref<!tpu.dma_semaphore, #tpu.memory_space<semaphore_mem>>) {add = true}
      %dma_wait3A = arith.constant 0 : i32
      %dma_wait3A_36 = arith.constant 0 : i32
      %dma_wait3A_37 = tpu.memref_slice %arg8[%dma_wait3A, %dma_wait3A_36] : memref<10000x32xf32, #tpu.memory_space<vmem_shared>> -> memref<10000x32xf32, #tpu.memory_space<vmem_shared>>
      tpu.wait_indirect_dma semaphore(%run_scoped3A : memref<!tpu.dma_semaphore, #tpu.memory_space<semaphore_mem>>) src(%arg6 : memref<1000x32xf32, #tpu.memory_space<vmem>>) dst(%dma_wait3A_37 : memref<10000x32xf32, #tpu.memory_space<vmem_shared>>)
      tpu.yield
    }) : () -> ()
    %mul3A_17 = arith.constant 5000 : i32
    %mul3A_18 = arith.muli %add3A, %mul3A_17 : i32
    %add3A_19 = arith.constant 2000 : i32
    %add3A_20 = arith.addi %mul3A_18, %add3A_19 : i32
    "tpu.region"() ({
      %run_scoped3A = tpu.sem_alloc : memref<!tpu.dma_semaphore, #tpu.memory_space<semaphore_mem>>
      %dma_start3A = tpu.memref_slice %arg3[%add3A_20] : memref<160000xi32, #tpu.memory_space<hbm>> -> memref<1000xi32, #tpu.memory_space<hbm>>
      %dma_start3A_34 = tpu.memref_slice %arg3[%add3A_20] : memref<160000xi32, #tpu.memory_space<hbm>> -> memref<1000xi32, #tpu.memory_space<hbm>>
      tpu.enqueue_dma source(%dma_start3A_34 : memref<1000xi32, #tpu.memory_space<hbm>>) target(%arg5 : memref<1000xi32, #tpu.memory_space<vmem>>) target_semaphore(%run_scoped3A : memref<!tpu.dma_semaphore, #tpu.memory_space<semaphore_mem>>)
      %dma_wait3A = tpu.memref_slice %arg3[%add3A_20] : memref<160000xi32, #tpu.memory_space<hbm>> -> memref<1000xi32, #tpu.memory_space<hbm>>
      %dma_wait3A_35 = tpu.memref_slice %arg3[%add3A_20] : memref<160000xi32, #tpu.memory_space<hbm>> -> memref<1000xi32, #tpu.memory_space<hbm>>
      tpu.wait_dma2 semaphore(%run_scoped3A : memref<!tpu.dma_semaphore, #tpu.memory_space<semaphore_mem>>) src(%dma_wait3A_35 : memref<1000xi32, #tpu.memory_space<hbm>>) dst(%arg5 : memref<1000xi32, #tpu.memory_space<vmem>>)
      tpu.yield
    }) : () -> ()
    "tpu.region"() ({
      %run_scoped3A = tpu.sem_alloc : memref<!tpu.dma_semaphore, #tpu.memory_space<semaphore_mem>>
      %dma_start3A = arith.constant 0 : i32
      %dma_start3A_34 = tpu.memref_slice %arg2[%add3A_20, %dma_start3A] : memref<160000x32xf32, #tpu.memory_space<hbm>> -> memref<1000x32xf32, #tpu.memory_space<hbm>>
      %dma_start3A_35 = arith.constant 0 : i32
      %dma_start3A_36 = tpu.memref_slice %arg2[%add3A_20, %dma_start3A_35] : memref<160000x32xf32, #tpu.memory_space<hbm>> -> memref<1000x32xf32, #tpu.memory_space<hbm>>
      tpu.enqueue_dma source(%dma_start3A_36 : memref<1000x32xf32, #tpu.memory_space<hbm>>) target(%arg6 : memref<1000x32xf32, #tpu.memory_space<vmem>>) target_semaphore(%run_scoped3A : memref<!tpu.dma_semaphore, #tpu.memory_space<semaphore_mem>>)
      %dma_wait3A = arith.constant 0 : i32
      %dma_wait3A_37 = tpu.memref_slice %arg2[%add3A_20, %dma_wait3A] : memref<160000x32xf32, #tpu.memory_space<hbm>> -> memref<1000x32xf32, #tpu.memory_space<hbm>>
      %dma_wait3A_38 = arith.constant 0 : i32
      %dma_wait3A_39 = tpu.memref_slice %arg2[%add3A_20, %dma_wait3A_38] : memref<160000x32xf32, #tpu.memory_space<hbm>> -> memref<1000x32xf32, #tpu.memory_space<hbm>>
      tpu.wait_dma2 semaphore(%run_scoped3A : memref<!tpu.dma_semaphore, #tpu.memory_space<semaphore_mem>>) src(%dma_wait3A_39 : memref<1000x32xf32, #tpu.memory_space<hbm>>) dst(%arg6 : memref<1000x32xf32, #tpu.memory_space<vmem>>)
      tpu.yield
    }) : () -> ()
    "tpu.region"() ({
      %run_scoped3A = tpu.sem_alloc : memref<!tpu.dma_semaphore, #tpu.memory_space<semaphore_mem>>
      %dma_start3A = arith.constant 0 : i32
      %dma_start3A_34 = arith.constant 0 : i32
      %dma_start3A_35 = tpu.memref_slice %arg8[%dma_start3A, %dma_start3A_34] : memref<10000x32xf32, #tpu.memory_space<vmem_shared>> -> memref<10000x32xf32, #tpu.memory_space<vmem_shared>>
      tpu.enqueue_indirect_dma source(%arg6 : memref<1000x32xf32, #tpu.memory_space<vmem>>) target(%dma_start3A_35 : memref<10000x32xf32, #tpu.memory_space<vmem_shared>>) offsets(%arg5 : memref<1000xi32, #tpu.memory_space<vmem>>) semaphore(%run_scoped3A : memref<!tpu.dma_semaphore, #tpu.memory_space<semaphore_mem>>) {add = true}
      %dma_wait3A = arith.constant 0 : i32
      %dma_wait3A_36 = arith.constant 0 : i32
      %dma_wait3A_37 = tpu.memref_slice %arg8[%dma_wait3A, %dma_wait3A_36] : memref<10000x32xf32, #tpu.memory_space<vmem_shared>> -> memref<10000x32xf32, #tpu.memory_space<vmem_shared>>
      tpu.wait_indirect_dma semaphore(%run_scoped3A : memref<!tpu.dma_semaphore, #tpu.memory_space<semaphore_mem>>) src(%arg6 : memref<1000x32xf32, #tpu.memory_space<vmem>>) dst(%dma_wait3A_37 : memref<10000x32xf32, #tpu.memory_space<vmem_shared>>)
      tpu.yield
    }) : () -> ()
    %mul3A_21 = arith.constant 5000 : i32
    %mul3A_22 = arith.muli %add3A, %mul3A_21 : i32
    %add3A_23 = arith.constant 3000 : i32
    %add3A_24 = arith.addi %mul3A_22, %add3A_23 : i32
    "tpu.region"() ({
      %run_scoped3A = tpu.sem_alloc : memref<!tpu.dma_semaphore, #tpu.memory_space<semaphore_mem>>
      %dma_start3A = tpu.memref_slice %arg3[%add3A_24] : memref<160000xi32, #tpu.memory_space<hbm>> -> memref<1000xi32, #tpu.memory_space<hbm>>
      %dma_start3A_34 = tpu.memref_slice %arg3[%add3A_24] : memref<160000xi32, #tpu.memory_space<hbm>> -> memref<1000xi32, #tpu.memory_space<hbm>>
      tpu.enqueue_dma source(%dma_start3A_34 : memref<1000xi32, #tpu.memory_space<hbm>>) target(%arg5 : memref<1000xi32, #tpu.memory_space<vmem>>) target_semaphore(%run_scoped3A : memref<!tpu.dma_semaphore, #tpu.memory_space<semaphore_mem>>)
      %dma_wait3A = tpu.memref_slice %arg3[%add3A_24] : memref<160000xi32, #tpu.memory_space<hbm>> -> memref<1000xi32, #tpu.memory_space<hbm>>
      %dma_wait3A_35 = tpu.memref_slice %arg3[%add3A_24] : memref<160000xi32, #tpu.memory_space<hbm>> -> memref<1000xi32, #tpu.memory_space<hbm>>
      tpu.wait_dma2 semaphore(%run_scoped3A : memref<!tpu.dma_semaphore, #tpu.memory_space<semaphore_mem>>) src(%dma_wait3A_35 : memref<1000xi32, #tpu.memory_space<hbm>>) dst(%arg5 : memref<1000xi32, #tpu.memory_space<vmem>>)
      tpu.yield
    }) : () -> ()
    "tpu.region"() ({
      %run_scoped3A = tpu.sem_alloc : memref<!tpu.dma_semaphore, #tpu.memory_space<semaphore_mem>>
      %dma_start3A = arith.constant 0 : i32
      %dma_start3A_34 = tpu.memref_slice %arg2[%add3A_24, %dma_start3A] : memref<160000x32xf32, #tpu.memory_space<hbm>> -> memref<1000x32xf32, #tpu.memory_space<hbm>>
      %dma_start3A_35 = arith.constant 0 : i32
      %dma_start3A_36 = tpu.memref_slice %arg2[%add3A_24, %dma_start3A_35] : memref<160000x32xf32, #tpu.memory_space<hbm>> -> memref<1000x32xf32, #tpu.memory_space<hbm>>
      tpu.enqueue_dma source(%dma_start3A_36 : memref<1000x32xf32, #tpu.memory_space<hbm>>) target(%arg6 : memref<1000x32xf32, #tpu.memory_space<vmem>>) target_semaphore(%run_scoped3A : memref<!tpu.dma_semaphore, #tpu.memory_space<semaphore_mem>>)
      %dma_wait3A = arith.constant 0 : i32
      %dma_wait3A_37 = tpu.memref_slice %arg2[%add3A_24, %dma_wait3A] : memref<160000x32xf32, #tpu.memory_space<hbm>> -> memref<1000x32xf32, #tpu.memory_space<hbm>>
      %dma_wait3A_38 = arith.constant 0 : i32
      %dma_wait3A_39 = tpu.memref_slice %arg2[%add3A_24, %dma_wait3A_38] : memref<160000x32xf32, #tpu.memory_space<hbm>> -> memref<1000x32xf32, #tpu.memory_space<hbm>>
      tpu.wait_dma2 semaphore(%run_scoped3A : memref<!tpu.dma_semaphore, #tpu.memory_space<semaphore_mem>>) src(%dma_wait3A_39 : memref<1000x32xf32, #tpu.memory_space<hbm>>) dst(%arg6 : memref<1000x32xf32, #tpu.memory_space<vmem>>)
      tpu.yield
    }) : () -> ()
    "tpu.region"() ({
      %run_scoped3A = tpu.sem_alloc : memref<!tpu.dma_semaphore, #tpu.memory_space<semaphore_mem>>
      %dma_start3A = arith.constant 0 : i32
      %dma_start3A_34 = arith.constant 0 : i32
      %dma_start3A_35 = tpu.memref_slice %arg8[%dma_start3A, %dma_start3A_34] : memref<10000x32xf32, #tpu.memory_space<vmem_shared>> -> memref<10000x32xf32, #tpu.memory_space<vmem_shared>>
      tpu.enqueue_indirect_dma source(%arg6 : memref<1000x32xf32, #tpu.memory_space<vmem>>) target(%dma_start3A_35 : memref<10000x32xf32, #tpu.memory_space<vmem_shared>>) offsets(%arg5 : memref<1000xi32, #tpu.memory_space<vmem>>) semaphore(%run_scoped3A : memref<!tpu.dma_semaphore, #tpu.memory_space<semaphore_mem>>) {add = true}
      %dma_wait3A = arith.constant 0 : i32
      %dma_wait3A_36 = arith.constant 0 : i32
      %dma_wait3A_37 = tpu.memref_slice %arg8[%dma_wait3A, %dma_wait3A_36] : memref<10000x32xf32, #tpu.memory_space<vmem_shared>> -> memref<10000x32xf32, #tpu.memory_space<vmem_shared>>
      tpu.wait_indirect_dma semaphore(%run_scoped3A : memref<!tpu.dma_semaphore, #tpu.memory_space<semaphore_mem>>) src(%arg6 : memref<1000x32xf32, #tpu.memory_space<vmem>>) dst(%dma_wait3A_37 : memref<10000x32xf32, #tpu.memory_space<vmem_shared>>)
      tpu.yield
    }) : () -> ()
    %mul3A_25 = arith.constant 5000 : i32
    %mul3A_26 = arith.muli %add3A, %mul3A_25 : i32
    %add3A_27 = arith.constant 4000 : i32
    %add3A_28 = arith.addi %mul3A_26, %add3A_27 : i32
    "tpu.region"() ({
      %run_scoped3A = tpu.sem_alloc : memref<!tpu.dma_semaphore, #tpu.memory_space<semaphore_mem>>
      %dma_start3A = tpu.memref_slice %arg3[%add3A_28] : memref<160000xi32, #tpu.memory_space<hbm>> -> memref<1000xi32, #tpu.memory_space<hbm>>
      %dma_start3A_34 = tpu.memref_slice %arg3[%add3A_28] : memref<160000xi32, #tpu.memory_space<hbm>> -> memref<1000xi32, #tpu.memory_space<hbm>>
      tpu.enqueue_dma source(%dma_start3A_34 : memref<1000xi32, #tpu.memory_space<hbm>>) target(%arg5 : memref<1000xi32, #tpu.memory_space<vmem>>) target_semaphore(%run_scoped3A : memref<!tpu.dma_semaphore, #tpu.memory_space<semaphore_mem>>)
      %dma_wait3A = tpu.memref_slice %arg3[%add3A_28] : memref<160000xi32, #tpu.memory_space<hbm>> -> memref<1000xi32, #tpu.memory_space<hbm>>
      %dma_wait3A_35 = tpu.memref_slice %arg3[%add3A_28] : memref<160000xi32, #tpu.memory_space<hbm>> -> memref<1000xi32, #tpu.memory_space<hbm>>
      tpu.wait_dma2 semaphore(%run_scoped3A : memref<!tpu.dma_semaphore, #tpu.memory_space<semaphore_mem>>) src(%dma_wait3A_35 : memref<1000xi32, #tpu.memory_space<hbm>>) dst(%arg5 : memref<1000xi32, #tpu.memory_space<vmem>>)
      tpu.yield
    }) : () -> ()
    "tpu.region"() ({
      %run_scoped3A = tpu.sem_alloc : memref<!tpu.dma_semaphore, #tpu.memory_space<semaphore_mem>>
      %dma_start3A = arith.constant 0 : i32
      %dma_start3A_34 = tpu.memref_slice %arg2[%add3A_28, %dma_start3A] : memref<160000x32xf32, #tpu.memory_space<hbm>> -> memref<1000x32xf32, #tpu.memory_space<hbm>>
      %dma_start3A_35 = arith.constant 0 : i32
      %dma_start3A_36 = tpu.memref_slice %arg2[%add3A_28, %dma_start3A_35] : memref<160000x32xf32, #tpu.memory_space<hbm>> -> memref<1000x32xf32, #tpu.memory_space<hbm>>
      tpu.enqueue_dma source(%dma_start3A_36 : memref<1000x32xf32, #tpu.memory_space<hbm>>) target(%arg6 : memref<1000x32xf32, #tpu.memory_space<vmem>>) target_semaphore(%run_scoped3A : memref<!tpu.dma_semaphore, #tpu.memory_space<semaphore_mem>>)
      %dma_wait3A = arith.constant 0 : i32
      %dma_wait3A_37 = tpu.memref_slice %arg2[%add3A_28, %dma_wait3A] : memref<160000x32xf32, #tpu.memory_space<hbm>> -> memref<1000x32xf32, #tpu.memory_space<hbm>>
      %dma_wait3A_38 = arith.constant 0 : i32
      %dma_wait3A_39 = tpu.memref_slice %arg2[%add3A_28, %dma_wait3A_38] : memref<160000x32xf32, #tpu.memory_space<hbm>> -> memref<1000x32xf32, #tpu.memory_space<hbm>>
      tpu.wait_dma2 semaphore(%run_scoped3A : memref<!tpu.dma_semaphore, #tpu.memory_space<semaphore_mem>>) src(%dma_wait3A_39 : memref<1000x32xf32, #tpu.memory_space<hbm>>) dst(%arg6 : memref<1000x32xf32, #tpu.memory_space<vmem>>)
      tpu.yield
    }) : () -> ()
    "tpu.region"() ({
      %run_scoped3A = tpu.sem_alloc : memref<!tpu.dma_semaphore, #tpu.memory_space<semaphore_mem>>
      %dma_start3A = arith.constant 0 : i32
      %dma_start3A_34 = arith.constant 0 : i32
      %dma_start3A_35 = tpu.memref_slice %arg8[%dma_start3A, %dma_start3A_34] : memref<10000x32xf32, #tpu.memory_space<vmem_shared>> -> memref<10000x32xf32, #tpu.memory_space<vmem_shared>>
      tpu.enqueue_indirect_dma source(%arg6 : memref<1000x32xf32, #tpu.memory_space<vmem>>) target(%dma_start3A_35 : memref<10000x32xf32, #tpu.memory_space<vmem_shared>>) offsets(%arg5 : memref<1000xi32, #tpu.memory_space<vmem>>) semaphore(%run_scoped3A : memref<!tpu.dma_semaphore, #tpu.memory_space<semaphore_mem>>) {add = true}
      %dma_wait3A = arith.constant 0 : i32
      %dma_wait3A_36 = arith.constant 0 : i32
      %dma_wait3A_37 = tpu.memref_slice %arg8[%dma_wait3A, %dma_wait3A_36] : memref<10000x32xf32, #tpu.memory_space<vmem_shared>> -> memref<10000x32xf32, #tpu.memory_space<vmem_shared>>
      tpu.wait_indirect_dma semaphore(%run_scoped3A : memref<!tpu.dma_semaphore, #tpu.memory_space<semaphore_mem>>) src(%arg6 : memref<1000x32xf32, #tpu.memory_space<vmem>>) dst(%dma_wait3A_37 : memref<10000x32xf32, #tpu.memory_space<vmem_shared>>)
      tpu.yield
    }) : () -> ()
    %barrier3A_29 = arith.constant 0 : index
    tpu.barrier barrier_id(%barrier3A_29)
    %mul3A_30 = arith.constant 625 : i32
    %mul3A_31 = arith.muli %arg1, %mul3A_30 : i32
    %mul3A_32 = arith.constant 625 : i32
    %mul3A_33 = arith.muli %arg1, %mul3A_32 : i32
    "tpu.region"() ({
      %run_scoped3A = tpu.sem_alloc : memref<!tpu.dma_semaphore, #tpu.memory_space<semaphore_mem>>
      %dma_start3A = arith.constant 0 : i32
      %dma_start3A_34 = tpu.memref_slice %arg4[%arg0, %mul3A_33, %dma_start3A] : memref<2x10000x32xf32, #tpu.memory_space<hbm>> -> memref<1x625x32xf32, #tpu.memory_space<hbm>>
      %dma_start3A_35 = tpu.memref_squeeze %dma_start3A_34 : memref<1x625x32xf32, #tpu.memory_space<hbm>> -> memref<625x32xf32, #tpu.memory_space<hbm>>
      %dma_start3A_36 = arith.constant 0 : i32
      %dma_start3A_37 = tpu.memref_slice %arg8[%mul3A_31, %dma_start3A_36] : memref<10000x32xf32, #tpu.memory_space<vmem_shared>> -> memref<625x32xf32, #tpu.memory_space<vmem_shared>>
      tpu.enqueue_dma source(%dma_start3A_37 : memref<625x32xf32, #tpu.memory_space<vmem_shared>>) target(%dma_start3A_35 : memref<625x32xf32, #tpu.memory_space<hbm>>) target_semaphore(%run_scoped3A : memref<!tpu.dma_semaphore, #tpu.memory_space<semaphore_mem>>)
      %dma_wait3A = arith.constant 0 : i32
      %dma_wait3A_38 = tpu.memref_slice %arg4[%arg0, %mul3A_33, %dma_wait3A] : memref<2x10000x32xf32, #tpu.memory_space<hbm>> -> memref<1x625x32xf32, #tpu.memory_space<hbm>>
      %dma_wait3A_39 = tpu.memref_squeeze %dma_wait3A_38 : memref<1x625x32xf32, #tpu.memory_space<hbm>> -> memref<625x32xf32, #tpu.memory_space<hbm>>
      %dma_wait3A_40 = arith.constant 0 : i32
      %dma_wait3A_41 = tpu.memref_slice %arg8[%mul3A_31, %dma_wait3A_40] : memref<10000x32xf32, #tpu.memory_space<vmem_shared>> -> memref<625x32xf32, #tpu.memory_space<vmem_shared>>
      tpu.wait_dma2 semaphore(%run_scoped3A : memref<!tpu.dma_semaphore, #tpu.memory_space<semaphore_mem>>) src(%dma_wait3A_41 : memref<625x32xf32, #tpu.memory_space<vmem_shared>>) dst(%dma_wait3A_39 : memref<625x32xf32, #tpu.memory_space<hbm>>)
      tpu.yield
    }) : () -> ()
    return
  }
}

module attributes {stable_mosaic.version = 14 : i64} {
  func.func @_tc_transform_body(%arg0: i32, %arg1: memref<800x128xf32, #tpu.memory_space<vmem>>, %arg2: memref<800x128xf32, #tpu.memory_space<vmem>>, %arg3: memref<128x2176xbf16, #tpu.memory_space<vmem>>, %arg4: memref<128x2176xbf16, #tpu.memory_space<vmem>>, %arg5: memref<2176x128xbf16, #tpu.memory_space<vmem>>, %arg6: memref<800x128xf32, #tpu.memory_space<vmem>>) attributes {dimension_semantics = [#tpu.dimension_semantics<arbitrary>], iteration_bounds = array<i64: 50>, scalar_prefetch = 0 : i64, scratch_operands = 0 : i64, tpu.core_type = #tpu.core_type<tc>, window_params = [{transform_indices = @transform_0, window_bounds = array<i64: 800, 128>}, {transform_indices = @transform_1, window_bounds = array<i64: 800, 128>}, {pipeline_mode = #tpu.pipeline_mode<synchronous>, transform_indices = @transform_2, window_bounds = array<i64: 128, 2176>}, {pipeline_mode = #tpu.pipeline_mode<synchronous>, transform_indices = @transform_3, window_bounds = array<i64: 128, 2176>}, {pipeline_mode = #tpu.pipeline_mode<synchronous>, transform_indices = @transform_4, window_bounds = array<i64: 2176, 128>}, {transform_indices = @transform_5, window_bounds = array<i64: 800, 128>}]} {
    %get3A = arith.constant 0 : index
    %get3A_0 = arith.constant 0 : index
    %get3A_1 = vector.load %arg1[%get3A, %get3A_0] : memref<800x128xf32, #tpu.memory_space<vmem>>, vector<800x128xf32>
    %convert_element_type3A = arith.truncf %get3A_1 : vector<800x128xf32> to vector<800x128xbf16>
    %get3A_2 = arith.constant 0 : index
    %get3A_3 = arith.constant 0 : index
    %get3A_4 = vector.load %arg2[%get3A_2, %get3A_3] : memref<800x128xf32, #tpu.memory_space<vmem>>, vector<800x128xf32>
    %convert_element_type3A_5 = arith.truncf %get3A_4 : vector<800x128xf32> to vector<800x128xbf16>
    %get3A_6 = arith.constant 0 : index
    %get3A_7 = arith.constant 0 : index
    %get3A_8 = vector.load %arg3[%get3A_6, %get3A_7] : memref<128x2176xbf16, #tpu.memory_space<vmem>>, vector<128x2176xbf16>
    %dot_general3A = arith.constant dense<0.000000e+00> : vector<800x2176xf32>
    %dot_general3A_9 = tpu.matmul %convert_element_type3A, %get3A_8, %dot_general3A {dimension_numbers = #tpu.dot_dimension_numbers<[1], [0], [0], [1], [0, 0, 1, 1], [], []>, transpose_lhs_hint = false} : vector<800x128xbf16>, vector<128x2176xbf16>, vector<800x2176xf32> -> vector<800x2176xf32>
    %convert_element_type3A_10 = arith.truncf %dot_general3A_9 : vector<800x2176xf32> to vector<800x2176xbf16>
    %get3A_11 = arith.constant 0 : index
    %get3A_12 = arith.constant 0 : index
    %get3A_13 = vector.load %arg4[%get3A_11, %get3A_12] : memref<128x2176xbf16, #tpu.memory_space<vmem>>, vector<128x2176xbf16>
    %dot_general3A_14 = arith.constant dense<0.000000e+00> : vector<800x2176xf32>
    %dot_general3A_15 = tpu.matmul %convert_element_type3A_5, %get3A_13, %dot_general3A_14 {dimension_numbers = #tpu.dot_dimension_numbers<[1], [0], [0], [1], [0, 0, 1, 1], [], []>, transpose_lhs_hint = false} : vector<800x128xbf16>, vector<128x2176xbf16>, vector<800x2176xf32> -> vector<800x2176xf32>
    %convert_element_type3A_16 = arith.truncf %dot_general3A_15 : vector<800x2176xf32> to vector<800x2176xbf16>
    %mul3A = arith.mulf %convert_element_type3A_10, %convert_element_type3A_16 : vector<800x2176xbf16>
    %get3A_17 = arith.constant 0 : index
    %get3A_18 = arith.constant 0 : index
    %get3A_19 = vector.load %arg5[%get3A_17, %get3A_18] : memref<2176x128xbf16, #tpu.memory_space<vmem>>, vector<2176x128xbf16>
    %dot_general3A_20 = arith.constant dense<0.000000e+00> : vector<800x128xf32>
    %dot_general3A_21 = tpu.matmul %mul3A, %get3A_19, %dot_general3A_20 {dimension_numbers = #tpu.dot_dimension_numbers<[1], [0], [0], [1], [0, 0, 1, 1], [], []>, transpose_lhs_hint = false} : vector<800x2176xbf16>, vector<2176x128xbf16>, vector<800x128xf32> -> vector<800x128xf32>
    %swap3A = arith.constant 0 : index
    %swap3A_22 = arith.constant 0 : index
    %swap3A_23 = vector.load %arg6[%swap3A, %swap3A_22] : memref<800x128xf32, #tpu.memory_space<vmem>>, vector<800x128xf32>
    tpu.vector_store %arg6[%swap3A, %swap3A_22], %dot_general3A_21 {strides = array<i32>} : memref<800x128xf32, #tpu.memory_space<vmem>>, vector<800x128xf32>,
    return
  }
  func.func @transform_0(%arg0: i32) -> (i32, i32) {
    %c0_i32 = arith.constant 0 : i32
    %c0_i32_0 = arith.constant 0 : i32
    return %arg0, %c0_i32 : i32, i32
  }
  func.func @transform_1(%arg0: i32) -> (i32, i32) {
    %c0_i32 = arith.constant 0 : i32
    %c0_i32_0 = arith.constant 0 : i32
    return %arg0, %c0_i32 : i32, i32
  }
  func.func @transform_2(%arg0: i32) -> (i32, i32) {
    %c0_i32 = arith.constant 0 : i32
    %c0_i32_0 = arith.constant 0 : i32
    %c0_i32_1 = arith.constant 0 : i32
    return %c0_i32, %c0_i32_0 : i32, i32
  }
  func.func @transform_3(%arg0: i32) -> (i32, i32) {
    %c0_i32 = arith.constant 0 : i32
    %c0_i32_0 = arith.constant 0 : i32
    %c0_i32_1 = arith.constant 0 : i32
    return %c0_i32, %c0_i32_0 : i32, i32
  }
  func.func @transform_4(%arg0: i32) -> (i32, i32) {
    %c0_i32 = arith.constant 0 : i32
    %c0_i32_0 = arith.constant 0 : i32
    %c0_i32_1 = arith.constant 0 : i32
    return %c0_i32, %c0_i32_0 : i32, i32
  }
  func.func @transform_5(%arg0: i32) -> (i32, i32) {
    %c0_i32 = arith.constant 0 : i32
    %c0_i32_0 = arith.constant 0 : i32
    return %arg0, %c0_i32 : i32, i32
  }
}

module attributes {stable_mosaic.version = 14 : i64} {
  func.func @_tc_sum_body(%arg0: memref<2x2500x128xf32, #tpu.memory_space<vmem>>, %arg1: memref<2500x128xf32, #tpu.memory_space<vmem>>) attributes {dimension_semantics = [], scalar_prefetch = 0 : i64, scratch_operands = 0 : i64, tpu.core_type = #tpu.core_type<tc>} {
    %get3A = arith.constant 0 : index
    %get3A_0 = arith.constant 0 : index
    %get3A_1 = arith.constant 0 : index
    %get3A_2 = vector.load %arg0[%get3A, %get3A_0, %get3A_1] : memref<2x2500x128xf32, #tpu.memory_space<vmem>>, vector<1x2500x128xf32>
    %get3A_3 = vector.shape_cast %get3A_2 : vector<1x2500x128xf32> to vector<2500x128xf32>
    %get3A_4 = arith.constant 1 : index
    %get3A_5 = arith.constant 0 : index
    %get3A_6 = arith.constant 0 : index
    %get3A_7 = vector.load %arg0[%get3A_4, %get3A_5, %get3A_6] : memref<2x2500x128xf32, #tpu.memory_space<vmem>>, vector<1x2500x128xf32>
    %get3A_8 = vector.shape_cast %get3A_7 : vector<1x2500x128xf32> to vector<2500x128xf32>
    %add3A = arith.addf %get3A_3, %get3A_8 : vector<2500x128xf32>
    %swap3A = arith.constant 0 : index
    %swap3A_9 = arith.constant 0 : index
    %swap3A_10 = vector.load %arg1[%swap3A, %swap3A_9] : memref<2500x128xf32, #tpu.memory_space<vmem>>, vector<2500x128xf32>
    tpu.vector_store %arg1[%swap3A, %swap3A_9], %add3A {strides = array<i32>} : memref<2500x128xf32, #tpu.memory_space<vmem>>, vector<2500x128xf32>,
    return
  }
}

</mosaic_0001>

<sc_bundles>
// kernel: kernel.10.cloned.1.call-start
scs
__scs_entry_jumppad:
0x0: {  	(pc) =	sbr.rel $0x88, $3  }
0x1: {  	(tag) =	ssettag $0x0;
	lr =	simm.s32 $0x1  }
0x2: {  	[smem:$0x3F9C] =	sst lr;
	_ =	strace $0xD0000000  }
0x3: {  	_ = 	snop  }
0x4: {  	_ = 	snop  }
0x5: {  	_ = 	snop  }
0x6: {  	_ = 	snop  }
0x7: {  	_ = 	snop  }
__scs_overlays_trampoline_lowered:
0x8: {  	[smem:$0x3FAB] =	sst s0  }
0x9: {  	[smem:$0x3FAC] =	sst s1  }
0xa: {  	[smem:$0x3FAD] =	sst s2  }
0xb: {  	[smem:$0x3FAE] =	sst s3  }
0xc: {  	[smem:$0x3FAF] =	sst s4  }
0xd: {  	[smem:$0x3FB0] =	sst s5  }
0xe: {  	[smem:$0x3FB1] =	sst s6  }
0xf: {  	[smem:$0x3FB2] =	sst s7  }
0x10: {  	[smem:$0x3FB3] =	sst s8  }
0x11: {  	[smem:$0x3FB4] =	sst s9;
	s0 =	simm.s32 @!p0 $0x0  }
0x12: {  	s1 =	sld [smem:$0x3F9A];
	s0 =	simm.s32 @p0 $0x1  }
0x13: {  	[smem:$0x3FB5] =	sst s0;
	s0 =	simm.s32 @!p1 $0x0  }
0x14: {  	s2 =	sld [smem:$0x3F99];
	s0 =	simm.s32 @p1 $0x1  }
0x15: {  	[smem:$0x3FB6] =	sst s0;
	s0 =	simm.s32 @!p2 $0x0  }
0x16: {  	s3 =	sld [smem:$0x3FDB];
	s0 =	simm.s32 @p2 $0x1  }
0x17: {  	s4 =	simm.s32 $0x1BF5;
	[smem:$0x3FB8] =	sst s0  }
0x18: {  	s0 =	sld [smem:$0x3F9B];
	_ =	swait.ge [sflag:s4], $0x0  }
0x19: {  	s7 =	sld [smem:$0x3F9C]  }
0x1a: {  	s8 =	sadd.s32 $0xFFFFE003, lr  }
0x1b: {  	s9 =	sadd.s32 $0xFFFFFEF7, lr;
	s5 =	simm.s32 $0xFFFFFFFF;
	p2 =	slt.u32 s8, $0xFFFFF086  }
0x1c: {  	p1 =	slt.u32 s9, $0xF7A;
	s5 =	simm.s32 @!p2 $0x0  }
0x1d: {  	s5 =	simm.s32 @p1 $0x1;
	p0 =	seq.s32 s7, s2  }
0x1e: {  	s7 =	smul.u32 @!p0 $0xF7A, s2;
	p2 =	seq.s32 @!p0 s5, $0x0  }
0x1f: {  	s9 =	smul.u32 $0xF7A, s1;
	s8 =	simm.s32 @!p0 $0x1BF5;
	p2 =	por !p2, p0  }
0x20: {  	[sflag:s8] =	ssyncset.s32 @!p0 $0xFFFFF086;
	s6 =	sadd.s32 @!p0 s3, s7;
	s7 =	simm.s32 @!p0 $0x108  }
0x21: {  	s3 =	sadd.s32 s3, s9;
	s6 =	sadd.s32 @!p0 $0x88, s6;
	s7 =	simm.s32 @p2 $0x1082  }
0x22: {  	[simem:s7], [sflag:s8] =	dma.local @!p0 [hbm:s6], $0xF7A  }
0x23: {  	s9 =	sor.u32 $0xD0000000, s2;
	s6 =	simm.s32 $0x108;
	_ =	swait.ge @!p0 [sflag:s8], $0x0  }
0x24: {  	s3 =	sadd.s32 $0x88, s3;
	s6 =	simm.s32 @!p1 $0x1082;
	[sflag:s4] =	ssyncset.s32 $0xFFFFF086  }
0x25: {  	[simem:s6], [sflag:s4] =	dma.local [hbm:s3], $0xF7A  }
0x26: {  	[smem:$0x3F9C] =	sst s1;
	(tag) =	ssettag s2;
	_ =	strace s9  }
0x27: {  	s1 =	sld [smem:$0x3FAC]  }
0x28: {  	s2 =	sld [smem:$0x3FAD]  }
0x29: {  	s4 =	sld [smem:$0x3FAF]  }
0x2a: {  	p0 =	seq.s32 s5, $0x0;
	s5 =	sld [smem:$0x3FB0]  }
0x2b: {  	s6 =	sld [smem:$0x3FB1]  }
0x2c: {  	s7 =	sld [smem:$0x3FB2]  }
0x2d: {  	s3 =	simm.s32 $0x108;
	s8 =	sld [smem:$0x3FB3]  }
0x2e: {  	s3 =	simm.s32 @!p0 $0x1082;
	s9 =	sld [smem:$0x3FB4]  }
0x2f: {  	lr =	sadd.s32 s0, s3;
	s0 =	sld [smem:$0x3FAB]  }
0x30: {  	s3 =	sld [smem:$0x3FAE]  }
0x31: {  	[smem:$0x3FB7] =	sst s10  }
0x32: {  	s10 =	sld [smem:$0x3FB5];
	_ =	sdelay $0x3  }
0x33: {  	p0 =	seq.s32 s10, $0x1;
	s10 =	sld [smem:$0x3FB7];
	_ =	sdelay $0x3  }
0x34: {  	[smem:$0x3FB7] =	sst s10  }
0x35: {  	s10 =	sld [smem:$0x3FB6];
	_ =	sdelay $0x3  }
0x36: {  	p1 =	seq.s32 s10, $0x1;
	s10 =	sld [smem:$0x3FB7];
	_ =	sdelay $0x3  }
0x37: {  	[smem:$0x3FB7] =	sst s10  }
0x38: {  	s10 =	sld [smem:$0x3FB8]  }
0x39: {  	_ = 	snop;
	(pc) =	sbr.ind lr, $3  }
0x3a: {  	_ = 	snop  }
0x3b: {  	_ = 	snop  }
0x3c: {  	p2 =	seq.s32 s10, $0x1;
	s10 =	sld [smem:$0x3FB7]  }
0x3d: {  	_ =	shalt  }
0x3e: {  	_ =	shalt  }
0x3f: {  	_ =	shalt  }
0x40: {  	_ =	shalt  }
0x41: {  	_ =	shalt  }
0x42: {  	_ =	shalt  }
0x43: {  	_ =	shalt  }
0x44: {  	_ =	shalt  }
0x45: {  	_ =	shalt  }
0x46: {  	_ =	shalt  }
0x47: {  	_ =	shalt  }
0x48: {  	_ =	shalt  }
0x49: {  	_ =	shalt  }
0x4a: {  	_ =	shalt  }
0x4b: {  	_ =	shalt  }
0x4c: {  	_ =	shalt  }
0x4d: {  	_ =	shalt  }
0x4e: {  	_ =	shalt  }
0x4f: {  	_ =	shalt  }
0x50: {  	_ =	shalt  }
0x51: {  	_ =	shalt  }
0x52: {  	_ =	shalt  }
0x53: {  	_ =	shalt  }
0x54: {  	_ =	shalt  }
0x55: {  	_ =	shalt  }
0x56: {  	_ =	shalt  }
0x57: {  	_ =	shalt  }
0x58: {  	_ =	shalt  }
0x59: {  	_ =	shalt  }
0x5a: {  	_ =	shalt  }
0x5b: {  	_ =	shalt  }
0x5c: {  	_ =	shalt  }
0x5d: {  	_ =	shalt  }
0x5e: {  	_ =	shalt  }
0x5f: {  	_ =	shalt  }
0x60: {  	_ =	shalt  }
0x61: {  	_ =	shalt  }
0x62: {  	_ =	shalt  }
0x63: {  	_ =	shalt  }
0x64: {  	_ =	shalt  }
0x65: {  	_ =	shalt  }
0x66: {  	_ =	shalt  }
0x67: {  	_ =	shalt  }
0x68: {  	_ =	shalt  }
0x69: {  	_ =	shalt  }
0x6a: {  	_ =	shalt  }
0x6b: {  	_ =	shalt  }
0x6c: {  	_ =	shalt  }
0x6d: {  	_ =	shalt  }
0x6e: {  	_ =	shalt  }
0x6f: {  	_ =	shalt  }
0x70: {  	_ =	shalt  }
0x71: {  	_ =	shalt  }
0x72: {  	_ =	shalt  }
0x73: {  	_ =	shalt  }
0x74: {  	_ =	shalt  }
0x75: {  	_ =	shalt  }
0x76: {  	_ =	shalt  }
0x77: {  	_ =	shalt  }
0x78: {  	_ =	shalt  }
0x79: {  	_ =	shalt  }
0x7a: {  	_ =	shalt  }
0x7b: {  	_ =	shalt  }
0x7c: {  	_ =	shalt  }
0x7d: {  	_ =	shalt  }
0x7e: {  	_ =	shalt  }
0x7f: {  	_ =	shalt  }
0x80: {  	_ =	shalt  }
0x81: {  	_ =	shalt  }
0x82: {  	_ =	shalt  }
0x83: {  	_ =	shalt  }
0x84: {  	_ =	shalt  }
0x85: {  	_ =	shalt  }
0x86: {  	_ =	shalt  }
0x87: {  	_ =	shalt  }
.Lfunc_end0:
.L_simem_size_0:
called_computation.1_lowered:
.L_overlay_start_0:
0x88: {  	s2 =	sld [smem:$0x3FD9]  }
0x89: {  	s3 =	sld [smem:$0x3FFE];
	_ =	sdelay $0x1  }
0x8a: {  	s1 =	srdreg.scid  }
0x8b: {  	s0 =	sand.u32 $0x1, s1  }
0x8c: {  	s16 =	sshll.u32 s0, $0xA;
	s2 =	sadd.s32 s3, s2  }
0x8d: {  	s2 =	sadd.s32 s2, s16  }
0x8e: {  	[smem:$0x3FC3] =	sst s2  }
0x8f: {  	_ = 	snop  }
0x90: {  	(tm) =	ssettm $0x1  }
0x91: {  	s17 =	sld [smem:$0x3FFB];
	_ =	sdelay $0x3  }
0x92: {  	_ =	strace s17  }
0x93: {  	s2 =	sld [smem:$0x3FFC];
	_ =	sdelay $0x3  }
0x94: {  	_ =	strace s2  }
0x95: {  	s2 =	sld [smem:$0x3FFD];
	_ =	sdelay $0x3  }
0x96: {  	_ =	strace s2  }
0x97: {  	_ =	strace $0x8FFFFFFF  }
0x98: {  	s18 =	sld [smem:$0x3FDB];
	_ =	sdelay $0x1  }
0x99: {  	s19 =	simm.s32 $_scs_section_size  }
0x9a: {  	s4 =	simm.s32 $_size__tile_overlayer_lowered;
	s5 =	simm.s32 $_tile_overlayer_lowered  }
0x9b: {  	s22 =	simm.s32 $0x1BFF;
	s21 =	sshll.u32 s5, $0x1;
	s2 =	sadd.s32 s19, s18  }
0x9c: {  	s6 =	simm.s32 $0x0;
	s20 =	sshll.u32 s4, $0x1;
	s4 =	sadd.s32 s21, s2  }
0x9d: {  	[timem:s6], [sflag:s22] =	dma.local [hbm:s4], s20  }
0x9e: {  	_ =	swait.ge [sflag:s22], s20  }
0x9f: {  	s3 =	ssub.s32 $0x0, s20;
	[sflag:s22] =	ssyncset.done $0x0  }
0xa0: {  	[sflag:s22] =	ssyncadd.s32 s3;
	_ =	sdelay $0x1  }
0xa1: {  	s23 =	simm.s32 $0x1B8B  }
0xa2: {  	_ =	swait.ge [sflag:s23], $0x1  }
0xa3: {  	[sflag:s23] =	ssyncset.done $0x0  }
0xa4: {  	s25 =	simm.s32 $0x1B8E;
	s24 =	sld [smem:$0x3FFE];
	[sflag:s23] =	ssyncadd.s32 $0xFFFFFFFF  }
0xa5: {  	s26 =	simm.s32 $execute0_lowered;
	[smem:$0x3FD2] =	sst s25  }
0xa6: {  	s4 =	sshll.u32 s26, $0x1;
	_ =	strace $0x80000049;
	[dreg:$0x1] =	wrdreg $0xFFFFFFFF  }
0xa7: {  	s28 =	simm.s32 $_size_execute0_lowered;
	s2 =	sadd.s32 s2, s4;
	[dreg:$0x0] =	wrdreg $0x0  }
0xa8: {  	s4 =	sshll.u32 s28, $0x1;
	[dreg:$0x2] =	wrdreg s2  }
0xa9: {  	[dreg:$0x3] =	wrdreg s4  }
0xaa: {  	[dreg:$0x4] =	wrdreg $0xC0  }
0xab: {  	_ =	task [dreg:s6], $0x5FFFF  }
0xac: {  	[dreg:$0x1] =	wrdreg $0xFFFFFFFF  }
0xad: {  	[dreg:$0x0] =	wrdreg $0x60  }
0xae: {  	[dreg:$0x2] =	wrdreg s24  }
0xaf: {  	[dreg:$0x3] =	wrdreg $0xCF080  }
0xb0: {  	[dreg:$0x4] =	wrdreg $0x9  }
0xb1: {  	_ =	task.clear_ibuf [dreg:s6], $0x5FFFF;
	_ =	strace $0x90000049  }
0xb2: {  	s29 =	simm.s32 $0x9;
	_ =	strace $0x8000004B  }
0xb3: {  	_ =	swait.ge [sflag:s29], $0x1  }
0xb4: {  	[sflag:s29] =	ssyncadd.s32 $0xFFFFFFFF  }
0xb5: {  	_ =	strace $0x9000004B  }
0xb6: {  	_ =	sfence  }
0xb7: {  	s30 =	sld [smem:$0x0];
	_ =	sdelay $0x2  }
0xb8: {  	s31 =	sshll.u32 s1, $0xD;
	s1 =	sshrl.u32 s1, $0x2  }
0xb9: {  	s3 =	sand.u32 $0x4000, s31;
	s1 =	sadd.s32 s1, s30  }
0xba: {  	s0 =	sor.u32 s3, s0;
	s1 =	sshll.u32 s1, $0x11  }
0xbb: {  	s0 =	sor.u32 s1, s0  }
0xbc: {  	s0 =	sadd.s32 $0x8F2B, s0  }
0xbd: {  	[sflag:s0] =	ssyncadd.remote.s32 $0x1  }
0xbe: {  	_ =	sfence.sel $0xFFFF  }
0xbf: {  	[dreg:$0x0] =	wrdreg $0xFFFFFFFF;
	(pc) =	sbr.abs _section_cstart, $3  }
0xc0: {  	[dreg:$0x1] =	wrdreg $0xFFFFFFFF  }
0xc1: {  	_ =	task.clear_ibuf [dreg:s6], $0x2FFFF;
	_ =	strace $0x9FFFFFFF  }
0xc2: {  	(tm) =	ssettm $0x7FFFFFFF  }
0xc3: {  	_ =	shalt  }
tec
execute0_lowered:
.L_overlay_start_1:
0x0: {  	(tag) =	ssettag $0x1  }
0x1: {  	s4 =	rddreg [dreg:$0x0]  }
0x2: {  	s2 =	rddreg [dreg:$0x1]  }
0x3: {  	s0 =	rddreg [dreg:$0x2];
	s3 =	simm.s32 $0x0;
	s5 =	srdreg.scid  }
0x4: {  	s1 =	stileid.u32;
	s20 =	simm.s32 $0x0;
	[smem:$0x7FF] =	sst s3  }
0x5: {  	s5 =	sand.u32 $0x1, s5;
	s6 =	smul.u32 $0x4E20, s1;
	s14 =	sadd.s32 $0xB200, s4  }
0x6: {  	s13 =	sadd.s32 $0x6200, s4;
	s8 =	sshll.u32 s1, $0x1;
	s7 =	smul.u32 $0x4E200, s5  }
0x7: {  	_ =	strace $0x8000004A;
	s9 =	ssub.s32 $0x2, s5;
	s5 =	sor.u32 s5, s8  }
0x8: {  	s25 =	sshrl.u32 s9, $0x1;
	s12 =	smul.u32 $0x1388, s5;
	s7 =	sadd.s32 s6, s7  }
0x9: {  	s26 =	smul.u32 $0x4E20, s5;
	s16 =	ssub.s32 s9, s25;
	s7 =	sshrl.u32 s7, $0x3  }
0xa: {  	s28 =	sshrl.u32 s12, $0x3;
	s29 =	sadd.s32 $0x3E8, s12;
	s10 =	sadd.s32 $0x7D0, s12  }
0xb: {  	s17 =	sadd.s32 $0xBB8, s12;
	s12 =	sadd.s32 $0xFA0, s12;
	s16 =	smax.u32 s16, $0x1  }
0xc: {  	s15 =	sadd.s32 s7, s4;
	s4 =	sadd.s32 s6, s2;
	s5 =	sadd.s32 s13, s28  }
0xd: {  	s6 =	sadd.s32 s14, s26;
	s30 =	sshrl.u32 s29, $0x3;
	s8 =	sshll.u32 s29, $0x2  }
0xe: {  	s31 =	sshrl.u32 s10, $0x3;
	s10 =	sshll.u32 s10, $0x2;
	s11 =	sshrl.u32 s17, $0x3  }
0xf: {  	s17 =	sshll.u32 s17, $0x2;
	s18 =	sshrl.u32 s12, $0x3;
	s19 =	sshll.u32 s12, $0x2  }
0x10: {  	s7 =	sadd.s32 s13, s30;
	s8 =	sadd.s32 s14, s8;
	s9 =	sadd.s32 s13, s31  }
0x11: {  	s10 =	sadd.s32 s14, s10;
	s11 =	sadd.s32 s13, s11;
	s12 =	sadd.s32 s14, s17  }
0x12: {  	s13 =	sadd.s32 s13, s18;
	s14 =	sadd.s32 s14, s19;
	s15 =	sadd.s32 $0xA7600, s15  }
0x13: {  	v0 =	vimm.f32 $0.0e+00;
	s17 =	simm.s32 $0x80E8;
	s18 =	simm.s32 $0x1;
	s19 =	simm.s32 $0x3E8  }
.LBB2_1:
0x14: {  	s21 =	simm.s32 $0x80;
	s22 =	simm.s32 $0x0  }
.LBB2_2:
0x15: {  	p0 =	sne.s32 s21, $0x13800;
	[tilespmem:s22+$0x80E8] =	vst v0;
	s23 =	smov.u32 s21;
	s21 =	sadd.s32 $0x80, s21  }
.Ltmp0:
0x16: {  	[tilespmem:s22+$0x80F8] =	vst v0;
	(pc) =	sbr.rel @p0 .LBB2_2-.Ltmp0, $2  }
0x17: {  	_ =	sdelay $0x2  }
0x18: {  	s22 =	sshra.s32 s23, $0x2  }
0x19: {  	[tilespmem:s22+$0x80E8] =	vst v0  }
0x1a: {  	[tilespmem:s22+$0x80F8] =	vst v0  }
0x1b: {  	[spmem:s4] =	stream.linear.scatter [tilespmem:s17], [sflag:$0x1], $0x4E20, $0x38;
	[tilespmem:$0x11D28] =	vst v63  }
0x1c: {  	_ =	swait.ge [sflag:s18], $0x4E20  }
0x1d: {  	[sflag:s18] =	ssyncset.done $0x0  }
0x1e: {  	[sflag:s18] =	ssyncadd.s32 $0xFFFFB1E0  }
0x1f: {  	[bflag:$0x0] =	sbarrier.arrive $0xFFFF  }
0x20: {  	[tilespmem:s3], [sflag:$0x1] =	stream.linear.gather [hbm4b:s5+s3], $0x3E8, $0x38;
	[tilespmem:$0x11D28] =	vst v63  }
0x21: {  	_ =	swait.ge [sflag:s18], $0x3E8  }
0x22: {  	[sflag:s18] =	ssyncset.done $0x0  }
0x23: {  	[sflag:s18] =	ssyncadd.s32 $0xFFFFFC18  }
0x24: {  	[tilespmem:s19], [sflag:$0x1] =	stream.linear.gather [hbm4b:s6+s3], $0x7D00, $0x38;
	[tilespmem:$0x11D28] =	vst v63  }
0x25: {  	_ =	swait.ge [sflag:s18], $0x7D00  }
0x26: {  	[sflag:s18] =	ssyncset.done $0x0  }
0x27: {  	[sflag:s18] =	ssyncadd.s32 $0xFFFF8300  }
0x28: {  	[spmem:s2] =	stream.indirect.scatter.add.f32 [tilespmem:s19], [sflag:$0x1], $0x20, s3, s19, $0xb8;
	[tilespmem:$0x11D28] =	vst v63  }
0x29: {  	_ =	swait.ge [sflag:s18], $0x7D00  }
0x2a: {  	[sflag:s18] =	ssyncset.done $0x0  }
0x2b: {  	[sflag:s18] =	ssyncadd.s32 $0xFFFF8300  }
0x2c: {  	[tilespmem:s3], [sflag:$0x1] =	stream.linear.gather [hbm4b:s7+s3], $0x3E8, $0x38;
	[tilespmem:$0x11D28] =	vst v63  }
0x2d: {  	_ =	swait.ge [sflag:s18], $0x3E8  }
0x2e: {  	[sflag:s18] =	ssyncset.done $0x0  }
0x2f: {  	[sflag:s18] =	ssyncadd.s32 $0xFFFFFC18  }
0x30: {  	[tilespmem:s19], [sflag:$0x1] =	stream.linear.gather [hbm4b:s8+s3], $0x7D00, $0x38;
	[tilespmem:$0x11D28] =	vst v63  }
0x31: {  	_ =	swait.ge [sflag:s18], $0x7D00  }
0x32: {  	[sflag:s18] =	ssyncset.done $0x0  }
0x33: {  	[sflag:s18] =	ssyncadd.s32 $0xFFFF8300  }
0x34: {  	[spmem:s2] =	stream.indirect.scatter.add.f32 [tilespmem:s19], [sflag:$0x1], $0x20, s3, s19, $0xb8;
	[tilespmem:$0x11D28] =	vst v63  }
0x35: {  	_ =	swait.ge [sflag:s18], $0x7D00  }
0x36: {  	[sflag:s18] =	ssyncset.done $0x0  }
0x37: {  	[sflag:s18] =	ssyncadd.s32 $0xFFFF8300  }
0x38: {  	[tilespmem:s3], [sflag:$0x1] =	stream.linear.gather [hbm4b:s9+s3], $0x3E8, $0x38;
	[tilespmem:$0x11D28] =	vst v63  }
0x39: {  	_ =	swait.ge [sflag:s18], $0x3E8  }
0x3a: {  	[sflag:s18] =	ssyncset.done $0x0  }
0x3b: {  	[sflag:s18] =	ssyncadd.s32 $0xFFFFFC18  }
0x3c: {  	[tilespmem:s19], [sflag:$0x1] =	stream.linear.gather [hbm4b:s10+s3], $0x7D00, $0x38;
	[tilespmem:$0x11D28] =	vst v63  }
0x3d: {  	_ =	swait.ge [sflag:s18], $0x7D00  }
0x3e: {  	[sflag:s18] =	ssyncset.done $0x0  }
0x3f: {  	[sflag:s18] =	ssyncadd.s32 $0xFFFF8300  }
0x40: {  	[spmem:s2] =	stream.indirect.scatter.add.f32 [tilespmem:s19], [sflag:$0x1], $0x20, s3, s19, $0xb8;
	[tilespmem:$0x11D28] =	vst v63  }
0x41: {  	_ =	swait.ge [sflag:s18], $0x7D00  }
0x42: {  	[sflag:s18] =	ssyncset.done $0x0  }
0x43: {  	[sflag:s18] =	ssyncadd.s32 $0xFFFF8300  }
0x44: {  	[tilespmem:s3], [sflag:$0x1] =	stream.linear.gather [hbm4b:s11+s3], $0x3E8, $0x38;
	[tilespmem:$0x11D28] =	vst v63  }
0x45: {  	_ =	swait.ge [sflag:s18], $0x3E8  }
0x46: {  	[sflag:s18] =	ssyncset.done $0x0  }
0x47: {  	[sflag:s18] =	ssyncadd.s32 $0xFFFFFC18  }
0x48: {  	[tilespmem:s19], [sflag:$0x1] =	stream.linear.gather [hbm4b:s12+s3], $0x7D00, $0x38;
	[tilespmem:$0x11D28] =	vst v63  }
0x49: {  	_ =	swait.ge [sflag:s18], $0x7D00  }
0x4a: {  	[sflag:s18] =	ssyncset.done $0x0  }
0x4b: {  	[sflag:s18] =	ssyncadd.s32 $0xFFFF8300  }
0x4c: {  	[spmem:s2] =	stream.indirect.scatter.add.f32 [tilespmem:s19], [sflag:$0x1], $0x20, s3, s19, $0xb8;
	[tilespmem:$0x11D28] =	vst v63  }
0x4d: {  	_ =	swait.ge [sflag:s18], $0x7D00  }
0x4e: {  	[sflag:s18] =	ssyncset.done $0x0  }
0x4f: {  	[sflag:s18] =	ssyncadd.s32 $0xFFFF8300  }
0x50: {  	[tilespmem:s3], [sflag:$0x1] =	stream.linear.gather [hbm4b:s13+s3], $0x3E8, $0x38;
	[tilespmem:$0x11D28] =	vst v63  }
0x51: {  	_ =	swait.ge [sflag:s18], $0x3E8  }
0x52: {  	[sflag:s18] =	ssyncset.done $0x0  }
0x53: {  	[sflag:s18] =	ssyncadd.s32 $0xFFFFFC18  }
0x54: {  	[tilespmem:s19], [sflag:$0x1] =	stream.linear.gather [hbm4b:s14+s3], $0x7D00, $0x38;
	[tilespmem:$0x11D28] =	vst v63  }
0x55: {  	_ =	swait.ge [sflag:s18], $0x7D00  }
0x56: {  	[sflag:s18] =	ssyncset.done $0x0  }
0x57: {  	[sflag:s18] =	ssyncadd.s32 $0xFFFF8300  }
0x58: {  	[spmem:s2] =	stream.indirect.scatter.add.f32 [tilespmem:s19], [sflag:$0x1], $0x20, s3, s19, $0xb8;
	[tilespmem:$0x11D28] =	vst v63  }
0x59: {  	_ =	swait.ge [sflag:s18], $0x7D00  }
0x5a: {  	s21 =	sshll.u32 s1, $0x6;
	s20 =	sadd.s32 $0x1, s20;
	[sflag:s18] =	ssyncset.done $0x0  }
0x5b: {  	s31 =	sshrl.u32 s4, $0x3;
	p0 =	sne.s32 s20, s16;
	[sflag:s18] =	ssyncadd.s32 $0xFFFF8300  }
.Ltmp1:
0x5c: {  	s21 =	sor.u32 $0x1C01, s21;
	[bflag:$0x0] =	sbarrier.arrive $0xFFFF;
	(pc) =	sbr.rel @p0 .LBB2_1-.Ltmp1, $4  }
0x5d: {  	[hbm:s15], [sflag:s21] =	dma.local [spmem:s31], $0x9C4  }
0x5e: {  	_ =	swait.ge [sflag:s18], $0x9C4  }
0x5f: {  	[sflag:s18] =	ssyncset.done $0x0  }
0x60: {  	[sflag:s18] =	ssyncadd.s32 $0xFFFFF63C  }
0x61: {  	_ =	sfence.sel $0x180000  }
0x62: {  	[bflag:$0x0] =	sbarrier.arrive $0xFFFF  }
0x63: {  	p0 =	sne.s32 s1, $0x0;
	_ =	strace $0x9000004A  }
0x64: {  	s0 =	sadd.s32 @!p0 $0x100000, s0;
	[bflag:$0x2] =	sbarrier.arrive $0xFFFF  }
0x65: {  	[sflag:s0] =	ssyncadd.tile.s32 @!p0 $0x1;
	_ =	shalt  }
.Lfunc_end2:
_tile_overlayer_lowered:
.L_overlay_start_2:
0x66: {  	(tag) =	ssettag $0x2  }
0x67: {  	s0 =	rddreg [dreg:$0x0];
	s2 =	stileid.u32  }
0x68: {  	s1 =	rddreg [dreg:$0x1];
	p0 =	sne.s32 s2, $0x0  }
0x69: {  	s3 =	rddreg [dreg:$0x2];
	[bflag:$0x3] =	sbarrier.arrive $0xFFFF;
	s2 =	simm.s32 @!p0 $0x1C01  }
0x6a: {  	[timem:s3], [sflag:s2] =	dma.local @!p0 [hbm:s0], s1  }
0x6b: {  	s0 =	simm.s32 @!p0 $0x1  }
0x6c: {  	_ =	swait.ge @!p0 [sflag:s0], s1  }
0x6d: {  	s1 =	ssub.s32 @!p0 $0x0, s1;
	[sflag:s0] =	ssyncset.done @!p0 $0x0  }
0x6e: {  	[sflag:s0] =	ssyncadd.s32 @!p0 s1  }
0x6f: {  	[bflag:$0x3] =	sbarrier.arrive $0xFFFF  }
0x70: {  	_ =	shalt  }

// kernel: kernel.7.cloned.1.call-start
scs
__scs_entry_jumppad:
0x0: {  	(pc) =	sbr.rel $0x88, $3  }
0x1: {  	(tag) =	ssettag $0x0;
	lr =	simm.s32 $0x1  }
0x2: {  	[smem:$0x3F9C] =	sst lr;
	_ =	strace $0xD0000000  }
0x3: {  	_ = 	snop  }
0x4: {  	_ = 	snop  }
0x5: {  	_ = 	snop  }
0x6: {  	_ = 	snop  }
0x7: {  	_ = 	snop  }
__scs_overlays_trampoline_lowered:
0x8: {  	[smem:$0x3FAB] =	sst s0  }
0x9: {  	[smem:$0x3FAC] =	sst s1  }
0xa: {  	[smem:$0x3FAD] =	sst s2  }
0xb: {  	[smem:$0x3FAE] =	sst s3  }
0xc: {  	[smem:$0x3FAF] =	sst s4  }
0xd: {  	[smem:$0x3FB0] =	sst s5  }
0xe: {  	[smem:$0x3FB1] =	sst s6  }
0xf: {  	[smem:$0x3FB2] =	sst s7  }
0x10: {  	[smem:$0x3FB3] =	sst s8  }
0x11: {  	[smem:$0x3FB4] =	sst s9;
	s0 =	simm.s32 @!p0 $0x0  }
0x12: {  	s1 =	sld [smem:$0x3F9A];
	s0 =	simm.s32 @p0 $0x1  }
0x13: {  	[smem:$0x3FB5] =	sst s0;
	s0 =	simm.s32 @!p1 $0x0  }
0x14: {  	s2 =	sld [smem:$0x3F99];
	s0 =	simm.s32 @p1 $0x1  }
0x15: {  	[smem:$0x3FB6] =	sst s0;
	s0 =	simm.s32 @!p2 $0x0  }
0x16: {  	s3 =	sld [smem:$0x3FDB];
	s0 =	simm.s32 @p2 $0x1  }
0x17: {  	s4 =	simm.s32 $0x1BF5;
	[smem:$0x3FB8] =	sst s0  }
0x18: {  	s0 =	sld [smem:$0x3F9B];
	_ =	swait.ge [sflag:s4], $0x0  }
0x19: {  	s7 =	sld [smem:$0x3F9C]  }
0x1a: {  	s8 =	sadd.s32 $0xFFFFE003, lr  }
0x1b: {  	s9 =	sadd.s32 $0xFFFFFEF7, lr;
	s5 =	simm.s32 $0xFFFFFFFF;
	p2 =	slt.u32 s8, $0xFFFFF086  }
0x1c: {  	p1 =	slt.u32 s9, $0xF7A;
	s5 =	simm.s32 @!p2 $0x0  }
0x1d: {  	s5 =	simm.s32 @p1 $0x1;
	p0 =	seq.s32 s7, s2  }
0x1e: {  	s7 =	smul.u32 @!p0 $0xF7A, s2;
	p2 =	seq.s32 @!p0 s5, $0x0  }
0x1f: {  	s9 =	smul.u32 $0xF7A, s1;
	s8 =	simm.s32 @!p0 $0x1BF5;
	p2 =	por !p2, p0  }
0x20: {  	[sflag:s8] =	ssyncset.s32 @!p0 $0xFFFFF086;
	s6 =	sadd.s32 @!p0 s3, s7;
	s7 =	simm.s32 @!p0 $0x108  }
0x21: {  	s3 =	sadd.s32 s3, s9;
	s6 =	sadd.s32 @!p0 $0x88, s6;
	s7 =	simm.s32 @p2 $0x1082  }
0x22: {  	[simem:s7], [sflag:s8] =	dma.local @!p0 [hbm:s6], $0xF7A  }
0x23: {  	s9 =	sor.u32 $0xD0000000, s2;
	s6 =	simm.s32 $0x108;
	_ =	swait.ge @!p0 [sflag:s8], $0x0  }
0x24: {  	s3 =	sadd.s32 $0x88, s3;
	s6 =	simm.s32 @!p1 $0x1082;
	[sflag:s4] =	ssyncset.s32 $0xFFFFF086  }
0x25: {  	[simem:s6], [sflag:s4] =	dma.local [hbm:s3], $0xF7A  }
0x26: {  	[smem:$0x3F9C] =	sst s1;
	(tag) =	ssettag s2;
	_ =	strace s9  }
0x27: {  	s1 =	sld [smem:$0x3FAC]  }
0x28: {  	s2 =	sld [smem:$0x3FAD]  }
0x29: {  	s4 =	sld [smem:$0x3FAF]  }
0x2a: {  	p0 =	seq.s32 s5, $0x0;
	s5 =	sld [smem:$0x3FB0]  }
0x2b: {  	s6 =	sld [smem:$0x3FB1]  }
0x2c: {  	s7 =	sld [smem:$0x3FB2]  }
0x2d: {  	s3 =	simm.s32 $0x108;
	s8 =	sld [smem:$0x3FB3]  }
0x2e: {  	s3 =	simm.s32 @!p0 $0x1082;
	s9 =	sld [smem:$0x3FB4]  }
0x2f: {  	lr =	sadd.s32 s0, s3;
	s0 =	sld [smem:$0x3FAB]  }
0x30: {  	s3 =	sld [smem:$0x3FAE]  }
0x31: {  	[smem:$0x3FB7] =	sst s10  }
0x32: {  	s10 =	sld [smem:$0x3FB5];
	_ =	sdelay $0x3  }
0x33: {  	p0 =	seq.s32 s10, $0x1;
	s10 =	sld [smem:$0x3FB7];
	_ =	sdelay $0x3  }
0x34: {  	[smem:$0x3FB7] =	sst s10  }
0x35: {  	s10 =	sld [smem:$0x3FB6];
	_ =	sdelay $0x3  }
0x36: {  	p1 =	seq.s32 s10, $0x1;
	s10 =	sld [smem:$0x3FB7];
	_ =	sdelay $0x3  }
0x37: {  	[smem:$0x3FB7] =	sst s10  }
0x38: {  	s10 =	sld [smem:$0x3FB8]  }
0x39: {  	_ = 	snop;
	(pc) =	sbr.ind lr, $3  }
0x3a: {  	_ = 	snop  }
0x3b: {  	_ = 	snop  }
0x3c: {  	p2 =	seq.s32 s10, $0x1;
	s10 =	sld [smem:$0x3FB7]  }
0x3d: {  	_ =	shalt  }
0x3e: {  	_ =	shalt  }
0x3f: {  	_ =	shalt  }
0x40: {  	_ =	shalt  }
0x41: {  	_ =	shalt  }
0x42: {  	_ =	shalt  }
0x43: {  	_ =	shalt  }
0x44: {  	_ =	shalt  }
0x45: {  	_ =	shalt  }
0x46: {  	_ =	shalt  }
0x47: {  	_ =	shalt  }
0x48: {  	_ =	shalt  }
0x49: {  	_ =	shalt  }
0x4a: {  	_ =	shalt  }
0x4b: {  	_ =	shalt  }
0x4c: {  	_ =	shalt  }
0x4d: {  	_ =	shalt  }
0x4e: {  	_ =	shalt  }
0x4f: {  	_ =	shalt  }
0x50: {  	_ =	shalt  }
0x51: {  	_ =	shalt  }
0x52: {  	_ =	shalt  }
0x53: {  	_ =	shalt  }
0x54: {  	_ =	shalt  }
0x55: {  	_ =	shalt  }
0x56: {  	_ =	shalt  }
0x57: {  	_ =	shalt  }
0x58: {  	_ =	shalt  }
0x59: {  	_ =	shalt  }
0x5a: {  	_ =	shalt  }
0x5b: {  	_ =	shalt  }
0x5c: {  	_ =	shalt  }
0x5d: {  	_ =	shalt  }
0x5e: {  	_ =	shalt  }
0x5f: {  	_ =	shalt  }
0x60: {  	_ =	shalt  }
0x61: {  	_ =	shalt  }
0x62: {  	_ =	shalt  }
0x63: {  	_ =	shalt  }
0x64: {  	_ =	shalt  }
0x65: {  	_ =	shalt  }
0x66: {  	_ =	shalt  }
0x67: {  	_ =	shalt  }
0x68: {  	_ =	shalt  }
0x69: {  	_ =	shalt  }
0x6a: {  	_ =	shalt  }
0x6b: {  	_ =	shalt  }
0x6c: {  	_ =	shalt  }
0x6d: {  	_ =	shalt  }
0x6e: {  	_ =	shalt  }
0x6f: {  	_ =	shalt  }
0x70: {  	_ =	shalt  }
0x71: {  	_ =	shalt  }
0x72: {  	_ =	shalt  }
0x73: {  	_ =	shalt  }
0x74: {  	_ =	shalt  }
0x75: {  	_ =	shalt  }
0x76: {  	_ =	shalt  }
0x77: {  	_ =	shalt  }
0x78: {  	_ =	shalt  }
0x79: {  	_ =	shalt  }
0x7a: {  	_ =	shalt  }
0x7b: {  	_ =	shalt  }
0x7c: {  	_ =	shalt  }
0x7d: {  	_ =	shalt  }
0x7e: {  	_ =	shalt  }
0x7f: {  	_ =	shalt  }
0x80: {  	_ =	shalt  }
0x81: {  	_ =	shalt  }
0x82: {  	_ =	shalt  }
0x83: {  	_ =	shalt  }
0x84: {  	_ =	shalt  }
0x85: {  	_ =	shalt  }
0x86: {  	_ =	shalt  }
0x87: {  	_ =	shalt  }
.Lfunc_end0:
.L_simem_size_0:
called_computation_lowered:
.L_overlay_start_0:
0x88: {  	s2 =	sld [smem:$0x3FD9]  }
0x89: {  	s3 =	sld [smem:$0x3FFE];
	_ =	sdelay $0x1  }
0x8a: {  	s1 =	srdreg.scid  }
0x8b: {  	s0 =	sand.u32 $0x1, s1  }
0x8c: {  	s17 =	sshll.u32 s0, $0xA;
	s2 =	sadd.s32 s3, s2  }
0x8d: {  	s2 =	sadd.s32 s2, s17  }
0x8e: {  	[smem:$0x3FC3] =	sst s2  }
0x8f: {  	_ = 	snop  }
0x90: {  	s2 =	sld [smem:$0x3FD0];
	(tm) =	ssettm $0x1  }
0x91: {  	s18 =	sld [smem:$0x3FFB];
	_ =	sdelay $0x3  }
0x92: {  	_ =	strace s18  }
0x93: {  	s3 =	sld [smem:$0x3FFC];
	_ =	sdelay $0x3  }
0x94: {  	_ =	strace s3  }
0x95: {  	s3 =	sld [smem:$0x3FFD];
	_ =	sdelay $0x3  }
0x96: {  	_ =	strace s3  }
0x97: {  	_ =	strace $0x8FFFFFFF  }
0x98: {  	s19 =	sld [smem:$0x3FDB];
	_ =	sdelay $0x1  }
0x99: {  	s4 =	simm.s32 $_scs_section_size  }
0x9a: {  	s5 =	simm.s32 $_size__tile_overlayer_lowered;
	s6 =	simm.s32 $_tile_overlayer_lowered  }
0x9b: {  	s22 =	simm.s32 $0x1BFF;
	s21 =	sshll.u32 s6, $0x1;
	s3 =	sadd.s32 s4, s19  }
0x9c: {  	s7 =	simm.s32 $0x0;
	s20 =	sshll.u32 s5, $0x1;
	s5 =	sadd.s32 s21, s3  }
0x9d: {  	[timem:s7], [sflag:s22] =	dma.local [hbm:s5], s20  }
0x9e: {  	_ =	swait.ge [sflag:s22], s20  }
0x9f: {  	s4 =	ssub.s32 $0x0, s20;
	[sflag:s22] =	ssyncset.done $0x0  }
0xa0: {  	[sflag:s22] =	ssyncadd.s32 s4;
	_ =	sdelay $0x1  }
0xa1: {  	s23 =	simm.s32 $0x1B8B  }
0xa2: {  	_ =	swait.ge [sflag:s23], $0x1  }
0xa3: {  	[sflag:s23] =	ssyncset.done $0x0  }
0xa4: {  	s25 =	simm.s32 $0x1B8E;
	s24 =	sld [smem:$0x3FFE];
	[sflag:s23] =	ssyncadd.s32 $0xFFFFFFFF  }
0xa5: {  	s26 =	simm.s32 $execute0_lowered;
	[smem:$0x3FD2] =	sst s25  }
0xa6: {  	s5 =	sshll.u32 s26, $0x1;
	_ =	strace $0x80000046;
	[dreg:$0x1] =	wrdreg $0xFFFFFFFF  }
0xa7: {  	s28 =	simm.s32 $_size_execute0_lowered;
	s3 =	sadd.s32 s3, s5;
	[dreg:$0x0] =	wrdreg $0x0  }
0xa8: {  	s5 =	sshll.u32 s28, $0x1;
	[dreg:$0x2] =	wrdreg s3  }
0xa9: {  	[dreg:$0x3] =	wrdreg s5  }
0xaa: {  	[dreg:$0x4] =	wrdreg $0xC0  }
0xab: {  	_ =	task [dreg:s7], $0x5FFFF  }
0xac: {  	[dreg:$0x1] =	wrdreg $0xFFFFFFFF  }
0xad: {  	[dreg:$0x0] =	wrdreg $0x60  }
0xae: {  	[dreg:$0x2] =	wrdreg s2  }
0xaf: {  	[dreg:$0x3] =	wrdreg s24  }
0xb0: {  	[dreg:$0x4] =	wrdreg $0x9  }
0xb1: {  	_ =	task.clear_ibuf [dreg:s7], $0x5FFFF;
	_ =	strace $0x90000046  }
0xb2: {  	s29 =	simm.s32 $0x9;
	_ =	strace $0x80000048  }
0xb3: {  	_ =	swait.ge [sflag:s29], $0x1  }
0xb4: {  	[sflag:s29] =	ssyncadd.s32 $0xFFFFFFFF  }
0xb5: {  	_ =	strace $0x90000048  }
0xb6: {  	_ =	sfence  }
0xb7: {  	s30 =	sld [smem:$0x0];
	_ =	sdelay $0x2  }
0xb8: {  	s31 =	sshll.u32 s1, $0xD;
	s1 =	sshrl.u32 s1, $0x2  }
0xb9: {  	s3 =	sand.u32 $0x4000, s31;
	s1 =	sadd.s32 s1, s30  }
0xba: {  	s0 =	sor.u32 s3, s0;
	s1 =	sshll.u32 s1, $0x11  }
0xbb: {  	s0 =	sor.u32 s1, s0  }
0xbc: {  	s0 =	sadd.s32 $0x8F2B, s0  }
0xbd: {  	[sflag:s0] =	ssyncadd.remote.s32 $0x1  }
0xbe: {  	_ =	sfence.sel $0xFFFF  }
0xbf: {  	[dreg:$0x0] =	wrdreg $0xFFFFFFFF;
	(pc) =	sbr.abs _section_cstart, $3  }
0xc0: {  	[dreg:$0x1] =	wrdreg $0xFFFFFFFF  }
0xc1: {  	_ =	task.clear_ibuf [dreg:s7], $0x2FFFF;
	_ =	strace $0x9FFFFFFF  }
0xc2: {  	(tm) =	ssettm $0x7FFFFFFF  }
0xc3: {  	_ =	shalt  }
tec
execute0_lowered:
.L_overlay_start_1:
0x0: {  	(tag) =	ssettag $0x1  }
0x1: {  	s1 =	rddreg [dreg:$0x0]  }
0x2: {  	s0 =	rddreg [dreg:$0x1];
	s2 =	simm.s32 $0x0;
	s25 =	srdreg.scid  }
0x3: {  	s3 =	stileid.u32;
	s28 =	simm.s32 $0x27100;
	s29 =	simm.s32 $0x80E8  }
0x4: {  	s30 =	simm.s32 $0xBF68;
	s31 =	simm.s32 $0x1;
	[smem:$0x7FF] =	sst s2  }
0x5: {  	s2 =	sand.u32 $0x1, s25;
	s3 =	sshll.u32 s3, $0x1;
	s4 =	sadd.s32 $0x1200, s0  }
0x6: {  	s26 =	sadd.s32 $0xB200, s0;
	s5 =	ssub.s32 $0x2, s2;
	s2 =	sor.u32 s2, s3  }
0x7: {  	s23 =	sadd.s32 $0x59400, s0;
	s0 =	sadd.s32 $0xF5800, s0;
	s17 =	smul.u32 $0x1388, s2  }
0x8: {  	_ =	strace $0x80000047;
	s6 =	sshrl.u32 s5, $0x1;
	s2 =	smul.u32 $0x4E20, s2  }
0x9: {  	s24 =	ssub.s32 s5, s6;
	s18 =	sshrl.u32 s17, $0x3;
	s10 =	sadd.s32 $0x3E8, s17  }
0xa: {  	s6 =	sadd.s32 s0, s2;
	s7 =	sadd.s32 s23, s2;
	s13 =	sadd.s32 $0x7D0, s17  }
0xb: {  	s24 =	smax.u32 s24, $0x1;
	s19 =	sadd.s32 s4, s18;
	s5 =	sadd.s32 s26, s18  }
0xc: {  	s9 =	sshrl.u32 s10, $0x3;
	s20 =	sshll.u32 s10, $0x2;
	s21 =	sshrl.u32 s13, $0x3  }
0xd: {  	s15 =	sshll.u32 s13, $0x2;
	s18 =	sadd.s32 $0xBB8, s17;
	[dreg:$0x3] =	wrdreg s19  }
0xe: {  	v1 =	vlaneseq.u32;
	s8 =	sadd.s32 s4, s9;
	s9 =	sadd.s32 s26, s9;
	s10 =	sadd.s32 s0, s20  }
0xf: {  	v0 =	vimm.f32 $0.0e+00;
	vm0 =	vcmask $0x300;
	v1 =	vmul.u32 $0x3E8, v1;
	s11 =	sadd.s32 s23, s20;
	s12 =	sadd.s32 s4, s21;
	s13 =	sadd.s32 s26, s21  }
0x10: {  	v2 =	vsel vm0, $0x3F800000, v0;
	s14 =	sadd.s32 s0, s15;
	s22 =	sshrl.u32 s18, $0x3;
	s15 =	sadd.s32 s23, s15  }
0x11: {  	v3 =	vor.u32 $0x1, v1;
	v4 =	vor.u32 $0x2, v1;
	v5 =	vor.u32 $0x3, v1;
	s20 =	sadd.s32 $0xFA0, s17;
	s25 =	sshll.u32 s18, $0x2;
	s16 =	sadd.s32 s4, s22  }
0x12: {  	v6 =	vor.u32 $0x4, v1;
	v7 =	vor.u32 $0x5, v1;
	v8 =	vor.u32 $0x6, v1;
	s17 =	sadd.s32 s26, s22;
	s19 =	sshrl.u32 s20, $0x3;
	s21 =	sadd.s32 s23, s25  }
0x13: {  	v9 =	vor.u32 $0x7, v1;
	v10 =	vadd.s32 $0x8, v1;
	v11 =	vadd.s32 $0x9, v1;
	s18 =	sadd.s32 s4, s19;
	s19 =	sadd.s32 s26, s19;
	s26 =	sshll.u32 s20, $0x2  }
0x14: {  	v12 =	vadd.s32 $0xA, v1;
	v13 =	vadd.s32 $0xB, v1;
	v14 =	vadd.s32 $0xC, v1;
	s20 =	sadd.s32 s0, s25;
	s25 =	simm.s32 $0x2;
	s22 =	sadd.s32 s0, s26  }
0x15: {  	v15 =	vadd.s32 $0xD, v1;
	v16 =	vadd.s32 $0xE, v1;
	v17 =	vadd.s32 $0xF, v1;
	s23 =	sadd.s32 s23, s26;
	s26 =	simm.s32 $0x3E8;
	s0 =	simm.s32 $0x0  }
.LBB2_1:
0x16: {  	s2 =	simm.s32 $0x80;
	s3 =	simm.s32 $0x0  }
.LBB2_2:
0x17: {  	p0 =	sne.s32 s2, $0x1F380;
	[tilespmem:s3+$0xBF68] =	vst v0;
	s4 =	smov.u32 s2;
	s2 =	sadd.s32 $0x80, s2  }
.Ltmp0:
0x18: {  	[tilespmem:s3+$0xBF78] =	vst v2;
	(pc) =	sbr.rel @p0 .LBB2_2-.Ltmp0, $2  }
0x19: {  	_ =	sdelay $0x2  }
0x1a: {  	s3 =	sshra.s32 s4, $0x2  }
0x1b: {  	[tilespmem:s3+$0xBF68] =	vst v0  }
0x1c: {  	[tilespmem:s3+$0xBF78] =	vst v2;
	s2 =	simm.s32 $0x0;
	s4 =	rddreg [dreg:$0x3]  }
0x1d: {  	[tilespmem:s2], [sflag:$0x2] =	stream.linear.gather [hbm4b:s4+s2], $0x3E8, $0x38;
	[tilespmem:$0x13C68] =	vst v63  }
0x1e: {  	_ =	swait.ge [sflag:s25], $0x3E8  }
0x1f: {  	[sflag:s25] =	ssyncset.done $0x0  }
0x20: {  	[sflag:s25] =	ssyncadd.s32 $0xFFFFFC18  }
0x21: {  	v18 =	vimm.s32 $0x0;
	[tilespmem:s26], [sflag:$0x1] =	stream.indirect.gather [hbm4b:s1+s26], $0x20, s2, s26, $0xb8;
	[tilespmem:$0x13C68] =	vst v63  }
0x22: {  	v19 =	vadd.s32 v1, v18  }
0x23: {  	[tilespmem:s29], [sflag:$0x2] =	stream.strided.gather [hbm4b:s5+s26], $0x3E80, s28, s26, $0x38;
	[tilespmem:$0x13C68] =	vst v63  }
0x24: {  	_ =	swait.ge [sflag:s25], $0x3E80  }
0x25: {  	[sflag:s25] =	ssyncset.done $0x0  }
0x26: {  	[sflag:s25] =	ssyncadd.s32 $0xFFFFC180  }
0x27: {  	v19 =	vld.idx.msk [tilespmem:v19+s29+$0x0], $0xffff  }
0x28: {  	v20 =	vadd.s32 v3, v18;
	_ =	sdelay $0x2  }
0x29: {  	s2 =	simm.s32 $0x0  }
0x2a: {  	[tilespmem:s2+$0xBF68] =	vst v19  }
0x2b: {  	v19 =	vld.idx.msk [tilespmem:v20+s29+$0x0], $0xffff  }
0x2c: {  	v20 =	vadd.s32 v4, v18;
	_ =	sdelay $0x3  }
0x2d: {  	[tilespmem:s2+$0xBF88] =	vst v19  }
0x2e: {  	v19 =	vld.idx.msk [tilespmem:v20+s29+$0x0], $0xffff  }
0x2f: {  	v20 =	vadd.s32 v5, v18;
	_ =	sdelay $0x3  }
0x30: {  	[tilespmem:s2+$0xBFA8] =	vst v19  }
0x31: {  	v19 =	vld.idx.msk [tilespmem:v20+s29+$0x0], $0xffff  }
0x32: {  	v20 =	vadd.s32 v6, v18;
	_ =	sdelay $0x3  }
0x33: {  	[tilespmem:s2+$0xBFC8] =	vst v19  }
0x34: {  	v19 =	vld.idx.msk [tilespmem:v20+s29+$0x0], $0xffff  }
0x35: {  	v20 =	vadd.s32 v7, v18;
	_ =	sdelay $0x3  }
0x36: {  	[tilespmem:s2+$0xBFE8] =	vst v19  }
0x37: {  	v19 =	vld.idx.msk [tilespmem:v20+s29+$0x0], $0xffff  }
0x38: {  	v20 =	vadd.s32 v8, v18;
	_ =	sdelay $0x3  }
0x39: {  	[tilespmem:s2+$0xC008] =	vst v19  }
0x3a: {  	v19 =	vld.idx.msk [tilespmem:v20+s29+$0x0], $0xffff  }
0x3b: {  	v20 =	vadd.s32 v9, v18;
	_ =	sdelay $0x3  }
0x3c: {  	[tilespmem:s2+$0xC028] =	vst v19  }
0x3d: {  	v19 =	vld.idx.msk [tilespmem:v20+s29+$0x0], $0xffff  }
0x3e: {  	v20 =	vadd.s32 v10, v18;
	_ =	sdelay $0x3  }
0x3f: {  	[tilespmem:s2+$0xC048] =	vst v19  }
0x40: {  	v19 =	vld.idx.msk [tilespmem:v20+s29+$0x0], $0xffff  }
0x41: {  	v20 =	vadd.s32 v11, v18;
	_ =	sdelay $0x3  }
0x42: {  	[tilespmem:s2+$0xC068] =	vst v19  }
0x43: {  	v19 =	vld.idx.msk [tilespmem:v20+s29+$0x0], $0xffff  }
0x44: {  	v20 =	vadd.s32 v12, v18;
	_ =	sdelay $0x3  }
0x45: {  	[tilespmem:s2+$0xC088] =	vst v19  }
0x46: {  	v19 =	vld.idx.msk [tilespmem:v20+s29+$0x0], $0xffff  }
0x47: {  	v20 =	vadd.s32 v13, v18;
	_ =	sdelay $0x3  }
0x48: {  	[tilespmem:s2+$0xC0A8] =	vst v19  }
0x49: {  	v19 =	vld.idx.msk [tilespmem:v20+s29+$0x0], $0xffff  }
0x4a: {  	v20 =	vadd.s32 v14, v18;
	_ =	sdelay $0x3  }
0x4b: {  	[tilespmem:s2+$0xC0C8] =	vst v19  }
0x4c: {  	v19 =	vld.idx.msk [tilespmem:v20+s29+$0x0], $0xffff  }
0x4d: {  	v20 =	vadd.s32 v15, v18;
	_ =	sdelay $0x3  }
0x4e: {  	[tilespmem:s2+$0xC0E8] =	vst v19  }
0x4f: {  	v19 =	vld.idx.msk [tilespmem:v20+s29+$0x0], $0xffff  }
0x50: {  	v20 =	vadd.s32 v16, v18;
	_ =	sdelay $0x3  }
0x51: {  	[tilespmem:s2+$0xC108] =	vst v19  }
0x52: {  	v19 =	vld.idx.msk [tilespmem:v20+s29+$0x0], $0xffff  }
0x53: {  	v20 =	vadd.s32 v17, v18;
	_ =	sdelay $0x3  }
0x54: {  	[tilespmem:s2+$0xC128] =	vst v19  }
0x55: {  	v18 =	vadd.s32 $0x10, v18;
	v19 =	vld.idx.msk [tilespmem:v20+s29+$0x0], $0xffff  }
0x56: {  	s3 =	simm.s32 $0x800;
	s4 =	simm.s32 $0x1000;
	v20 =	vadd.s32 v1, v18  }
.LBB2_4:
0x57: {  	p0 =	sne.s32 s4, $0x1E800;
	_ =	sdelay $0x2  }
0x58: {  	[tilespmem:s2+$0xC148] =	vst v19  }
0x59: {  	v19 =	vld.idx.msk [tilespmem:v20+s29+$0x0], $0xffff;
	_ =	sdelay $0x1  }
0x5a: {  	v20 =	vadd.s32 v3, v18;
	_ =	sdelay $0x2  }
0x5b: {  	s2 =	sshra.s32 s3, $0x2;
	s3 =	smov.u32 s4  }
0x5c: {  	[tilespmem:s2+$0xBF68] =	vst v19  }
0x5d: {  	v19 =	vld.idx.msk [tilespmem:v20+s29+$0x0], $0xffff;
	_ =	sdelay $0x1  }
0x5e: {  	v20 =	vadd.s32 v4, v18;
	_ =	sdelay $0x3  }
0x5f: {  	[tilespmem:s2+$0xBF88] =	vst v19  }
0x60: {  	v19 =	vld.idx.msk [tilespmem:v20+s29+$0x0], $0xffff;
	_ =	sdelay $0x1  }
0x61: {  	v20 =	vadd.s32 v5, v18;
	_ =	sdelay $0x3  }
0x62: {  	[tilespmem:s2+$0xBFA8] =	vst v19  }
0x63: {  	v19 =	vld.idx.msk [tilespmem:v20+s29+$0x0], $0xffff;
	_ =	sdelay $0x1  }
0x64: {  	v20 =	vadd.s32 v6, v18;
	_ =	sdelay $0x3  }
0x65: {  	[tilespmem:s2+$0xBFC8] =	vst v19  }
0x66: {  	v19 =	vld.idx.msk [tilespmem:v20+s29+$0x0], $0xffff;
	_ =	sdelay $0x1  }
0x67: {  	v20 =	vadd.s32 v7, v18;
	_ =	sdelay $0x3  }
0x68: {  	[tilespmem:s2+$0xBFE8] =	vst v19  }
0x69: {  	v19 =	vld.idx.msk [tilespmem:v20+s29+$0x0], $0xffff;
	_ =	sdelay $0x1  }
0x6a: {  	v20 =	vadd.s32 v8, v18;
	_ =	sdelay $0x3  }
0x6b: {  	[tilespmem:s2+$0xC008] =	vst v19  }
0x6c: {  	v19 =	vld.idx.msk [tilespmem:v20+s29+$0x0], $0xffff;
	_ =	sdelay $0x1  }
0x6d: {  	v20 =	vadd.s32 v9, v18;
	_ =	sdelay $0x3  }
0x6e: {  	[tilespmem:s2+$0xC028] =	vst v19  }
0x6f: {  	v19 =	vld.idx.msk [tilespmem:v20+s29+$0x0], $0xffff;
	_ =	sdelay $0x1  }
0x70: {  	v20 =	vadd.s32 v10, v18;
	_ =	sdelay $0x3  }
0x71: {  	[tilespmem:s2+$0xC048] =	vst v19  }
0x72: {  	v19 =	vld.idx.msk [tilespmem:v20+s29+$0x0], $0xffff;
	_ =	sdelay $0x1  }
0x73: {  	v20 =	vadd.s32 v11, v18;
	_ =	sdelay $0x3  }
0x74: {  	[tilespmem:s2+$0xC068] =	vst v19  }
0x75: {  	v19 =	vld.idx.msk [tilespmem:v20+s29+$0x0], $0xffff;
	_ =	sdelay $0x1  }
0x76: {  	v20 =	vadd.s32 v12, v18;
	_ =	sdelay $0x3  }
0x77: {  	[tilespmem:s2+$0xC088] =	vst v19  }
0x78: {  	v19 =	vld.idx.msk [tilespmem:v20+s29+$0x0], $0xffff;
	_ =	sdelay $0x1  }
0x79: {  	v20 =	vadd.s32 v13, v18;
	_ =	sdelay $0x3  }
0x7a: {  	[tilespmem:s2+$0xC0A8] =	vst v19  }
0x7b: {  	v19 =	vld.idx.msk [tilespmem:v20+s29+$0x0], $0xffff;
	_ =	sdelay $0x1  }
0x7c: {  	v20 =	vadd.s32 v14, v18;
	_ =	sdelay $0x3  }
0x7d: {  	[tilespmem:s2+$0xC0C8] =	vst v19  }
0x7e: {  	v19 =	vld.idx.msk [tilespmem:v20+s29+$0x0], $0xffff;
	_ =	sdelay $0x1  }
0x7f: {  	v20 =	vadd.s32 v15, v18;
	_ =	sdelay $0x3  }
0x80: {  	[tilespmem:s2+$0xC0E8] =	vst v19  }
0x81: {  	v19 =	vld.idx.msk [tilespmem:v20+s29+$0x0], $0xffff;
	_ =	sdelay $0x1  }
0x82: {  	v20 =	vadd.s32 v16, v18;
	_ =	sdelay $0x3  }
0x83: {  	[tilespmem:s2+$0xC108] =	vst v19  }
0x84: {  	v19 =	vld.idx.msk [tilespmem:v20+s29+$0x0], $0xffff;
	_ =	sdelay $0x1  }
0x85: {  	v20 =	vadd.s32 v17, v18;
	_ =	sdelay $0x2  }
.Ltmp1:
0x86: {  	(pc) =	sbr.rel @p0 .LBB2_4-.Ltmp1, $4  }
0x87: {  	[tilespmem:s2+$0xC128] =	vst v19  }
0x88: {  	v19 =	vld.idx.msk [tilespmem:v20+s29+$0x0], $0xffff  }
0x89: {  	v18 =	vadd.s32 $0x10, v18  }
0x8a: {  	s4 =	sadd.s32 $0x800, s4;
	v20 =	vadd.s32 v1, v18  }
0x8b: {  	_ =	sdelay $0x2  }
0x8c: {  	[tilespmem:s2+$0xC148] =	vst v19  }
0x8d: {  	v19 =	vld.idx.msk [tilespmem:v20+s29+$0x0], $0xffff  }
0x8e: {  	v20 =	vadd.s32 v3, v18;
	_ =	sdelay $0x2  }
0x8f: {  	s3 =	sshra.s32 s3, $0x2  }
0x90: {  	[tilespmem:s3+$0xBF68] =	vst v19  }
0x91: {  	v19 =	vld.idx.msk [tilespmem:v20+s29+$0x0], $0xffff  }
0x92: {  	v20 =	vadd.s32 v4, v18;
	_ =	sdelay $0x3  }
0x93: {  	[tilespmem:s3+$0xBF88] =	vst v19  }
0x94: {  	v19 =	vld.idx.msk [tilespmem:v20+s29+$0x0], $0xffff  }
0x95: {  	v20 =	vadd.s32 v5, v18;
	_ =	sdelay $0x3  }
0x96: {  	[tilespmem:s3+$0xBFA8] =	vst v19  }
0x97: {  	v19 =	vld.idx.msk [tilespmem:v20+s29+$0x0], $0xffff  }
0x98: {  	v20 =	vadd.s32 v6, v18;
	_ =	sdelay $0x3  }
0x99: {  	[tilespmem:s3+$0xBFC8] =	vst v19  }
0x9a: {  	v19 =	vld.idx.msk [tilespmem:v20+s29+$0x0], $0xffff  }
0x9b: {  	v20 =	vadd.s32 v7, v18;
	_ =	sdelay $0x3  }
0x9c: {  	[tilespmem:s3+$0xBFE8] =	vst v19  }
0x9d: {  	v19 =	vld.idx.msk [tilespmem:v20+s29+$0x0], $0xffff  }
0x9e: {  	v20 =	vadd.s32 v8, v18;
	_ =	sdelay $0x3  }
0x9f: {  	[tilespmem:s3+$0xC008] =	vst v19  }
0xa0: {  	v19 =	vld.idx.msk [tilespmem:v20+s29+$0x0], $0xffff  }
0xa1: {  	v20 =	vadd.s32 v9, v18;
	_ =	sdelay $0x3  }
0xa2: {  	[tilespmem:s3+$0xC028] =	vst v19  }
0xa3: {  	v19 =	vld.idx.msk [tilespmem:v20+s29+$0x0], $0xffff  }
0xa4: {  	v20 =	vadd.s32 v10, v18;
	_ =	sdelay $0x3  }
0xa5: {  	[tilespmem:s3+$0xC048] =	vst v19  }
0xa6: {  	v19 =	vld.idx.msk [tilespmem:v20+s29+$0x0], $0xffff  }
0xa7: {  	v20 =	vadd.s32 v11, v18;
	_ =	sdelay $0x3  }
0xa8: {  	[tilespmem:s3+$0xC068] =	vst v19  }
0xa9: {  	v19 =	vld.idx.msk [tilespmem:v20+s29+$0x0], $0xffff  }
0xaa: {  	v20 =	vadd.s32 v12, v18;
	_ =	sdelay $0x3  }
0xab: {  	[tilespmem:s3+$0xC088] =	vst v19  }
0xac: {  	v19 =	vld.idx.msk [tilespmem:v20+s29+$0x0], $0xffff  }
0xad: {  	v20 =	vadd.s32 v13, v18;
	_ =	sdelay $0x3  }
0xae: {  	[tilespmem:s3+$0xC0A8] =	vst v19  }
0xaf: {  	v19 =	vld.idx.msk [tilespmem:v20+s29+$0x0], $0xffff  }
0xb0: {  	v20 =	vadd.s32 v14, v18;
	_ =	sdelay $0x3  }
0xb1: {  	[tilespmem:s3+$0xC0C8] =	vst v19  }
0xb2: {  	v19 =	vld.idx.msk [tilespmem:v20+s29+$0x0], $0xffff  }
0xb3: {  	v20 =	vadd.s32 v15, v18;
	_ =	sdelay $0x3  }
0xb4: {  	[tilespmem:s3+$0xC0E8] =	vst v19  }
0xb5: {  	v19 =	vld.idx.msk [tilespmem:v20+s29+$0x0], $0xffff  }
0xb6: {  	v20 =	vadd.s32 v16, v18;
	_ =	sdelay $0x3  }
0xb7: {  	[tilespmem:s3+$0xC108] =	vst v19  }
0xb8: {  	v19 =	vld.idx.msk [tilespmem:v20+s29+$0x0], $0xffff  }
0xb9: {  	v18 =	vadd.s32 v17, v18;
	_ =	sdelay $0x3  }
0xba: {  	[tilespmem:s3+$0xC128] =	vst v19  }
0xbb: {  	v18 =	vld.idx.msk [tilespmem:v18+s29+$0x0], $0xffff;
	_ =	sdelay $0x4  }
0xbc: {  	s4 =	simm.s32 $0x0;
	[tilespmem:s3+$0xC148] =	vst v18  }
0xbd: {  	[hbm4b:s6+s4] =	stream.linear.scatter [tilespmem:s30], [sflag:$0x2], $0x7D00, $0x38;
	[tilespmem:$0x13C68] =	vst v63  }
0xbe: {  	_ =	swait.ge [sflag:s25], $0x7D00  }
0xbf: {  	[sflag:s25] =	ssyncset.done $0x0  }
0xc0: {  	[sflag:s25] =	ssyncadd.s32 $0xFFFF8300  }
0xc1: {  	_ =	swait.ge [sflag:s31], $0x7D00  }
0xc2: {  	[sflag:s31] =	ssyncset.done $0x0  }
0xc3: {  	[sflag:s31] =	ssyncadd.s32 $0xFFFF8300  }
0xc4: {  	[hbm4b:s7+s4] =	stream.linear.scatter [tilespmem:s26], [sflag:$0x2], $0x7D00, $0x38;
	[tilespmem:$0x13C68] =	vst v63  }
0xc5: {  	_ =	swait.ge [sflag:s25], $0x7D00  }
0xc6: {  	[sflag:s25] =	ssyncset.done $0x0  }
0xc7: {  	[sflag:s25] =	ssyncadd.s32 $0xFFFF8300  }
0xc8: {  	[tilespmem:s4], [sflag:$0x2] =	stream.linear.gather [hbm4b:s8+s4], $0x3E8, $0x38;
	[tilespmem:$0x13C68] =	vst v63  }
0xc9: {  	_ =	swait.ge [sflag:s25], $0x3E8  }
0xca: {  	[sflag:s25] =	ssyncset.done $0x0  }
0xcb: {  	[sflag:s25] =	ssyncadd.s32 $0xFFFFFC18  }
0xcc: {  	v18 =	vimm.s32 $0x0;
	[tilespmem:s26], [sflag:$0x1] =	stream.indirect.gather [hbm4b:s1+s26], $0x20, s4, s26, $0xb8;
	[tilespmem:$0x13C68] =	vst v63  }
0xcd: {  	v19 =	vadd.s32 v1, v18  }
0xce: {  	[tilespmem:s29], [sflag:$0x2] =	stream.strided.gather [hbm4b:s9+s26], $0x3E80, s28, s26, $0x38;
	[tilespmem:$0x13C68] =	vst v63  }
0xcf: {  	_ =	swait.ge [sflag:s25], $0x3E80  }
0xd0: {  	[sflag:s25] =	ssyncset.done $0x0  }
0xd1: {  	[sflag:s25] =	ssyncadd.s32 $0xFFFFC180  }
0xd2: {  	v19 =	vld.idx.msk [tilespmem:v19+s29+$0x0], $0xffff  }
0xd3: {  	v20 =	vadd.s32 v3, v18;
	_ =	sdelay $0x2  }
0xd4: {  	s2 =	simm.s32 $0x0  }
0xd5: {  	[tilespmem:s2+$0xBF68] =	vst v19  }
0xd6: {  	v19 =	vld.idx.msk [tilespmem:v20+s29+$0x0], $0xffff  }
0xd7: {  	v20 =	vadd.s32 v4, v18;
	_ =	sdelay $0x3  }
0xd8: {  	[tilespmem:s2+$0xBF88] =	vst v19  }
0xd9: {  	v19 =	vld.idx.msk [tilespmem:v20+s29+$0x0], $0xffff  }
0xda: {  	v20 =	vadd.s32 v5, v18;
	_ =	sdelay $0x3  }
0xdb: {  	[tilespmem:s2+$0xBFA8] =	vst v19  }
0xdc: {  	v19 =	vld.idx.msk [tilespmem:v20+s29+$0x0], $0xffff  }
0xdd: {  	v20 =	vadd.s32 v6, v18;
	_ =	sdelay $0x3  }
0xde: {  	[tilespmem:s2+$0xBFC8] =	vst v19  }
0xdf: {  	v19 =	vld.idx.msk [tilespmem:v20+s29+$0x0], $0xffff  }
0xe0: {  	v20 =	vadd.s32 v7, v18;
	_ =	sdelay $0x3  }
0xe1: {  	[tilespmem:s2+$0xBFE8] =	vst v19  }
0xe2: {  	v19 =	vld.idx.msk [tilespmem:v20+s29+$0x0], $0xffff  }
0xe3: {  	v20 =	vadd.s32 v8, v18;
	_ =	sdelay $0x3  }
0xe4: {  	[tilespmem:s2+$0xC008] =	vst v19  }
0xe5: {  	v19 =	vld.idx.msk [tilespmem:v20+s29+$0x0], $0xffff  }
0xe6: {  	v20 =	vadd.s32 v9, v18;
	_ =	sdelay $0x3  }
0xe7: {  	[tilespmem:s2+$0xC028] =	vst v19  }
0xe8: {  	v19 =	vld.idx.msk [tilespmem:v20+s29+$0x0], $0xffff  }
0xe9: {  	v20 =	vadd.s32 v10, v18;
	_ =	sdelay $0x3  }
0xea: {  	[tilespmem:s2+$0xC048] =	vst v19  }
0xeb: {  	v19 =	vld.idx.msk [tilespmem:v20+s29+$0x0], $0xffff  }
0xec: {  	v20 =	vadd.s32 v11, v18;
	_ =	sdelay $0x3  }
0xed: {  	[tilespmem:s2+$0xC068] =	vst v19  }
0xee: {  	v19 =	vld.idx.msk [tilespmem:v20+s29+$0x0], $0xffff  }
0xef: {  	v20 =	vadd.s32 v12, v18;
	_ =	sdelay $0x3  }
0xf0: {  	[tilespmem:s2+$0xC088] =	vst v19  }
0xf1: {  	v19 =	vld.idx.msk [tilespmem:v20+s29+$0x0], $0xffff  }
0xf2: {  	v20 =	vadd.s32 v13, v18;
	_ =	sdelay $0x3  }
0xf3: {  	[tilespmem:s2+$0xC0A8] =	vst v19  }
0xf4: {  	v19 =	vld.idx.msk [tilespmem:v20+s29+$0x0], $0xffff  }
0xf5: {  	v20 =	vadd.s32 v14, v18;
	_ =	sdelay $0x3  }
0xf6: {  	[tilespmem:s2+$0xC0C8] =	vst v19  }
0xf7: {  	v19 =	vld.idx.msk [tilespmem:v20+s29+$0x0], $0xffff  }
0xf8: {  	v20 =	vadd.s32 v15, v18;
	_ =	sdelay $0x3  }
0xf9: {  	[tilespmem:s2+$0xC0E8] =	vst v19  }
0xfa: {  	v19 =	vld.idx.msk [tilespmem:v20+s29+$0x0], $0xffff  }
0xfb: {  	v20 =	vadd.s32 v16, v18;
	_ =	sdelay $0x3  }
0xfc: {  	[tilespmem:s2+$0xC108] =	vst v19  }
0xfd: {  	v19 =	vld.idx.msk [tilespmem:v20+s29+$0x0], $0xffff  }
0xfe: {  	v20 =	vadd.s32 v17, v18;
	_ =	sdelay $0x3  }
0xff: {  	[tilespmem:s2+$0xC128] =	vst v19  }
0x100: {  	v18 =	vadd.s32 $0x10, v18;
	v19 =	vld.idx.msk [tilespmem:v20+s29+$0x0], $0xffff  }
0x101: {  	s3 =	simm.s32 $0x800;
	s4 =	simm.s32 $0x1000;
	v20 =	vadd.s32 v1, v18  }
.LBB2_6:
0x102: {  	p0 =	sne.s32 s4, $0x1E800;
	_ =	sdelay $0x2  }
0x103: {  	[tilespmem:s2+$0xC148] =	vst v19  }
0x104: {  	v19 =	vld.idx.msk [tilespmem:v20+s29+$0x0], $0xffff;
	_ =	sdelay $0x1  }
0x105: {  	v20 =	vadd.s32 v3, v18;
	_ =	sdelay $0x2  }
0x106: {  	s2 =	sshra.s32 s3, $0x2;
	s3 =	smov.u32 s4  }
0x107: {  	[tilespmem:s2+$0xBF68] =	vst v19  }
0x108: {  	v19 =	vld.idx.msk [tilespmem:v20+s29+$0x0], $0xffff;
	_ =	sdelay $0x1  }
0x109: {  	v20 =	vadd.s32 v4, v18;
	_ =	sdelay $0x3  }
0x10a: {  	[tilespmem:s2+$0xBF88] =	vst v19  }
0x10b: {  	v19 =	vld.idx.msk [tilespmem:v20+s29+$0x0], $0xffff;
	_ =	sdelay $0x1  }
0x10c: {  	v20 =	vadd.s32 v5, v18;
	_ =	sdelay $0x3  }
0x10d: {  	[tilespmem:s2+$0xBFA8] =	vst v19  }
0x10e: {  	v19 =	vld.idx.msk [tilespmem:v20+s29+$0x0], $0xffff;
	_ =	sdelay $0x1  }
0x10f: {  	v20 =	vadd.s32 v6, v18;
	_ =	sdelay $0x3  }
0x110: {  	[tilespmem:s2+$0xBFC8] =	vst v19  }
0x111: {  	v19 =	vld.idx.msk [tilespmem:v20+s29+$0x0], $0xffff;
	_ =	sdelay $0x1  }
0x112: {  	v20 =	vadd.s32 v7, v18;
	_ =	sdelay $0x3  }
0x113: {  	[tilespmem:s2+$0xBFE8] =	vst v19  }
0x114: {  	v19 =	vld.idx.msk [tilespmem:v20+s29+$0x0], $0xffff;
	_ =	sdelay $0x1  }
0x115: {  	v20 =	vadd.s32 v8, v18;
	_ =	sdelay $0x3  }
0x116: {  	[tilespmem:s2+$0xC008] =	vst v19  }
0x117: {  	v19 =	vld.idx.msk [tilespmem:v20+s29+$0x0], $0xffff;
	_ =	sdelay $0x1  }
0x118: {  	v20 =	vadd.s32 v9, v18;
	_ =	sdelay $0x3  }
0x119: {  	[tilespmem:s2+$0xC028] =	vst v19  }
0x11a: {  	v19 =	vld.idx.msk [tilespmem:v20+s29+$0x0], $0xffff;
	_ =	sdelay $0x1  }
0x11b: {  	v20 =	vadd.s32 v10, v18;
	_ =	sdelay $0x3  }
0x11c: {  	[tilespmem:s2+$0xC048] =	vst v19  }
0x11d: {  	v19 =	vld.idx.msk [tilespmem:v20+s29+$0x0], $0xffff;
	_ =	sdelay $0x1  }
0x11e: {  	v20 =	vadd.s32 v11, v18;
	_ =	sdelay $0x3  }
0x11f: {  	[tilespmem:s2+$0xC068] =	vst v19  }
0x120: {  	v19 =	vld.idx.msk [tilespmem:v20+s29+$0x0], $0xffff;
	_ =	sdelay $0x1  }
0x121: {  	v20 =	vadd.s32 v12, v18;
	_ =	sdelay $0x3  }
0x122: {  	[tilespmem:s2+$0xC088] =	vst v19  }
0x123: {  	v19 =	vld.idx.msk [tilespmem:v20+s29+$0x0], $0xffff;
	_ =	sdelay $0x1  }
0x124: {  	v20 =	vadd.s32 v13, v18;
	_ =	sdelay $0x3  }
0x125: {  	[tilespmem:s2+$0xC0A8] =	vst v19  }
0x126: {  	v19 =	vld.idx.msk [tilespmem:v20+s29+$0x0], $0xffff;
	_ =	sdelay $0x1  }
0x127: {  	v20 =	vadd.s32 v14, v18;
	_ =	sdelay $0x3  }
0x128: {  	[tilespmem:s2+$0xC0C8] =	vst v19  }
0x129: {  	v19 =	vld.idx.msk [tilespmem:v20+s29+$0x0], $0xffff;
	_ =	sdelay $0x1  }
0x12a: {  	v20 =	vadd.s32 v15, v18;
	_ =	sdelay $0x3  }
0x12b: {  	[tilespmem:s2+$0xC0E8] =	vst v19  }
0x12c: {  	v19 =	vld.idx.msk [tilespmem:v20+s29+$0x0], $0xffff;
	_ =	sdelay $0x1  }
0x12d: {  	v20 =	vadd.s32 v16, v18;
	_ =	sdelay $0x3  }
0x12e: {  	[tilespmem:s2+$0xC108] =	vst v19  }
0x12f: {  	v19 =	vld.idx.msk [tilespmem:v20+s29+$0x0], $0xffff;
	_ =	sdelay $0x1  }
0x130: {  	v20 =	vadd.s32 v17, v18;
	_ =	sdelay $0x2  }
.Ltmp2:
0x131: {  	(pc) =	sbr.rel @p0 .LBB2_6-.Ltmp2, $4  }
0x132: {  	[tilespmem:s2+$0xC128] =	vst v19  }
0x133: {  	v19 =	vld.idx.msk [tilespmem:v20+s29+$0x0], $0xffff  }
0x134: {  	v18 =	vadd.s32 $0x10, v18  }
0x135: {  	s4 =	sadd.s32 $0x800, s4;
	v20 =	vadd.s32 v1, v18  }
0x136: {  	_ =	sdelay $0x2  }
0x137: {  	[tilespmem:s2+$0xC148] =	vst v19  }
0x138: {  	v19 =	vld.idx.msk [tilespmem:v20+s29+$0x0], $0xffff  }
0x139: {  	v20 =	vadd.s32 v3, v18;
	_ =	sdelay $0x2  }
0x13a: {  	s3 =	sshra.s32 s3, $0x2  }
0x13b: {  	[tilespmem:s3+$0xBF68] =	vst v19  }
0x13c: {  	v19 =	vld.idx.msk [tilespmem:v20+s29+$0x0], $0xffff  }
0x13d: {  	v20 =	vadd.s32 v4, v18;
	_ =	sdelay $0x3  }
0x13e: {  	[tilespmem:s3+$0xBF88] =	vst v19  }
0x13f: {  	v19 =	vld.idx.msk [tilespmem:v20+s29+$0x0], $0xffff  }
0x140: {  	v20 =	vadd.s32 v5, v18;
	_ =	sdelay $0x3  }
0x141: {  	[tilespmem:s3+$0xBFA8] =	vst v19  }
0x142: {  	v19 =	vld.idx.msk [tilespmem:v20+s29+$0x0], $0xffff  }
0x143: {  	v20 =	vadd.s32 v6, v18;
	_ =	sdelay $0x3  }
0x144: {  	[tilespmem:s3+$0xBFC8] =	vst v19  }
0x145: {  	v19 =	vld.idx.msk [tilespmem:v20+s29+$0x0], $0xffff  }
0x146: {  	v20 =	vadd.s32 v7, v18;
	_ =	sdelay $0x3  }
0x147: {  	[tilespmem:s3+$0xBFE8] =	vst v19  }
0x148: {  	v19 =	vld.idx.msk [tilespmem:v20+s29+$0x0], $0xffff  }
0x149: {  	v20 =	vadd.s32 v8, v18;
	_ =	sdelay $0x3  }
0x14a: {  	[tilespmem:s3+$0xC008] =	vst v19  }
0x14b: {  	v19 =	vld.idx.msk [tilespmem:v20+s29+$0x0], $0xffff  }
0x14c: {  	v20 =	vadd.s32 v9, v18;
	_ =	sdelay $0x3  }
0x14d: {  	[tilespmem:s3+$0xC028] =	vst v19  }
0x14e: {  	v19 =	vld.idx.msk [tilespmem:v20+s29+$0x0], $0xffff  }
0x14f: {  	v20 =	vadd.s32 v10, v18;
	_ =	sdelay $0x3  }
0x150: {  	[tilespmem:s3+$0xC048] =	vst v19  }
0x151: {  	v19 =	vld.idx.msk [tilespmem:v20+s29+$0x0], $0xffff  }
0x152: {  	v20 =	vadd.s32 v11, v18;
	_ =	sdelay $0x3  }
0x153: {  	[tilespmem:s3+$0xC068] =	vst v19  }
0x154: {  	v19 =	vld.idx.msk [tilespmem:v20+s29+$0x0], $0xffff  }
0x155: {  	v20 =	vadd.s32 v12, v18;
	_ =	sdelay $0x3  }
0x156: {  	[tilespmem:s3+$0xC088] =	vst v19  }
0x157: {  	v19 =	vld.idx.msk [tilespmem:v20+s29+$0x0], $0xffff  }
0x158: {  	v20 =	vadd.s32 v13, v18;
	_ =	sdelay $0x3  }
0x159: {  	[tilespmem:s3+$0xC0A8] =	vst v19  }
0x15a: {  	v19 =	vld.idx.msk [tilespmem:v20+s29+$0x0], $0xffff  }
0x15b: {  	v20 =	vadd.s32 v14, v18;
	_ =	sdelay $0x3  }
0x15c: {  	[tilespmem:s3+$0xC0C8] =	vst v19  }
0x15d: {  	v19 =	vld.idx.msk [tilespmem:v20+s29+$0x0], $0xffff  }
0x15e: {  	v20 =	vadd.s32 v15, v18;
	_ =	sdelay $0x3  }
0x15f: {  	[tilespmem:s3+$0xC0E8] =	vst v19  }
0x160: {  	v19 =	vld.idx.msk [tilespmem:v20+s29+$0x0], $0xffff  }
0x161: {  	v20 =	vadd.s32 v16, v18;
	_ =	sdelay $0x3  }
0x162: {  	[tilespmem:s3+$0xC108] =	vst v19  }
0x163: {  	v19 =	vld.idx.msk [tilespmem:v20+s29+$0x0], $0xffff  }
0x164: {  	v18 =	vadd.s32 v17, v18;
	_ =	sdelay $0x3  }
0x165: {  	[tilespmem:s3+$0xC128] =	vst v19  }
0x166: {  	v18 =	vld.idx.msk [tilespmem:v18+s29+$0x0], $0xffff;
	_ =	sdelay $0x4  }
0x167: {  	s4 =	simm.s32 $0x0;
	[tilespmem:s3+$0xC148] =	vst v18  }
0x168: {  	[hbm4b:s10+s4] =	stream.linear.scatter [tilespmem:s30], [sflag:$0x2], $0x7D00, $0x38;
	[tilespmem:$0x13C68] =	vst v63  }
0x169: {  	_ =	swait.ge [sflag:s25], $0x7D00  }
0x16a: {  	[sflag:s25] =	ssyncset.done $0x0  }
0x16b: {  	[sflag:s25] =	ssyncadd.s32 $0xFFFF8300  }
0x16c: {  	_ =	swait.ge [sflag:s31], $0x7D00  }
0x16d: {  	[sflag:s31] =	ssyncset.done $0x0  }
0x16e: {  	[sflag:s31] =	ssyncadd.s32 $0xFFFF8300  }
0x16f: {  	[hbm4b:s11+s4] =	stream.linear.scatter [tilespmem:s26], [sflag:$0x2], $0x7D00, $0x38;
	[tilespmem:$0x13C68] =	vst v63  }
0x170: {  	_ =	swait.ge [sflag:s25], $0x7D00  }
0x171: {  	[sflag:s25] =	ssyncset.done $0x0  }
0x172: {  	[sflag:s25] =	ssyncadd.s32 $0xFFFF8300  }
0x173: {  	[tilespmem:s4], [sflag:$0x2] =	stream.linear.gather [hbm4b:s12+s4], $0x3E8, $0x38;
	[tilespmem:$0x13C68] =	vst v63  }
0x174: {  	_ =	swait.ge [sflag:s25], $0x3E8  }
0x175: {  	[sflag:s25] =	ssyncset.done $0x0  }
0x176: {  	[sflag:s25] =	ssyncadd.s32 $0xFFFFFC18  }
0x177: {  	v18 =	vimm.s32 $0x0;
	[tilespmem:s26], [sflag:$0x1] =	stream.indirect.gather [hbm4b:s1+s26], $0x20, s4, s26, $0xb8;
	[tilespmem:$0x13C68] =	vst v63  }
0x178: {  	v19 =	vadd.s32 v1, v18  }
0x179: {  	[tilespmem:s29], [sflag:$0x2] =	stream.strided.gather [hbm4b:s13+s26], $0x3E80, s28, s26, $0x38;
	[tilespmem:$0x13C68] =	vst v63  }
0x17a: {  	_ =	swait.ge [sflag:s25], $0x3E80  }
0x17b: {  	[sflag:s25] =	ssyncset.done $0x0  }
0x17c: {  	[sflag:s25] =	ssyncadd.s32 $0xFFFFC180  }
0x17d: {  	v19 =	vld.idx.msk [tilespmem:v19+s29+$0x0], $0xffff  }
0x17e: {  	v20 =	vadd.s32 v3, v18;
	_ =	sdelay $0x2  }
0x17f: {  	s2 =	simm.s32 $0x0  }
0x180: {  	[tilespmem:s2+$0xBF68] =	vst v19  }
0x181: {  	v19 =	vld.idx.msk [tilespmem:v20+s29+$0x0], $0xffff  }
0x182: {  	v20 =	vadd.s32 v4, v18;
	_ =	sdelay $0x3  }
0x183: {  	[tilespmem:s2+$0xBF88] =	vst v19  }
0x184: {  	v19 =	vld.idx.msk [tilespmem:v20+s29+$0x0], $0xffff  }
0x185: {  	v20 =	vadd.s32 v5, v18;
	_ =	sdelay $0x3  }
0x186: {  	[tilespmem:s2+$0xBFA8] =	vst v19  }
0x187: {  	v19 =	vld.idx.msk [tilespmem:v20+s29+$0x0], $0xffff  }
0x188: {  	v20 =	vadd.s32 v6, v18;
	_ =	sdelay $0x3  }
0x189: {  	[tilespmem:s2+$0xBFC8] =	vst v19  }
0x18a: {  	v19 =	vld.idx.msk [tilespmem:v20+s29+$0x0], $0xffff  }
0x18b: {  	v20 =	vadd.s32 v7, v18;
	_ =	sdelay $0x3  }
0x18c: {  	[tilespmem:s2+$0xBFE8] =	vst v19  }
0x18d: {  	v19 =	vld.idx.msk [tilespmem:v20+s29+$0x0], $0xffff  }
0x18e: {  	v20 =	vadd.s32 v8, v18;
	_ =	sdelay $0x3  }
0x18f: {  	[tilespmem:s2+$0xC008] =	vst v19  }
0x190: {  	v19 =	vld.idx.msk [tilespmem:v20+s29+$0x0], $0xffff  }
0x191: {  	v20 =	vadd.s32 v9, v18;
	_ =	sdelay $0x3  }
0x192: {  	[tilespmem:s2+$0xC028] =	vst v19  }
0x193: {  	v19 =	vld.idx.msk [tilespmem:v20+s29+$0x0], $0xffff  }
0x194: {  	v20 =	vadd.s32 v10, v18;
	_ =	sdelay $0x3  }
0x195: {  	[tilespmem:s2+$0xC048] =	vst v19  }
0x196: {  	v19 =	vld.idx.msk [tilespmem:v20+s29+$0x0], $0xffff  }
0x197: {  	v20 =	vadd.s32 v11, v18;
	_ =	sdelay $0x3  }
0x198: {  	[tilespmem:s2+$0xC068] =	vst v19  }
0x199: {  	v19 =	vld.idx.msk [tilespmem:v20+s29+$0x0], $0xffff  }
0x19a: {  	v20 =	vadd.s32 v12, v18;
	_ =	sdelay $0x3  }
0x19b: {  	[tilespmem:s2+$0xC088] =	vst v19  }
0x19c: {  	v19 =	vld.idx.msk [tilespmem:v20+s29+$0x0], $0xffff  }
0x19d: {  	v20 =	vadd.s32 v13, v18;
	_ =	sdelay $0x3  }
0x19e: {  	[tilespmem:s2+$0xC0A8] =	vst v19  }
0x19f: {  	v19 =	vld.idx.msk [tilespmem:v20+s29+$0x0], $0xffff  }
0x1a0: {  	v20 =	vadd.s32 v14, v18;
	_ =	sdelay $0x3  }
0x1a1: {  	[tilespmem:s2+$0xC0C8] =	vst v19  }
0x1a2: {  	v19 =	vld.idx.msk [tilespmem:v20+s29+$0x0], $0xffff  }
0x1a3: {  	v20 =	vadd.s32 v15, v18;
	_ =	sdelay $0x3  }
0x1a4: {  	[tilespmem:s2+$0xC0E8] =	vst v19  }
0x1a5: {  	v19 =	vld.idx.msk [tilespmem:v20+s29+$0x0], $0xffff  }
0x1a6: {  	v20 =	vadd.s32 v16, v18;
	_ =	sdelay $0x3  }
0x1a7: {  	[tilespmem:s2+$0xC108] =	vst v19  }
0x1a8: {  	v19 =	vld.idx.msk [tilespmem:v20+s29+$0x0], $0xffff  }
0x1a9: {  	v20 =	vadd.s32 v17, v18;
	_ =	sdelay $0x3  }
0x1aa: {  	[tilespmem:s2+$0xC128] =	vst v19  }
0x1ab: {  	v18 =	vadd.s32 $0x10, v18;
	v19 =	vld.idx.msk [tilespmem:v20+s29+$0x0], $0xffff  }
0x1ac: {  	s3 =	simm.s32 $0x800;
	s4 =	simm.s32 $0x1000;
	v20 =	vadd.s32 v1, v18  }
.LBB2_8:
0x1ad: {  	p0 =	sne.s32 s4, $0x1E800;
	_ =	sdelay $0x2  }
0x1ae: {  	[tilespmem:s2+$0xC148] =	vst v19  }
0x1af: {  	v19 =	vld.idx.msk [tilespmem:v20+s29+$0x0], $0xffff;
	_ =	sdelay $0x1  }
0x1b0: {  	v20 =	vadd.s32 v3, v18;
	_ =	sdelay $0x2  }
0x1b1: {  	s2 =	sshra.s32 s3, $0x2;
	s3 =	smov.u32 s4  }
0x1b2: {  	[tilespmem:s2+$0xBF68] =	vst v19  }
0x1b3: {  	v19 =	vld.idx.msk [tilespmem:v20+s29+$0x0], $0xffff;
	_ =	sdelay $0x1  }
0x1b4: {  	v20 =	vadd.s32 v4, v18;
	_ =	sdelay $0x3  }
0x1b5: {  	[tilespmem:s2+$0xBF88] =	vst v19  }
0x1b6: {  	v19 =	vld.idx.msk [tilespmem:v20+s29+$0x0], $0xffff;
	_ =	sdelay $0x1  }
0x1b7: {  	v20 =	vadd.s32 v5, v18;
	_ =	sdelay $0x3  }
0x1b8: {  	[tilespmem:s2+$0xBFA8] =	vst v19  }
0x1b9: {  	v19 =	vld.idx.msk [tilespmem:v20+s29+$0x0], $0xffff;
	_ =	sdelay $0x1  }
0x1ba: {  	v20 =	vadd.s32 v6, v18;
	_ =	sdelay $0x3  }
0x1bb: {  	[tilespmem:s2+$0xBFC8] =	vst v19  }
0x1bc: {  	v19 =	vld.idx.msk [tilespmem:v20+s29+$0x0], $0xffff;
	_ =	sdelay $0x1  }
0x1bd: {  	v20 =	vadd.s32 v7, v18;
	_ =	sdelay $0x3  }
0x1be: {  	[tilespmem:s2+$0xBFE8] =	vst v19  }
0x1bf: {  	v19 =	vld.idx.msk [tilespmem:v20+s29+$0x0], $0xffff;
	_ =	sdelay $0x1  }
0x1c0: {  	v20 =	vadd.s32 v8, v18;
	_ =	sdelay $0x3  }
0x1c1: {  	[tilespmem:s2+$0xC008] =	vst v19  }
0x1c2: {  	v19 =	vld.idx.msk [tilespmem:v20+s29+$0x0], $0xffff;
	_ =	sdelay $0x1  }
0x1c3: {  	v20 =	vadd.s32 v9, v18;
	_ =	sdelay $0x3  }
0x1c4: {  	[tilespmem:s2+$0xC028] =	vst v19  }
0x1c5: {  	v19 =	vld.idx.msk [tilespmem:v20+s29+$0x0], $0xffff;
	_ =	sdelay $0x1  }
0x1c6: {  	v20 =	vadd.s32 v10, v18;
	_ =	sdelay $0x3  }
0x1c7: {  	[tilespmem:s2+$0xC048] =	vst v19  }
0x1c8: {  	v19 =	vld.idx.msk [tilespmem:v20+s29+$0x0], $0xffff;
	_ =	sdelay $0x1  }
0x1c9: {  	v20 =	vadd.s32 v11, v18;
	_ =	sdelay $0x3  }
0x1ca: {  	[tilespmem:s2+$0xC068] =	vst v19  }
0x1cb: {  	v19 =	vld.idx.msk [tilespmem:v20+s29+$0x0], $0xffff;
	_ =	sdelay $0x1  }
0x1cc: {  	v20 =	vadd.s32 v12, v18;
	_ =	sdelay $0x3  }
0x1cd: {  	[tilespmem:s2+$0xC088] =	vst v19  }
0x1ce: {  	v19 =	vld.idx.msk [tilespmem:v20+s29+$0x0], $0xffff;
	_ =	sdelay $0x1  }
0x1cf: {  	v20 =	vadd.s32 v13, v18;
	_ =	sdelay $0x3  }
0x1d0: {  	[tilespmem:s2+$0xC0A8] =	vst v19  }
0x1d1: {  	v19 =	vld.idx.msk [tilespmem:v20+s29+$0x0], $0xffff;
	_ =	sdelay $0x1  }
0x1d2: {  	v20 =	vadd.s32 v14, v18;
	_ =	sdelay $0x3  }
0x1d3: {  	[tilespmem:s2+$0xC0C8] =	vst v19  }
0x1d4: {  	v19 =	vld.idx.msk [tilespmem:v20+s29+$0x0], $0xffff;
	_ =	sdelay $0x1  }
0x1d5: {  	v20 =	vadd.s32 v15, v18;
	_ =	sdelay $0x3  }
0x1d6: {  	[tilespmem:s2+$0xC0E8] =	vst v19  }
0x1d7: {  	v19 =	vld.idx.msk [tilespmem:v20+s29+$0x0], $0xffff;
	_ =	sdelay $0x1  }
0x1d8: {  	v20 =	vadd.s32 v16, v18;
	_ =	sdelay $0x3  }
0x1d9: {  	[tilespmem:s2+$0xC108] =	vst v19  }
0x1da: {  	v19 =	vld.idx.msk [tilespmem:v20+s29+$0x0], $0xffff;
	_ =	sdelay $0x1  }
0x1db: {  	v20 =	vadd.s32 v17, v18;
	_ =	sdelay $0x2  }
.Ltmp3:
0x1dc: {  	(pc) =	sbr.rel @p0 .LBB2_8-.Ltmp3, $4  }
0x1dd: {  	[tilespmem:s2+$0xC128] =	vst v19  }
0x1de: {  	v19 =	vld.idx.msk [tilespmem:v20+s29+$0x0], $0xffff  }
0x1df: {  	v18 =	vadd.s32 $0x10, v18  }
0x1e0: {  	s4 =	sadd.s32 $0x800, s4;
	v20 =	vadd.s32 v1, v18  }
0x1e1: {  	_ =	sdelay $0x2  }
0x1e2: {  	[tilespmem:s2+$0xC148] =	vst v19  }
0x1e3: {  	v19 =	vld.idx.msk [tilespmem:v20+s29+$0x0], $0xffff  }
0x1e4: {  	v20 =	vadd.s32 v3, v18;
	_ =	sdelay $0x2  }
0x1e5: {  	s3 =	sshra.s32 s3, $0x2  }
0x1e6: {  	[tilespmem:s3+$0xBF68] =	vst v19  }
0x1e7: {  	v19 =	vld.idx.msk [tilespmem:v20+s29+$0x0], $0xffff  }
0x1e8: {  	v20 =	vadd.s32 v4, v18;
	_ =	sdelay $0x3  }
0x1e9: {  	[tilespmem:s3+$0xBF88] =	vst v19  }
0x1ea: {  	v19 =	vld.idx.msk [tilespmem:v20+s29+$0x0], $0xffff  }
0x1eb: {  	v20 =	vadd.s32 v5, v18;
	_ =	sdelay $0x3  }
0x1ec: {  	[tilespmem:s3+$0xBFA8] =	vst v19  }
0x1ed: {  	v19 =	vld.idx.msk [tilespmem:v20+s29+$0x0], $0xffff  }
0x1ee: {  	v20 =	vadd.s32 v6, v18;
	_ =	sdelay $0x3  }
0x1ef: {  	[tilespmem:s3+$0xBFC8] =	vst v19  }
0x1f0: {  	v19 =	vld.idx.msk [tilespmem:v20+s29+$0x0], $0xffff  }
0x1f1: {  	v20 =	vadd.s32 v7, v18;
	_ =	sdelay $0x3  }
0x1f2: {  	[tilespmem:s3+$0xBFE8] =	vst v19  }
0x1f3: {  	v19 =	vld.idx.msk [tilespmem:v20+s29+$0x0], $0xffff  }
0x1f4: {  	v20 =	vadd.s32 v8, v18;
	_ =	sdelay $0x3  }
0x1f5: {  	[tilespmem:s3+$0xC008] =	vst v19  }
0x1f6: {  	v19 =	vld.idx.msk [tilespmem:v20+s29+$0x0], $0xffff  }
0x1f7: {  	v20 =	vadd.s32 v9, v18;
	_ =	sdelay $0x3  }
0x1f8: {  	[tilespmem:s3+$0xC028] =	vst v19  }
0x1f9: {  	v19 =	vld.idx.msk [tilespmem:v20+s29+$0x0], $0xffff  }
0x1fa: {  	v20 =	vadd.s32 v10, v18;
	_ =	sdelay $0x3  }
0x1fb: {  	[tilespmem:s3+$0xC048] =	vst v19  }
0x1fc: {  	v19 =	vld.idx.msk [tilespmem:v20+s29+$0x0], $0xffff  }
0x1fd: {  	v20 =	vadd.s32 v11, v18;
	_ =	sdelay $0x3  }
0x1fe: {  	[tilespmem:s3+$0xC068] =	vst v19  }
0x1ff: {  	v19 =	vld.idx.msk [tilespmem:v20+s29+$0x0], $0xffff  }
0x200: {  	v20 =	vadd.s32 v12, v18;
	_ =	sdelay $0x3  }
0x201: {  	[tilespmem:s3+$0xC088] =	vst v19  }
0x202: {  	v19 =	vld.idx.msk [tilespmem:v20+s29+$0x0], $0xffff  }
0x203: {  	v20 =	vadd.s32 v13, v18;
	_ =	sdelay $0x3  }
0x204: {  	[tilespmem:s3+$0xC0A8] =	vst v19  }
0x205: {  	v19 =	vld.idx.msk [tilespmem:v20+s29+$0x0], $0xffff  }
0x206: {  	v20 =	vadd.s32 v14, v18;
	_ =	sdelay $0x3  }
0x207: {  	[tilespmem:s3+$0xC0C8] =	vst v19  }
0x208: {  	v19 =	vld.idx.msk [tilespmem:v20+s29+$0x0], $0xffff  }
0x209: {  	v20 =	vadd.s32 v15, v18;
	_ =	sdelay $0x3  }
0x20a: {  	[tilespmem:s3+$0xC0E8] =	vst v19  }
0x20b: {  	v19 =	vld.idx.msk [tilespmem:v20+s29+$0x0], $0xffff  }
0x20c: {  	v20 =	vadd.s32 v16, v18;
	_ =	sdelay $0x3  }
0x20d: {  	[tilespmem:s3+$0xC108] =	vst v19  }
0x20e: {  	v19 =	vld.idx.msk [tilespmem:v20+s29+$0x0], $0xffff  }
0x20f: {  	v18 =	vadd.s32 v17, v18;
	_ =	sdelay $0x3  }
0x210: {  	[tilespmem:s3+$0xC128] =	vst v19  }
0x211: {  	v18 =	vld.idx.msk [tilespmem:v18+s29+$0x0], $0xffff;
	_ =	sdelay $0x4  }
0x212: {  	s4 =	simm.s32 $0x0;
	[tilespmem:s3+$0xC148] =	vst v18  }
0x213: {  	[hbm4b:s14+s4] =	stream.linear.scatter [tilespmem:s30], [sflag:$0x2], $0x7D00, $0x38;
	[tilespmem:$0x13C68] =	vst v63  }
0x214: {  	_ =	swait.ge [sflag:s25], $0x7D00  }
0x215: {  	[sflag:s25] =	ssyncset.done $0x0  }
0x216: {  	[sflag:s25] =	ssyncadd.s32 $0xFFFF8300  }
0x217: {  	_ =	swait.ge [sflag:s31], $0x7D00  }
0x218: {  	[sflag:s31] =	ssyncset.done $0x0  }
0x219: {  	[sflag:s31] =	ssyncadd.s32 $0xFFFF8300  }
0x21a: {  	[hbm4b:s15+s4] =	stream.linear.scatter [tilespmem:s26], [sflag:$0x2], $0x7D00, $0x38;
	[tilespmem:$0x13C68] =	vst v63  }
0x21b: {  	_ =	swait.ge [sflag:s25], $0x7D00  }
0x21c: {  	[sflag:s25] =	ssyncset.done $0x0  }
0x21d: {  	[sflag:s25] =	ssyncadd.s32 $0xFFFF8300  }
0x21e: {  	[tilespmem:s4], [sflag:$0x2] =	stream.linear.gather [hbm4b:s16+s4], $0x3E8, $0x38;
	[tilespmem:$0x13C68] =	vst v63  }
0x21f: {  	_ =	swait.ge [sflag:s25], $0x3E8  }
0x220: {  	[sflag:s25] =	ssyncset.done $0x0  }
0x221: {  	[sflag:s25] =	ssyncadd.s32 $0xFFFFFC18  }
0x222: {  	v18 =	vimm.s32 $0x0;
	[tilespmem:s26], [sflag:$0x1] =	stream.indirect.gather [hbm4b:s1+s26], $0x20, s4, s26, $0xb8;
	[tilespmem:$0x13C68] =	vst v63  }
0x223: {  	v19 =	vadd.s32 v1, v18  }
0x224: {  	[tilespmem:s29], [sflag:$0x2] =	stream.strided.gather [hbm4b:s17+s26], $0x3E80, s28, s26, $0x38;
	[tilespmem:$0x13C68] =	vst v63  }
0x225: {  	_ =	swait.ge [sflag:s25], $0x3E80  }
0x226: {  	[sflag:s25] =	ssyncset.done $0x0  }
0x227: {  	[sflag:s25] =	ssyncadd.s32 $0xFFFFC180  }
0x228: {  	v19 =	vld.idx.msk [tilespmem:v19+s29+$0x0], $0xffff  }
0x229: {  	v20 =	vadd.s32 v3, v18;
	_ =	sdelay $0x2  }
0x22a: {  	s2 =	simm.s32 $0x0  }
0x22b: {  	[tilespmem:s2+$0xBF68] =	vst v19  }
0x22c: {  	v19 =	vld.idx.msk [tilespmem:v20+s29+$0x0], $0xffff  }
0x22d: {  	v20 =	vadd.s32 v4, v18;
	_ =	sdelay $0x3  }
0x22e: {  	[tilespmem:s2+$0xBF88] =	vst v19  }
0x22f: {  	v19 =	vld.idx.msk [tilespmem:v20+s29+$0x0], $0xffff  }
0x230: {  	v20 =	vadd.s32 v5, v18;
	_ =	sdelay $0x3  }
0x231: {  	[tilespmem:s2+$0xBFA8] =	vst v19  }
0x232: {  	v19 =	vld.idx.msk [tilespmem:v20+s29+$0x0], $0xffff  }
0x233: {  	v20 =	vadd.s32 v6, v18;
	_ =	sdelay $0x3  }
0x234: {  	[tilespmem:s2+$0xBFC8] =	vst v19  }
0x235: {  	v19 =	vld.idx.msk [tilespmem:v20+s29+$0x0], $0xffff  }
0x236: {  	v20 =	vadd.s32 v7, v18;
	_ =	sdelay $0x3  }
0x237: {  	[tilespmem:s2+$0xBFE8] =	vst v19  }
0x238: {  	v19 =	vld.idx.msk [tilespmem:v20+s29+$0x0], $0xffff  }
0x239: {  	v20 =	vadd.s32 v8, v18;
	_ =	sdelay $0x3  }
0x23a: {  	[tilespmem:s2+$0xC008] =	vst v19  }
0x23b: {  	v19 =	vld.idx.msk [tilespmem:v20+s29+$0x0], $0xffff  }
0x23c: {  	v20 =	vadd.s32 v9, v18;
	_ =	sdelay $0x3  }
0x23d: {  	[tilespmem:s2+$0xC028] =	vst v19  }
0x23e: {  	v19 =	vld.idx.msk [tilespmem:v20+s29+$0x0], $0xffff  }
0x23f: {  	v20 =	vadd.s32 v10, v18;
	_ =	sdelay $0x3  }
0x240: {  	[tilespmem:s2+$0xC048] =	vst v19  }
0x241: {  	v19 =	vld.idx.msk [tilespmem:v20+s29+$0x0], $0xffff  }
0x242: {  	v20 =	vadd.s32 v11, v18;
	_ =	sdelay $0x3  }
0x243: {  	[tilespmem:s2+$0xC068] =	vst v19  }
0x244: {  	v19 =	vld.idx.msk [tilespmem:v20+s29+$0x0], $0xffff  }
0x245: {  	v20 =	vadd.s32 v12, v18;
	_ =	sdelay $0x3  }
0x246: {  	[tilespmem:s2+$0xC088] =	vst v19  }
0x247: {  	v19 =	vld.idx.msk [tilespmem:v20+s29+$0x0], $0xffff  }
0x248: {  	v20 =	vadd.s32 v13, v18;
	_ =	sdelay $0x3  }
0x249: {  	[tilespmem:s2+$0xC0A8] =	vst v19  }
0x24a: {  	v19 =	vld.idx.msk [tilespmem:v20+s29+$0x0], $0xffff  }
0x24b: {  	v20 =	vadd.s32 v14, v18;
	_ =	sdelay $0x3  }
0x24c: {  	[tilespmem:s2+$0xC0C8] =	vst v19  }
0x24d: {  	v19 =	vld.idx.msk [tilespmem:v20+s29+$0x0], $0xffff  }
0x24e: {  	v20 =	vadd.s32 v15, v18;
	_ =	sdelay $0x3  }
0x24f: {  	[tilespmem:s2+$0xC0E8] =	vst v19  }
0x250: {  	v19 =	vld.idx.msk [tilespmem:v20+s29+$0x0], $0xffff  }
0x251: {  	v20 =	vadd.s32 v16, v18;
	_ =	sdelay $0x3  }
0x252: {  	[tilespmem:s2+$0xC108] =	vst v19  }
0x253: {  	v19 =	vld.idx.msk [tilespmem:v20+s29+$0x0], $0xffff  }
0x254: {  	v20 =	vadd.s32 v17, v18;
	_ =	sdelay $0x3  }
0x255: {  	[tilespmem:s2+$0xC128] =	vst v19  }
0x256: {  	v18 =	vadd.s32 $0x10, v18;
	v19 =	vld.idx.msk [tilespmem:v20+s29+$0x0], $0xffff  }
0x257: {  	s3 =	simm.s32 $0x800;
	s4 =	simm.s32 $0x1000;
	v20 =	vadd.s32 v1, v18  }
.LBB2_10:
0x258: {  	p0 =	sne.s32 s4, $0x1E800;
	_ =	sdelay $0x2  }
0x259: {  	[tilespmem:s2+$0xC148] =	vst v19  }
0x25a: {  	v19 =	vld.idx.msk [tilespmem:v20+s29+$0x0], $0xffff;
	_ =	sdelay $0x1  }
0x25b: {  	v20 =	vadd.s32 v3, v18;
	_ =	sdelay $0x2  }
0x25c: {  	s2 =	sshra.s32 s3, $0x2;
	s3 =	smov.u32 s4  }
0x25d: {  	[tilespmem:s2+$0xBF68] =	vst v19  }
0x25e: {  	v19 =	vld.idx.msk [tilespmem:v20+s29+$0x0], $0xffff;
	_ =	sdelay $0x1  }
0x25f: {  	v20 =	vadd.s32 v4, v18;
	_ =	sdelay $0x3  }
0x260: {  	[tilespmem:s2+$0xBF88] =	vst v19  }
0x261: {  	v19 =	vld.idx.msk [tilespmem:v20+s29+$0x0], $0xffff;
	_ =	sdelay $0x1  }
0x262: {  	v20 =	vadd.s32 v5, v18;
	_ =	sdelay $0x3  }
0x263: {  	[tilespmem:s2+$0xBFA8] =	vst v19  }
0x264: {  	v19 =	vld.idx.msk [tilespmem:v20+s29+$0x0], $0xffff;
	_ =	sdelay $0x1  }
0x265: {  	v20 =	vadd.s32 v6, v18;
	_ =	sdelay $0x3  }
0x266: {  	[tilespmem:s2+$0xBFC8] =	vst v19  }
0x267: {  	v19 =	vld.idx.msk [tilespmem:v20+s29+$0x0], $0xffff;
	_ =	sdelay $0x1  }
0x268: {  	v20 =	vadd.s32 v7, v18;
	_ =	sdelay $0x3  }
0x269: {  	[tilespmem:s2+$0xBFE8] =	vst v19  }
0x26a: {  	v19 =	vld.idx.msk [tilespmem:v20+s29+$0x0], $0xffff;
	_ =	sdelay $0x1  }
0x26b: {  	v20 =	vadd.s32 v8, v18;
	_ =	sdelay $0x3  }
0x26c: {  	[tilespmem:s2+$0xC008] =	vst v19  }
0x26d: {  	v19 =	vld.idx.msk [tilespmem:v20+s29+$0x0], $0xffff;
	_ =	sdelay $0x1  }
0x26e: {  	v20 =	vadd.s32 v9, v18;
	_ =	sdelay $0x3  }
0x26f: {  	[tilespmem:s2+$0xC028] =	vst v19  }
0x270: {  	v19 =	vld.idx.msk [tilespmem:v20+s29+$0x0], $0xffff;
	_ =	sdelay $0x1  }
0x271: {  	v20 =	vadd.s32 v10, v18;
	_ =	sdelay $0x3  }
0x272: {  	[tilespmem:s2+$0xC048] =	vst v19  }
0x273: {  	v19 =	vld.idx.msk [tilespmem:v20+s29+$0x0], $0xffff;
	_ =	sdelay $0x1  }
0x274: {  	v20 =	vadd.s32 v11, v18;
	_ =	sdelay $0x3  }
0x275: {  	[tilespmem:s2+$0xC068] =	vst v19  }
0x276: {  	v19 =	vld.idx.msk [tilespmem:v20+s29+$0x0], $0xffff;
	_ =	sdelay $0x1  }
0x277: {  	v20 =	vadd.s32 v12, v18;
	_ =	sdelay $0x3  }
0x278: {  	[tilespmem:s2+$0xC088] =	vst v19  }
0x279: {  	v19 =	vld.idx.msk [tilespmem:v20+s29+$0x0], $0xffff;
	_ =	sdelay $0x1  }
0x27a: {  	v20 =	vadd.s32 v13, v18;
	_ =	sdelay $0x3  }
0x27b: {  	[tilespmem:s2+$0xC0A8] =	vst v19  }
0x27c: {  	v19 =	vld.idx.msk [tilespmem:v20+s29+$0x0], $0xffff;
	_ =	sdelay $0x1  }
0x27d: {  	v20 =	vadd.s32 v14, v18;
	_ =	sdelay $0x3  }
0x27e: {  	[tilespmem:s2+$0xC0C8] =	vst v19  }
0x27f: {  	v19 =	vld.idx.msk [tilespmem:v20+s29+$0x0], $0xffff;
	_ =	sdelay $0x1  }
0x280: {  	v20 =	vadd.s32 v15, v18;
	_ =	sdelay $0x3  }
0x281: {  	[tilespmem:s2+$0xC0E8] =	vst v19  }
0x282: {  	v19 =	vld.idx.msk [tilespmem:v20+s29+$0x0], $0xffff;
	_ =	sdelay $0x1  }
0x283: {  	v20 =	vadd.s32 v16, v18;
	_ =	sdelay $0x3  }
0x284: {  	[tilespmem:s2+$0xC108] =	vst v19  }
0x285: {  	v19 =	vld.idx.msk [tilespmem:v20+s29+$0x0], $0xffff;
	_ =	sdelay $0x1  }
0x286: {  	v20 =	vadd.s32 v17, v18;
	_ =	sdelay $0x2  }
.Ltmp4:
0x287: {  	(pc) =	sbr.rel @p0 .LBB2_10-.Ltmp4, $4  }
0x288: {  	[tilespmem:s2+$0xC128] =	vst v19  }
0x289: {  	v19 =	vld.idx.msk [tilespmem:v20+s29+$0x0], $0xffff  }
0x28a: {  	v18 =	vadd.s32 $0x10, v18  }
0x28b: {  	s4 =	sadd.s32 $0x800, s4;
	v20 =	vadd.s32 v1, v18  }
0x28c: {  	_ =	sdelay $0x2  }
0x28d: {  	[tilespmem:s2+$0xC148] =	vst v19  }
0x28e: {  	v19 =	vld.idx.msk [tilespmem:v20+s29+$0x0], $0xffff  }
0x28f: {  	v20 =	vadd.s32 v3, v18;
	_ =	sdelay $0x2  }
0x290: {  	s3 =	sshra.s32 s3, $0x2  }
0x291: {  	[tilespmem:s3+$0xBF68] =	vst v19  }
0x292: {  	v19 =	vld.idx.msk [tilespmem:v20+s29+$0x0], $0xffff  }
0x293: {  	v20 =	vadd.s32 v4, v18;
	_ =	sdelay $0x3  }
0x294: {  	[tilespmem:s3+$0xBF88] =	vst v19  }
0x295: {  	v19 =	vld.idx.msk [tilespmem:v20+s29+$0x0], $0xffff  }
0x296: {  	v20 =	vadd.s32 v5, v18;
	_ =	sdelay $0x3  }
0x297: {  	[tilespmem:s3+$0xBFA8] =	vst v19  }
0x298: {  	v19 =	vld.idx.msk [tilespmem:v20+s29+$0x0], $0xffff  }
0x299: {  	v20 =	vadd.s32 v6, v18;
	_ =	sdelay $0x3  }
0x29a: {  	[tilespmem:s3+$0xBFC8] =	vst v19  }
0x29b: {  	v19 =	vld.idx.msk [tilespmem:v20+s29+$0x0], $0xffff  }
0x29c: {  	v20 =	vadd.s32 v7, v18;
	_ =	sdelay $0x3  }
0x29d: {  	[tilespmem:s3+$0xBFE8] =	vst v19  }
0x29e: {  	v19 =	vld.idx.msk [tilespmem:v20+s29+$0x0], $0xffff  }
0x29f: {  	v20 =	vadd.s32 v8, v18;
	_ =	sdelay $0x3  }
0x2a0: {  	[tilespmem:s3+$0xC008] =	vst v19  }
0x2a1: {  	v19 =	vld.idx.msk [tilespmem:v20+s29+$0x0], $0xffff  }
0x2a2: {  	v20 =	vadd.s32 v9, v18;
	_ =	sdelay $0x3  }
0x2a3: {  	[tilespmem:s3+$0xC028] =	vst v19  }
0x2a4: {  	v19 =	vld.idx.msk [tilespmem:v20+s29+$0x0], $0xffff  }
0x2a5: {  	v20 =	vadd.s32 v10, v18;
	_ =	sdelay $0x3  }
0x2a6: {  	[tilespmem:s3+$0xC048] =	vst v19  }
0x2a7: {  	v19 =	vld.idx.msk [tilespmem:v20+s29+$0x0], $0xffff  }
0x2a8: {  	v20 =	vadd.s32 v11, v18;
	_ =	sdelay $0x3  }
0x2a9: {  	[tilespmem:s3+$0xC068] =	vst v19  }
0x2aa: {  	v19 =	vld.idx.msk [tilespmem:v20+s29+$0x0], $0xffff  }
0x2ab: {  	v20 =	vadd.s32 v12, v18;
	_ =	sdelay $0x3  }
0x2ac: {  	[tilespmem:s3+$0xC088] =	vst v19  }
0x2ad: {  	v19 =	vld.idx.msk [tilespmem:v20+s29+$0x0], $0xffff  }
0x2ae: {  	v20 =	vadd.s32 v13, v18;
	_ =	sdelay $0x3  }
0x2af: {  	[tilespmem:s3+$0xC0A8] =	vst v19  }
0x2b0: {  	v19 =	vld.idx.msk [tilespmem:v20+s29+$0x0], $0xffff  }
0x2b1: {  	v20 =	vadd.s32 v14, v18;
	_ =	sdelay $0x3  }
0x2b2: {  	[tilespmem:s3+$0xC0C8] =	vst v19  }
0x2b3: {  	v19 =	vld.idx.msk [tilespmem:v20+s29+$0x0], $0xffff  }
0x2b4: {  	v20 =	vadd.s32 v15, v18;
	_ =	sdelay $0x3  }
0x2b5: {  	[tilespmem:s3+$0xC0E8] =	vst v19  }
0x2b6: {  	v19 =	vld.idx.msk [tilespmem:v20+s29+$0x0], $0xffff  }
0x2b7: {  	v20 =	vadd.s32 v16, v18;
	_ =	sdelay $0x3  }
0x2b8: {  	[tilespmem:s3+$0xC108] =	vst v19  }
0x2b9: {  	v19 =	vld.idx.msk [tilespmem:v20+s29+$0x0], $0xffff  }
0x2ba: {  	v18 =	vadd.s32 v17, v18;
	_ =	sdelay $0x3  }
0x2bb: {  	[tilespmem:s3+$0xC128] =	vst v19  }
0x2bc: {  	v18 =	vld.idx.msk [tilespmem:v18+s29+$0x0], $0xffff;
	_ =	sdelay $0x4  }
0x2bd: {  	s4 =	simm.s32 $0x0;
	[tilespmem:s3+$0xC148] =	vst v18  }
0x2be: {  	[hbm4b:s20+s4] =	stream.linear.scatter [tilespmem:s30], [sflag:$0x2], $0x7D00, $0x38;
	[tilespmem:$0x13C68] =	vst v63  }
0x2bf: {  	_ =	swait.ge [sflag:s25], $0x7D00  }
0x2c0: {  	[sflag:s25] =	ssyncset.done $0x0  }
0x2c1: {  	[sflag:s25] =	ssyncadd.s32 $0xFFFF8300  }
0x2c2: {  	_ =	swait.ge [sflag:s31], $0x7D00  }
0x2c3: {  	[sflag:s31] =	ssyncset.done $0x0  }
0x2c4: {  	[sflag:s31] =	ssyncadd.s32 $0xFFFF8300  }
0x2c5: {  	[hbm4b:s21+s4] =	stream.linear.scatter [tilespmem:s26], [sflag:$0x2], $0x7D00, $0x38;
	[tilespmem:$0x13C68] =	vst v63  }
0x2c6: {  	_ =	swait.ge [sflag:s25], $0x7D00  }
0x2c7: {  	[sflag:s25] =	ssyncset.done $0x0  }
0x2c8: {  	[sflag:s25] =	ssyncadd.s32 $0xFFFF8300  }
0x2c9: {  	[tilespmem:s4], [sflag:$0x2] =	stream.linear.gather [hbm4b:s18+s4], $0x3E8, $0x38;
	[tilespmem:$0x13C68] =	vst v63  }
0x2ca: {  	_ =	swait.ge [sflag:s25], $0x3E8  }
0x2cb: {  	[sflag:s25] =	ssyncset.done $0x0  }
0x2cc: {  	[sflag:s25] =	ssyncadd.s32 $0xFFFFFC18  }
0x2cd: {  	v18 =	vimm.s32 $0x0;
	[tilespmem:s26], [sflag:$0x1] =	stream.indirect.gather [hbm4b:s1+s26], $0x20, s4, s26, $0xb8;
	[tilespmem:$0x13C68] =	vst v63  }
0x2ce: {  	v19 =	vadd.s32 v1, v18  }
0x2cf: {  	[tilespmem:s29], [sflag:$0x2] =	stream.strided.gather [hbm4b:s19+s26], $0x3E80, s28, s26, $0x38;
	[tilespmem:$0x13C68] =	vst v63  }
0x2d0: {  	_ =	swait.ge [sflag:s25], $0x3E80  }
0x2d1: {  	[sflag:s25] =	ssyncset.done $0x0  }
0x2d2: {  	[sflag:s25] =	ssyncadd.s32 $0xFFFFC180  }
0x2d3: {  	v19 =	vld.idx.msk [tilespmem:v19+s29+$0x0], $0xffff  }
0x2d4: {  	v20 =	vadd.s32 v3, v18;
	_ =	sdelay $0x2  }
0x2d5: {  	s2 =	simm.s32 $0x0  }
0x2d6: {  	[tilespmem:s2+$0xBF68] =	vst v19  }
0x2d7: {  	v19 =	vld.idx.msk [tilespmem:v20+s29+$0x0], $0xffff  }
0x2d8: {  	v20 =	vadd.s32 v4, v18;
	_ =	sdelay $0x3  }
0x2d9: {  	[tilespmem:s2+$0xBF88] =	vst v19  }
0x2da: {  	v19 =	vld.idx.msk [tilespmem:v20+s29+$0x0], $0xffff  }
0x2db: {  	v20 =	vadd.s32 v5, v18;
	_ =	sdelay $0x3  }
0x2dc: {  	[tilespmem:s2+$0xBFA8] =	vst v19  }
0x2dd: {  	v19 =	vld.idx.msk [tilespmem:v20+s29+$0x0], $0xffff  }
0x2de: {  	v20 =	vadd.s32 v6, v18;
	_ =	sdelay $0x3  }
0x2df: {  	[tilespmem:s2+$0xBFC8] =	vst v19  }
0x2e0: {  	v19 =	vld.idx.msk [tilespmem:v20+s29+$0x0], $0xffff  }
0x2e1: {  	v20 =	vadd.s32 v7, v18;
	_ =	sdelay $0x3  }
0x2e2: {  	[tilespmem:s2+$0xBFE8] =	vst v19  }
0x2e3: {  	v19 =	vld.idx.msk [tilespmem:v20+s29+$0x0], $0xffff  }
0x2e4: {  	v20 =	vadd.s32 v8, v18;
	_ =	sdelay $0x3  }
0x2e5: {  	[tilespmem:s2+$0xC008] =	vst v19  }
0x2e6: {  	v19 =	vld.idx.msk [tilespmem:v20+s29+$0x0], $0xffff  }
0x2e7: {  	v20 =	vadd.s32 v9, v18;
	_ =	sdelay $0x3  }
0x2e8: {  	[tilespmem:s2+$0xC028] =	vst v19  }
0x2e9: {  	v19 =	vld.idx.msk [tilespmem:v20+s29+$0x0], $0xffff  }
0x2ea: {  	v20 =	vadd.s32 v10, v18;
	_ =	sdelay $0x3  }
0x2eb: {  	[tilespmem:s2+$0xC048] =	vst v19  }
0x2ec: {  	v19 =	vld.idx.msk [tilespmem:v20+s29+$0x0], $0xffff  }
0x2ed: {  	v20 =	vadd.s32 v11, v18;
	_ =	sdelay $0x3  }
0x2ee: {  	[tilespmem:s2+$0xC068] =	vst v19  }
0x2ef: {  	v19 =	vld.idx.msk [tilespmem:v20+s29+$0x0], $0xffff  }
0x2f0: {  	v20 =	vadd.s32 v12, v18;
	_ =	sdelay $0x3  }
0x2f1: {  	[tilespmem:s2+$0xC088] =	vst v19  }
0x2f2: {  	v19 =	vld.idx.msk [tilespmem:v20+s29+$0x0], $0xffff  }
0x2f3: {  	v20 =	vadd.s32 v13, v18;
	_ =	sdelay $0x3  }
0x2f4: {  	[tilespmem:s2+$0xC0A8] =	vst v19  }
0x2f5: {  	v19 =	vld.idx.msk [tilespmem:v20+s29+$0x0], $0xffff  }
0x2f6: {  	v20 =	vadd.s32 v14, v18;
	_ =	sdelay $0x3  }
0x2f7: {  	[tilespmem:s2+$0xC0C8] =	vst v19  }
0x2f8: {  	v19 =	vld.idx.msk [tilespmem:v20+s29+$0x0], $0xffff  }
0x2f9: {  	v20 =	vadd.s32 v15, v18;
	_ =	sdelay $0x3  }
0x2fa: {  	[tilespmem:s2+$0xC0E8] =	vst v19  }
0x2fb: {  	v19 =	vld.idx.msk [tilespmem:v20+s29+$0x0], $0xffff  }
0x2fc: {  	v20 =	vadd.s32 v16, v18;
	_ =	sdelay $0x3  }
0x2fd: {  	[tilespmem:s2+$0xC108] =	vst v19  }
0x2fe: {  	v19 =	vld.idx.msk [tilespmem:v20+s29+$0x0], $0xffff  }
0x2ff: {  	v20 =	vadd.s32 v17, v18;
	_ =	sdelay $0x3  }
0x300: {  	[tilespmem:s2+$0xC128] =	vst v19  }
0x301: {  	v18 =	vadd.s32 $0x10, v18;
	v19 =	vld.idx.msk [tilespmem:v20+s29+$0x0], $0xffff  }
0x302: {  	s3 =	simm.s32 $0x800;
	s4 =	simm.s32 $0x1000;
	v20 =	vadd.s32 v1, v18  }
.LBB2_12:
0x303: {  	p0 =	sne.s32 s4, $0x1E800;
	_ =	sdelay $0x2  }
0x304: {  	[tilespmem:s2+$0xC148] =	vst v19  }
0x305: {  	v19 =	vld.idx.msk [tilespmem:v20+s29+$0x0], $0xffff;
	_ =	sdelay $0x1  }
0x306: {  	v20 =	vadd.s32 v3, v18;
	_ =	sdelay $0x2  }
0x307: {  	s2 =	sshra.s32 s3, $0x2;
	s3 =	smov.u32 s4  }
0x308: {  	[tilespmem:s2+$0xBF68] =	vst v19  }
0x309: {  	v19 =	vld.idx.msk [tilespmem:v20+s29+$0x0], $0xffff;
	_ =	sdelay $0x1  }
0x30a: {  	v20 =	vadd.s32 v4, v18;
	_ =	sdelay $0x3  }
0x30b: {  	[tilespmem:s2+$0xBF88] =	vst v19  }
0x30c: {  	v19 =	vld.idx.msk [tilespmem:v20+s29+$0x0], $0xffff;
	_ =	sdelay $0x1  }
0x30d: {  	v20 =	vadd.s32 v5, v18;
	_ =	sdelay $0x3  }
0x30e: {  	[tilespmem:s2+$0xBFA8] =	vst v19  }
0x30f: {  	v19 =	vld.idx.msk [tilespmem:v20+s29+$0x0], $0xffff;
	_ =	sdelay $0x1  }
0x310: {  	v20 =	vadd.s32 v6, v18;
	_ =	sdelay $0x3  }
0x311: {  	[tilespmem:s2+$0xBFC8] =	vst v19  }
0x312: {  	v19 =	vld.idx.msk [tilespmem:v20+s29+$0x0], $0xffff;
	_ =	sdelay $0x1  }
0x313: {  	v20 =	vadd.s32 v7, v18;
	_ =	sdelay $0x3  }
0x314: {  	[tilespmem:s2+$0xBFE8] =	vst v19  }
0x315: {  	v19 =	vld.idx.msk [tilespmem:v20+s29+$0x0], $0xffff;
	_ =	sdelay $0x1  }
0x316: {  	v20 =	vadd.s32 v8, v18;
	_ =	sdelay $0x3  }
0x317: {  	[tilespmem:s2+$0xC008] =	vst v19  }
0x318: {  	v19 =	vld.idx.msk [tilespmem:v20+s29+$0x0], $0xffff;
	_ =	sdelay $0x1  }
0x319: {  	v20 =	vadd.s32 v9, v18;
	_ =	sdelay $0x3  }
0x31a: {  	[tilespmem:s2+$0xC028] =	vst v19  }
0x31b: {  	v19 =	vld.idx.msk [tilespmem:v20+s29+$0x0], $0xffff;
	_ =	sdelay $0x1  }
0x31c: {  	v20 =	vadd.s32 v10, v18;
	_ =	sdelay $0x3  }
0x31d: {  	[tilespmem:s2+$0xC048] =	vst v19  }
0x31e: {  	v19 =	vld.idx.msk [tilespmem:v20+s29+$0x0], $0xffff;
	_ =	sdelay $0x1  }
0x31f: {  	v20 =	vadd.s32 v11, v18;
	_ =	sdelay $0x3  }
0x320: {  	[tilespmem:s2+$0xC068] =	vst v19  }
0x321: {  	v19 =	vld.idx.msk [tilespmem:v20+s29+$0x0], $0xffff;
	_ =	sdelay $0x1  }
0x322: {  	v20 =	vadd.s32 v12, v18;
	_ =	sdelay $0x3  }
0x323: {  	[tilespmem:s2+$0xC088] =	vst v19  }
0x324: {  	v19 =	vld.idx.msk [tilespmem:v20+s29+$0x0], $0xffff;
	_ =	sdelay $0x1  }
0x325: {  	v20 =	vadd.s32 v13, v18;
	_ =	sdelay $0x3  }
0x326: {  	[tilespmem:s2+$0xC0A8] =	vst v19  }
0x327: {  	v19 =	vld.idx.msk [tilespmem:v20+s29+$0x0], $0xffff;
	_ =	sdelay $0x1  }
0x328: {  	v20 =	vadd.s32 v14, v18;
	_ =	sdelay $0x3  }
0x329: {  	[tilespmem:s2+$0xC0C8] =	vst v19  }
0x32a: {  	v19 =	vld.idx.msk [tilespmem:v20+s29+$0x0], $0xffff;
	_ =	sdelay $0x1  }
0x32b: {  	v20 =	vadd.s32 v15, v18;
	_ =	sdelay $0x3  }
0x32c: {  	[tilespmem:s2+$0xC0E8] =	vst v19  }
0x32d: {  	v19 =	vld.idx.msk [tilespmem:v20+s29+$0x0], $0xffff;
	_ =	sdelay $0x1  }
0x32e: {  	v20 =	vadd.s32 v16, v18;
	_ =	sdelay $0x3  }
0x32f: {  	[tilespmem:s2+$0xC108] =	vst v19  }
0x330: {  	v19 =	vld.idx.msk [tilespmem:v20+s29+$0x0], $0xffff;
	_ =	sdelay $0x1  }
0x331: {  	v20 =	vadd.s32 v17, v18;
	_ =	sdelay $0x2  }
.Ltmp5:
0x332: {  	(pc) =	sbr.rel @p0 .LBB2_12-.Ltmp5, $4  }
0x333: {  	[tilespmem:s2+$0xC128] =	vst v19  }
0x334: {  	v19 =	vld.idx.msk [tilespmem:v20+s29+$0x0], $0xffff  }
0x335: {  	v18 =	vadd.s32 $0x10, v18  }
0x336: {  	s4 =	sadd.s32 $0x800, s4;
	v20 =	vadd.s32 v1, v18  }
0x337: {  	_ =	sdelay $0x2  }
0x338: {  	[tilespmem:s2+$0xC148] =	vst v19  }
0x339: {  	v19 =	vld.idx.msk [tilespmem:v20+s29+$0x0], $0xffff  }
0x33a: {  	v50 =	vadd.s32 v3, v18;
	_ =	sdelay $0x2  }
0x33b: {  	s3 =	sshra.s32 s3, $0x2  }
0x33c: {  	[tilespmem:s3+$0xBF68] =	vst v19  }
0x33d: {  	v19 =	vld.idx.msk [tilespmem:v50+s29+$0x0], $0xffff  }
0x33e: {  	v51 =	vadd.s32 v4, v18;
	_ =	sdelay $0x3  }
0x33f: {  	[tilespmem:s3+$0xBF88] =	vst v19  }
0x340: {  	v19 =	vld.idx.msk [tilespmem:v51+s29+$0x0], $0xffff  }
0x341: {  	v52 =	vadd.s32 v5, v18;
	_ =	sdelay $0x3  }
0x342: {  	[tilespmem:s3+$0xBFA8] =	vst v19  }
0x343: {  	v19 =	vld.idx.msk [tilespmem:v52+s29+$0x0], $0xffff  }
0x344: {  	v53 =	vadd.s32 v6, v18;
	_ =	sdelay $0x3  }
0x345: {  	[tilespmem:s3+$0xBFC8] =	vst v19  }
0x346: {  	v19 =	vld.idx.msk [tilespmem:v53+s29+$0x0], $0xffff  }
0x347: {  	v54 =	vadd.s32 v7, v18;
	_ =	sdelay $0x3  }
0x348: {  	[tilespmem:s3+$0xBFE8] =	vst v19  }
0x349: {  	v19 =	vld.idx.msk [tilespmem:v54+s29+$0x0], $0xffff  }
0x34a: {  	v55 =	vadd.s32 v8, v18;
	_ =	sdelay $0x3  }
0x34b: {  	[tilespmem:s3+$0xC008] =	vst v19  }
0x34c: {  	v19 =	vld.idx.msk [tilespmem:v55+s29+$0x0], $0xffff  }
0x34d: {  	v56 =	vadd.s32 v9, v18;
	_ =	sdelay $0x3  }
0x34e: {  	[tilespmem:s3+$0xC028] =	vst v19  }
0x34f: {  	v19 =	vld.idx.msk [tilespmem:v56+s29+$0x0], $0xffff  }
0x350: {  	v57 =	vadd.s32 v10, v18;
	_ =	sdelay $0x3  }
0x351: {  	[tilespmem:s3+$0xC048] =	vst v19  }
0x352: {  	v19 =	vld.idx.msk [tilespmem:v57+s29+$0x0], $0xffff  }
0x353: {  	v58 =	vadd.s32 v11, v18;
	_ =	sdelay $0x3  }
0x354: {  	[tilespmem:s3+$0xC068] =	vst v19  }
0x355: {  	v19 =	vld.idx.msk [tilespmem:v58+s29+$0x0], $0xffff  }
0x356: {  	v59 =	vadd.s32 v12, v18;
	_ =	sdelay $0x3  }
0x357: {  	[tilespmem:s3+$0xC088] =	vst v19  }
0x358: {  	v19 =	vld.idx.msk [tilespmem:v59+s29+$0x0], $0xffff  }
0x359: {  	v60 =	vadd.s32 v13, v18;
	_ =	sdelay $0x3  }
0x35a: {  	[tilespmem:s3+$0xC0A8] =	vst v19  }
0x35b: {  	v19 =	vld.idx.msk [tilespmem:v60+s29+$0x0], $0xffff  }
0x35c: {  	v61 =	vadd.s32 v14, v18;
	_ =	sdelay $0x3  }
0x35d: {  	[tilespmem:s3+$0xC0C8] =	vst v19  }
0x35e: {  	v19 =	vld.idx.msk [tilespmem:v61+s29+$0x0], $0xffff  }
0x35f: {  	v62 =	vadd.s32 v15, v18;
	_ =	sdelay $0x3  }
0x360: {  	[tilespmem:s3+$0xC0E8] =	vst v19  }
0x361: {  	v19 =	vld.idx.msk [tilespmem:v62+s29+$0x0], $0xffff  }
0x362: {  	v63 =	vadd.s32 v16, v18;
	_ =	sdelay $0x3  }
0x363: {  	[tilespmem:s3+$0xC108] =	vst v19  }
0x364: {  	v19 =	vld.idx.msk [tilespmem:v63+s29+$0x0], $0xffff  }
0x365: {  	v18 =	vadd.s32 v17, v18;
	_ =	sdelay $0x3  }
0x366: {  	[tilespmem:s3+$0xC128] =	vst v19  }
0x367: {  	v18 =	vld.idx.msk [tilespmem:v18+s29+$0x0], $0xffff;
	_ =	sdelay $0x4  }
0x368: {  	s4 =	simm.s32 $0x0;
	[tilespmem:s3+$0xC148] =	vst v18  }
0x369: {  	[hbm4b:s22+s4] =	stream.linear.scatter [tilespmem:s30], [sflag:$0x2], $0x7D00, $0x38;
	[tilespmem:$0x13C68] =	vst v63  }
0x36a: {  	_ =	swait.ge [sflag:s25], $0x7D00  }
0x36b: {  	[sflag:s25] =	ssyncset.done $0x0  }
0x36c: {  	[sflag:s25] =	ssyncadd.s32 $0xFFFF8300  }
0x36d: {  	s0 =	sadd.s32 $0x1, s0;
	_ =	swait.ge [sflag:s31], $0x7D00  }
0x36e: {  	p0 =	sne.s32 s0, s24;
	[sflag:s31] =	ssyncset.done $0x0  }
.Ltmp6:
0x36f: {  	[sflag:s31] =	ssyncadd.s32 $0xFFFF8300;
	(pc) =	sbr.rel @p0 .LBB2_1-.Ltmp6, $4  }
0x370: {  	[hbm4b:s23+s4] =	stream.linear.scatter [tilespmem:s26], [sflag:$0x2], $0x7D00, $0x38;
	[tilespmem:$0x13C68] =	vst v63  }
0x371: {  	_ =	swait.ge [sflag:s25], $0x7D00  }
0x372: {  	[sflag:s25] =	ssyncset.done $0x0  }
0x373: {  	[sflag:s25] =	ssyncadd.s32 $0xFFFF8300  }
0x374: {  	_ =	sfence.sel $0x180000  }
0x375: {  	[bflag:$0x0] =	sbarrier.arrive $0xFFFF  }
0x376: {  	_ =	strace $0x90000047  }
0x377: {  	s0 =	stileid.u32;
	[bflag:$0x2] =	sbarrier.arrive $0xFFFF  }
0x378: {  	p0 =	sne.s32 s0, $0x0;
	s0 =	rddreg [dreg:$0x2]  }
0x379: {  	s0 =	sadd.s32 @!p0 $0x100000, s0  }
0x37a: {  	[sflag:s0] =	ssyncadd.tile.s32 @!p0 $0x1;
	_ =	shalt  }
.Lfunc_end2:
_tile_overlayer_lowered:
.L_overlay_start_2:
0x37b: {  	(tag) =	ssettag $0x2  }
0x37c: {  	s0 =	rddreg [dreg:$0x0];
	s2 =	stileid.u32  }
0x37d: {  	s1 =	rddreg [dreg:$0x1];
	p0 =	sne.s32 s2, $0x0  }
0x37e: {  	s3 =	rddreg [dreg:$0x2];
	[bflag:$0x3] =	sbarrier.arrive $0xFFFF;
	s2 =	simm.s32 @!p0 $0x1C02  }
0x37f: {  	[timem:s3], [sflag:s2] =	dma.local @!p0 [hbm:s0], s1  }
0x380: {  	s0 =	simm.s32 @!p0 $0x2  }
0x381: {  	_ =	swait.ge @!p0 [sflag:s0], s1  }
0x382: {  	s1 =	ssub.s32 @!p0 $0x0, s1;
	[sflag:s0] =	ssyncset.done @!p0 $0x0  }
0x383: {  	[sflag:s0] =	ssyncadd.s32 @!p0 s1  }
0x384: {  	[bflag:$0x3] =	sbarrier.arrive $0xFFFF  }
0x385: {  	_ =	shalt  }

</sc_bundles>
